<compile_context>
chip_gen: v7x
topology: tpu7x:2x2x1
jax: 0.10.2.dev20260603
libtpu: 0.0.44.dev20260713+nightly
codegen_flags: <defaults>
</compile_context>

<pallas_src>
import functools

import jax
import jax.numpy as jnp
from jax import lax
from jax.experimental import pallas as pl
from jax.experimental.pallas import tpu as pltpu
from jax.experimental.pallas import tpu_sc as plsc

NUM_EMB = 100000
DIM = 4
PDIM = 2 * DIM
ROWS_W = 16
NW = 32
L = 16
HALF = 1600


def _emb_kernel(b: int, s: int):
    rows_per_w = b // NW
    n_wnd = rows_per_w // ROWS_W
    assert n_wnd % 2 == 0
    W = ROWS_W * s
    assert W % HALF == 0
    stage_rows = (NUM_EMB // 16) // 8 * 8
    tail_rows = NUM_EMB - 16 * stage_rows

    mesh = plsc.VectorSubcoreMesh(core_axis_name="c", subcore_axis_name="s")

    @functools.partial(
        pl.kernel,
        mesh=mesh,
        out_type=jax.ShapeDtypeStruct((b, s * DIM), jnp.float32),
        scratch_types=[
            pltpu.VMEM_SHARED((NUM_EMB, PDIM), jnp.float32),
            pltpu.VMEM((ROWS_W, s), jnp.int32),
            pltpu.VMEM((ROWS_W, s), jnp.int32),
            pltpu.VMEM((W,), jnp.int32),
            pltpu.VMEM((W,), jnp.int32),
            pltpu.VMEM((W, PDIM), jnp.float32),
            pltpu.VMEM((W, PDIM), jnp.float32),
            pltpu.VMEM((ROWS_W, s * DIM), jnp.float32),
            pltpu.SemaphoreType.DMA,
            pltpu.SemaphoreType.DMA,
            pltpu.SemaphoreType.DMA,
            pltpu.SemaphoreType.DMA,
        ],
        compiler_params=pltpu.CompilerParams(
            use_tc_tiling_on_sc=False, needs_layout_passes=False),
    )
    def k(ids_hbm, table_hbm, out_hbm, table_sh,
          idx0, idx1, pidx0, pidx1, wide0, wide1, nar,
          isem0, isem1, gsem0, gsem1):
        cid = lax.axis_index("c")
        sid = lax.axis_index("s")
        nc = lax.axis_size("c")
        wid = sid * nc + cid
        row0 = wid * rows_per_w

        r0 = sid * stage_rows
        pltpu.sync_copy(
            table_hbm.at[pl.ds(r0, stage_rows)],
            table_sh.at[pl.ds(r0, stage_rows)],
        )

        @pl.when(sid == 15)
        def _():
            t0 = 16 * stage_rows
            pltpu.sync_copy(
                table_hbm.at[pl.ds(t0, tail_rows)],
                table_sh.at[pl.ds(t0, tail_rows)],
            )

        plsc.subcore_barrier()

        idxb = (idx0, idx1)
        pidxb = (pidx0, pidx1)
        wideb = (wide0, wide1)
        isems = (isem0, isem1)
        gsems = (gsem0, gsem1)

        lane = lax.iota(jnp.int32, L)
        rowp = lax.shift_right_logical(lane, 2)
        colp = lax.bitwise_and(lane, 3)

        def fire_gathers(buf):
            for h in range(W // HALF):
                pltpu.async_copy(
                    table_sh.at[pidxb[buf].at[pl.ds(h * HALF, HALF)]],
                    wideb[buf].at[pl.ds(h * HALF, HALF)],
                    gsems[buf])

        def drain_gathers(buf):
            for h in range(W // HALF):
                pltpu.make_async_copy(
                    table_sh.at[pidxb[buf].at[pl.ds(h * HALF, HALF)]],
                    wideb[buf].at[pl.ds(h * HALF, HALF)],
                    gsems[buf]).wait()

        def split_pass(buf):
            def sp(q, carry):
                for u in range(4):
                    t = 4 * q + u
                    p = L * t + lane
                    rows = lax.div(p, s)
                    cols = p - s * rows
                    v = plsc.load_gather(idxb[buf], [rows, cols])
                    pidxb[buf][pl.ds(L * t, L)] = v
                return carry
            lax.fori_loop(0, W // (L * 4), sp, 0)

        vregs_row = s * DIM // L

        def compact_pass(buf, wnd):
            def cp_r(r, carry):
                def cp(q, carry2):
                    for u in range(2):
                        j = 2 * q + u
                        v = r * vregs_row + j
                        rows = rowp + 4 * v
                        g = plsc.load_gather(wideb[buf], [rows, colp])
                        nar[r, pl.ds(L * j, L)] = g
                    return carry2
                lax.fori_loop(0, vregs_row // 2, cp, 0)
                return carry
            lax.fori_loop(0, ROWS_W, cp_r, 0)
            pltpu.sync_copy(
                nar,
                out_hbm.at[pl.ds(row0 + wnd * ROWS_W, ROWS_W)])

        pltpu.sync_copy(ids_hbm.at[pl.ds(row0, ROWS_W)], idx0)
        split_pass(0)
        fire_gathers(0)
        pltpu.async_copy(
            ids_hbm.at[pl.ds(row0 + ROWS_W, ROWS_W)], idx1, isem1)

        def body(it, carry):
            for kk in (0, 1):
                wnd = 2 * it + kk
                buf = kk
                nbuf = 1 - kk

                @pl.when(wnd + 1 < n_wnd)
                def _():
                    pltpu.make_async_copy(
                        ids_hbm.at[pl.ds(row0 + (wnd + 1) * ROWS_W, ROWS_W)],
                        idxb[nbuf], isems[nbuf]).wait()
                    split_pass(nbuf)
                    fire_gathers(nbuf)

                @pl.when(wnd + 2 < n_wnd)
                def _():
                    pltpu.async_copy(
                        ids_hbm.at[pl.ds(row0 + (wnd + 2) * ROWS_W, ROWS_W)],
                        idxb[buf], isems[buf])

                drain_gathers(buf)
                compact_pass(buf, wnd)
            return carry

        lax.fori_loop(0, n_wnd // 2, body, 0)

    return k


def kernel(src_input_ids, src_attention_mask, emb_table):
    del src_attention_mask
    b, s = src_input_ids.shape
    assert b % (NW * ROWS_W) == 0
    ids = src_input_ids.astype(jnp.int32)
    table_dup = jnp.concatenate([emb_table, emb_table], axis=1)
    out = _emb_kernel(b, s)(ids, table_dup)
    return out.reshape(b, s, DIM)

# --- scband reference (transcript-rebuilt; emitter-appended) ---
"""Pipeline reference for scband-lstmencoder-44470091382798 (READ-ONLY COPY).

The authoritative reference and input builder live on the scoring server;
editing this copy changes nothing except your own understanding.
"""

import jax, jax.numpy as jnp
import numpy as np

NUM_EMBEDDINGS = 100000
EMB_DIM = 4
PAD_IDX = 0
BATCH = 16384
SEQ = 200


def setup_inputs(seed: int = 0) -> dict:
    key = jax.random.key(seed)
    k1, k2 = jax.random.split(key)
    src_input_ids = jax.random.randint(k1, (BATCH, SEQ), 0, NUM_EMBEDDINGS)
    src_attention_mask = jnp.ones((BATCH, SEQ), dtype=jnp.bool_)
    emb_table = jax.random.normal(k2, (NUM_EMBEDDINGS, EMB_DIM), dtype=jnp.float32)
    # nn.Embedding with padding_idx initializes the pad row to zeros
    emb_table = emb_table.at[PAD_IDX].set(0.0)
    return {
        "src_input_ids": src_input_ids,
        "src_attention_mask": src_attention_mask,
        "emb_table": emb_table,
    }


def reference(src_input_ids, src_attention_mask, emb_table):
    # forward: src_sent_enc = self.emb(src_input_ids); attention_mask is unused
    src_sent_enc = jnp.take(emb_table, src_input_ids, axis=0)
    return src_sent_enc

if __name__ == "__main__":
    import jax
    _d = setup_inputs()
    print(jax.jit(kernel)(*tuple(_d.values())))

</pallas_src>

<mosaic_0001>
#map = affine_map<(d0, d1) -> (0, 0)>
module attributes {stable_mosaic.version = 14 : i64} {
  func.func @k(%arg0: i32, %arg1: i32, %arg2: memref<16384x200xi32, #tpu.memory_space<hbm>>, %arg3: memref<100000x8xf32, #tpu.memory_space<hbm>>, %arg4: memref<16384x800xf32, #tpu.memory_space<hbm>>, %arg5: memref<100000x8xf32, #tpu.memory_space<vmem_shared>>, %arg6: memref<16x200xi32, #tpu.memory_space<vmem>>, %arg7: memref<16x200xi32, #tpu.memory_space<vmem>>, %arg8: memref<3200xi32, #tpu.memory_space<vmem>>, %arg9: memref<3200xi32, #tpu.memory_space<vmem>>, %arg10: memref<3200x8xf32, #tpu.memory_space<vmem>>, %arg11: memref<3200x8xf32, #tpu.memory_space<vmem>>, %arg12: memref<16x800xf32, #tpu.memory_space<vmem>>, %arg13: memref<!tpu.dma_semaphore, #tpu.memory_space<semaphore_mem>>, %arg14: memref<!tpu.dma_semaphore, #tpu.memory_space<semaphore_mem>>, %arg15: memref<!tpu.dma_semaphore, #tpu.memory_space<semaphore_mem>>, %arg16: memref<!tpu.dma_semaphore, #tpu.memory_space<semaphore_mem>>) attributes {dimension_semantics = [#tpu.dimension_semantics<core_parallel>, #tpu.dimension_semantics<subcore_parallel>], iteration_bounds = array<i64: 2, 16>, scalar_prefetch = 0 : i64, scratch_operands = 12 : i64, tpu.core_type = #tpu.core_type<sc_vector_subcore>, window_params = [{transform_indices = #map}, {transform_indices = #map}, {transform_indices = #map}]} {
    %mul3A = arith.constant 2 : i32
    %mul3A_0 = arith.muli %arg1, %mul3A : i32
    %add3A = arith.addi %mul3A_0, %arg0 : i32
    %mul3A_1 = arith.constant 512 : i32
    %mul3A_2 = arith.muli %add3A, %mul3A_1 : i32
    %mul3A_3 = arith.constant 6248 : i32
    %mul3A_4 = arith.muli %arg1, %mul3A_3 : i32
    "tpu.region"() ({
      %run_scoped3A = tpu.sem_alloc : memref<!tpu.dma_semaphore, #tpu.memory_space<semaphore_mem>>
      %dma_start3A_43 = arith.constant 0 : i32
      %dma_start3A_44 = tpu.memref_slice %arg5[%mul3A_4, %dma_start3A_43] : memref<100000x8xf32, #tpu.memory_space<vmem_shared>> -> memref<6248x8xf32, #tpu.memory_space<vmem_shared>>
      %dma_start3A_45 = arith.constant 0 : i32
      %dma_start3A_46 = tpu.memref_slice %arg3[%mul3A_4, %dma_start3A_45] : memref<100000x8xf32, #tpu.memory_space<hbm>> -> memref<6248x8xf32, #tpu.memory_space<hbm>>
      tpu.enqueue_dma source(%dma_start3A_46 : memref<6248x8xf32, #tpu.memory_space<hbm>>) target(%dma_start3A_44 : memref<6248x8xf32, #tpu.memory_space<vmem_shared>>) target_semaphore(%run_scoped3A : memref<!tpu.dma_semaphore, #tpu.memory_space<semaphore_mem>>)
      %dma_wait3A = arith.constant 0 : i32
      %dma_wait3A_47 = tpu.memref_slice %arg5[%mul3A_4, %dma_wait3A] : memref<100000x8xf32, #tpu.memory_space<vmem_shared>> -> memref<6248x8xf32, #tpu.memory_space<vmem_shared>>
      %dma_wait3A_48 = arith.constant 0 : i32
      %dma_wait3A_49 = tpu.memref_slice %arg3[%mul3A_4, %dma_wait3A_48] : memref<100000x8xf32, #tpu.memory_space<hbm>> -> memref<6248x8xf32, #tpu.memory_space<hbm>>
      tpu.wait_dma2 semaphore(%run_scoped3A : memref<!tpu.dma_semaphore, #tpu.memory_space<semaphore_mem>>) src(%dma_wait3A_49 : memref<6248x8xf32, #tpu.memory_space<hbm>>) dst(%dma_wait3A_47 : memref<6248x8xf32, #tpu.memory_space<vmem_shared>>)
      tpu.yield
    }) : () -> ()
    %eq3A = arith.constant 15 : i32
    %eq3A_5 = arith.cmpi eq, %arg1, %eq3A : i32
    %convert_element_type3A = arith.extui %eq3A_5 : i1 to i32
    %cond3A = arith.constant 0 : i32
    %cond3A_6 = arith.cmpi ne, %convert_element_type3A, %cond3A : i32
    scf.if %cond3A_6 {
      "tpu.region"() ({
        %run_scoped3A = tpu.sem_alloc : memref<!tpu.dma_semaphore, #tpu.memory_space<semaphore_mem>>
        %dma_start3A_43 = arith.constant 99968 : i32
        %dma_start3A_44 = arith.constant 0 : i32
        %dma_start3A_45 = tpu.memref_slice %arg5[%dma_start3A_43, %dma_start3A_44] : memref<100000x8xf32, #tpu.memory_space<vmem_shared>> -> memref<32x8xf32, #tpu.memory_space<vmem_shared>>
        %dma_start3A_46 = arith.constant 99968 : i32
        %dma_start3A_47 = arith.constant 0 : i32
        %dma_start3A_48 = tpu.memref_slice %arg3[%dma_start3A_46, %dma_start3A_47] : memref<100000x8xf32, #tpu.memory_space<hbm>> -> memref<32x8xf32, #tpu.memory_space<hbm>>
        tpu.enqueue_dma source(%dma_start3A_48 : memref<32x8xf32, #tpu.memory_space<hbm>>) target(%dma_start3A_45 : memref<32x8xf32, #tpu.memory_space<vmem_shared>>) target_semaphore(%run_scoped3A : memref<!tpu.dma_semaphore, #tpu.memory_space<semaphore_mem>>)
        %dma_wait3A = arith.constant 99968 : i32
        %dma_wait3A_49 = arith.constant 0 : i32
        %dma_wait3A_50 = tpu.memref_slice %arg5[%dma_wait3A, %dma_wait3A_49] : memref<100000x8xf32, #tpu.memory_space<vmem_shared>> -> memref<32x8xf32, #tpu.memory_space<vmem_shared>>
        %dma_wait3A_51 = arith.constant 99968 : i32
        %dma_wait3A_52 = arith.constant 0 : i32
        %dma_wait3A_53 = tpu.memref_slice %arg3[%dma_wait3A_51, %dma_wait3A_52] : memref<100000x8xf32, #tpu.memory_space<hbm>> -> memref<32x8xf32, #tpu.memory_space<hbm>>
        tpu.wait_dma2 semaphore(%run_scoped3A : memref<!tpu.dma_semaphore, #tpu.memory_space<semaphore_mem>>) src(%dma_wait3A_53 : memref<32x8xf32, #tpu.memory_space<hbm>>) dst(%dma_wait3A_50 : memref<32x8xf32, #tpu.memory_space<vmem_shared>>)
        tpu.yield
      }) : () -> ()
    } else {
    }
    %barrier3A = arith.constant 0 : index
    tpu.barrier barrier_id(%barrier3A)
    %iota3A = tpu.iota {dimensions = array<i32: 0>} : vector<16xi32>
    %shift_right_logical3A = arith.constant 2 : i32
    %shift_right_logical3A_7 = vector.broadcast %shift_right_logical3A : i32 to vector<16xi32>
    %shift_right_logical3A_8 = arith.shrui %iota3A, %shift_right_logical3A_7 : vector<16xi32>
    %and3A = arith.constant 3 : i32
    %and3A_9 = vector.broadcast %and3A : i32 to vector<16xi32>
    %and3A_10 = arith.andi %iota3A, %and3A_9 : vector<16xi32>
    "tpu.region"() ({
      %run_scoped3A = tpu.sem_alloc : memref<!tpu.dma_semaphore, #tpu.memory_space<semaphore_mem>>
      %dma_start3A_43 = arith.constant 0 : i32
      %dma_start3A_44 = tpu.memref_slice %arg2[%mul3A_2, %dma_start3A_43] : memref<16384x200xi32, #tpu.memory_space<hbm>> -> memref<16x200xi32, #tpu.memory_space<hbm>>
      %dma_start3A_45 = arith.constant 0 : i32
      %dma_start3A_46 = tpu.memref_slice %arg2[%mul3A_2, %dma_start3A_45] : memref<16384x200xi32, #tpu.memory_space<hbm>> -> memref<16x200xi32, #tpu.memory_space<hbm>>
      tpu.enqueue_dma source(%dma_start3A_46 : memref<16x200xi32, #tpu.memory_space<hbm>>) target(%arg6 : memref<16x200xi32, #tpu.memory_space<vmem>>) target_semaphore(%run_scoped3A : memref<!tpu.dma_semaphore, #tpu.memory_space<semaphore_mem>>)
      %dma_wait3A = arith.constant 0 : i32
      %dma_wait3A_47 = tpu.memref_slice %arg2[%mul3A_2, %dma_wait3A] : memref<16384x200xi32, #tpu.memory_space<hbm>> -> memref<16x200xi32, #tpu.memory_space<hbm>>
      %dma_wait3A_48 = arith.constant 0 : i32
      %dma_wait3A_49 = tpu.memref_slice %arg2[%mul3A_2, %dma_wait3A_48] : memref<16384x200xi32, #tpu.memory_space<hbm>> -> memref<16x200xi32, #tpu.memory_space<hbm>>
      tpu.wait_dma2 semaphore(%run_scoped3A : memref<!tpu.dma_semaphore, #tpu.memory_space<semaphore_mem>>) src(%dma_wait3A_49 : memref<16x200xi32, #tpu.memory_space<hbm>>) dst(%arg6 : memref<16x200xi32, #tpu.memory_space<vmem>>)
      tpu.yield
    }) : () -> ()
    %scan3A = arith.constant 0 : i32
    %scan3A_11 = arith.constant 0 : i32
    %scan3A_12 = arith.constant 50 : i32
    %scan3A_13 = arith.addi %scan3A_11, %scan3A_12 : i32
    %scan3A_14 = arith.constant 1 : i32
    scf.for %scan3A_43 = %scan3A_11 to %scan3A_13 step %scan3A_14  : i32 {
      %mul3A_44 = arith.constant 4 : i32
      %mul3A_45 = arith.muli %mul3A_44, %scan3A_43 : i32
      %add3A_46 = arith.constant 0 : i32
      %add3A_47 = arith.addi %mul3A_45, %add3A_46 : i32
      %mul3A_48 = arith.constant 16 : i32
      %mul3A_49 = arith.muli %mul3A_48, %add3A_47 : i32
      %add3A_50 = vector.broadcast %mul3A_49 : i32 to vector<16xi32>
      %add3A_51 = arith.addi %add3A_50, %iota3A : vector<16xi32>
      %div3A = arith.constant 200 : i32
      %div3A_52 = vector.broadcast %div3A : i32 to vector<16xi32>
      %div3A_53 = arith.divsi %add3A_51, %div3A_52 : vector<16xi32>
      %mul3A_54 = arith.constant 200 : i32
      %mul3A_55 = vector.broadcast %mul3A_54 : i32 to vector<16xi32>
      %mul3A_56 = arith.muli %mul3A_55, %div3A_53 : vector<16xi32>
      %sub3A = arith.subi %add3A_51, %mul3A_56 : vector<16xi32>
      %gather3A = tpu.vector_load_idx %arg6[%div3A_53, %sub3A] : memref<16x200xi32, #tpu.memory_space<vmem>>[vector<16xi32>, vector<16xi32>], vector<16xi32>,
      %mul3A_57 = arith.constant 16 : i32
      %mul3A_58 = arith.muli %mul3A_57, %add3A_47 : i32
      %swap3A = arith.index_cast %mul3A_58 : i32 to index
      %swap3A_59 = tpu.vector_load %arg8[%swap3A] {strides = array<i32>} : memref<3200xi32, #tpu.memory_space<vmem>>, vector<16xi32>,
      tpu.vector_store %arg8[%swap3A], %gather3A {strides = array<i32>} : memref<3200xi32, #tpu.memory_space<vmem>>, vector<16xi32>,
      %mul3A_60 = arith.constant 4 : i32
      %mul3A_61 = arith.muli %mul3A_60, %scan3A_43 : i32
      %add3A_62 = arith.constant 1 : i32
      %add3A_63 = arith.addi %mul3A_61, %add3A_62 : i32
      %mul3A_64 = arith.constant 16 : i32
      %mul3A_65 = arith.muli %mul3A_64, %add3A_63 : i32
      %add3A_66 = vector.broadcast %mul3A_65 : i32 to vector<16xi32>
      %add3A_67 = arith.addi %add3A_66, %iota3A : vector<16xi32>
      %div3A_68 = arith.constant 200 : i32
      %div3A_69 = vector.broadcast %div3A_68 : i32 to vector<16xi32>
      %div3A_70 = arith.divsi %add3A_67, %div3A_69 : vector<16xi32>
      %mul3A_71 = arith.constant 200 : i32
      %mul3A_72 = vector.broadcast %mul3A_71 : i32 to vector<16xi32>
      %mul3A_73 = arith.muli %mul3A_72, %div3A_70 : vector<16xi32>
      %sub3A_74 = arith.subi %add3A_67, %mul3A_73 : vector<16xi32>
      %gather3A_75 = tpu.vector_load_idx %arg6[%div3A_70, %sub3A_74] : memref<16x200xi32, #tpu.memory_space<vmem>>[vector<16xi32>, vector<16xi32>], vector<16xi32>,
      %mul3A_76 = arith.constant 16 : i32
      %mul3A_77 = arith.muli %mul3A_76, %add3A_63 : i32
      %swap3A_78 = arith.index_cast %mul3A_77 : i32 to index
      %swap3A_79 = tpu.vector_load %arg8[%swap3A_78] {strides = array<i32>} : memref<3200xi32, #tpu.memory_space<vmem>>, vector<16xi32>,
      tpu.vector_store %arg8[%swap3A_78], %gather3A_75 {strides = array<i32>} : memref<3200xi32, #tpu.memory_space<vmem>>, vector<16xi32>,
      %mul3A_80 = arith.constant 4 : i32
      %mul3A_81 = arith.muli %mul3A_80, %scan3A_43 : i32
      %add3A_82 = arith.constant 2 : i32
      %add3A_83 = arith.addi %mul3A_81, %add3A_82 : i32
      %mul3A_84 = arith.constant 16 : i32
      %mul3A_85 = arith.muli %mul3A_84, %add3A_83 : i32
      %add3A_86 = vector.broadcast %mul3A_85 : i32 to vector<16xi32>
      %add3A_87 = arith.addi %add3A_86, %iota3A : vector<16xi32>
      %div3A_88 = arith.constant 200 : i32
      %div3A_89 = vector.broadcast %div3A_88 : i32 to vector<16xi32>
      %div3A_90 = arith.divsi %add3A_87, %div3A_89 : vector<16xi32>
      %mul3A_91 = arith.constant 200 : i32
      %mul3A_92 = vector.broadcast %mul3A_91 : i32 to vector<16xi32>
      %mul3A_93 = arith.muli %mul3A_92, %div3A_90 : vector<16xi32>
      %sub3A_94 = arith.subi %add3A_87, %mul3A_93 : vector<16xi32>
      %gather3A_95 = tpu.vector_load_idx %arg6[%div3A_90, %sub3A_94] : memref<16x200xi32, #tpu.memory_space<vmem>>[vector<16xi32>, vector<16xi32>], vector<16xi32>,
      %mul3A_96 = arith.constant 16 : i32
      %mul3A_97 = arith.muli %mul3A_96, %add3A_83 : i32
      %swap3A_98 = arith.index_cast %mul3A_97 : i32 to index
      %swap3A_99 = tpu.vector_load %arg8[%swap3A_98] {strides = array<i32>} : memref<3200xi32, #tpu.memory_space<vmem>>, vector<16xi32>,
      tpu.vector_store %arg8[%swap3A_98], %gather3A_95 {strides = array<i32>} : memref<3200xi32, #tpu.memory_space<vmem>>, vector<16xi32>,
      %mul3A_100 = arith.constant 4 : i32
      %mul3A_101 = arith.muli %mul3A_100, %scan3A_43 : i32
      %add3A_102 = arith.constant 3 : i32
      %add3A_103 = arith.addi %mul3A_101, %add3A_102 : i32
      %mul3A_104 = arith.constant 16 : i32
      %mul3A_105 = arith.muli %mul3A_104, %add3A_103 : i32
      %add3A_106 = vector.broadcast %mul3A_105 : i32 to vector<16xi32>
      %add3A_107 = arith.addi %add3A_106, %iota3A : vector<16xi32>
      %div3A_108 = arith.constant 200 : i32
      %div3A_109 = vector.broadcast %div3A_108 : i32 to vector<16xi32>
      %div3A_110 = arith.divsi %add3A_107, %div3A_109 : vector<16xi32>
      %mul3A_111 = arith.constant 200 : i32
      %mul3A_112 = vector.broadcast %mul3A_111 : i32 to vector<16xi32>
      %mul3A_113 = arith.muli %mul3A_112, %div3A_110 : vector<16xi32>
      %sub3A_114 = arith.subi %add3A_107, %mul3A_113 : vector<16xi32>
      %gather3A_115 = tpu.vector_load_idx %arg6[%div3A_110, %sub3A_114] : memref<16x200xi32, #tpu.memory_space<vmem>>[vector<16xi32>, vector<16xi32>], vector<16xi32>,
      %mul3A_116 = arith.constant 16 : i32
      %mul3A_117 = arith.muli %mul3A_116, %add3A_103 : i32
      %swap3A_118 = arith.index_cast %mul3A_117 : i32 to index
      %swap3A_119 = tpu.vector_load %arg8[%swap3A_118] {strides = array<i32>} : memref<3200xi32, #tpu.memory_space<vmem>>, vector<16xi32>,
      tpu.vector_store %arg8[%swap3A_118], %gather3A_115 {strides = array<i32>} : memref<3200xi32, #tpu.memory_space<vmem>>, vector<16xi32>,
    }
    %scan3A_15 = arith.constant 50 : i32
    %dma_start3A = arith.constant 0 : i32
    %dma_start3A_16 = arith.constant 0 : i32
    %dma_start3A_17 = tpu.memref_slice %arg10[%dma_start3A, %dma_start3A_16] : memref<3200x8xf32, #tpu.memory_space<vmem>> -> memref<1600x8xf32, #tpu.memory_space<vmem>>
    %dma_start3A_18 = arith.constant 0 : i32
    %dma_start3A_19 = tpu.memref_slice %arg8[%dma_start3A_18] : memref<3200xi32, #tpu.memory_space<vmem>> -> memref<1600xi32, #tpu.memory_space<vmem>>
    %dma_start3A_20 = arith.constant 0 : i32
    %dma_start3A_21 = arith.constant 0 : i32
    %dma_start3A_22 = tpu.memref_slice %arg5[%dma_start3A_20, %dma_start3A_21] : memref<100000x8xf32, #tpu.memory_space<vmem_shared>> -> memref<100000x8xf32, #tpu.memory_space<vmem_shared>>
    tpu.enqueue_indirect_dma source(%dma_start3A_22 : memref<100000x8xf32, #tpu.memory_space<vmem_shared>>) target(%dma_start3A_17 : memref<1600x8xf32, #tpu.memory_space<vmem>>) offsets(%dma_start3A_19 : memref<1600xi32, #tpu.memory_space<vmem>>) semaphore(%arg15 : memref<!tpu.dma_semaphore, #tpu.memory_space<semaphore_mem>>)
    %dma_start3A_23 = arith.constant 1600 : i32
    %dma_start3A_24 = arith.constant 0 : i32
    %dma_start3A_25 = tpu.memref_slice %arg10[%dma_start3A_23, %dma_start3A_24] : memref<3200x8xf32, #tpu.memory_space<vmem>> -> memref<1600x8xf32, #tpu.memory_space<vmem>>
    %dma_start3A_26 = arith.constant 1600 : i32
    %dma_start3A_27 = tpu.memref_slice %arg8[%dma_start3A_26] : memref<3200xi32, #tpu.memory_space<vmem>> -> memref<1600xi32, #tpu.memory_space<vmem>>
    %dma_start3A_28 = arith.constant 0 : i32
    %dma_start3A_29 = arith.constant 0 : i32
    %dma_start3A_30 = tpu.memref_slice %arg5[%dma_start3A_28, %dma_start3A_29] : memref<100000x8xf32, #tpu.memory_space<vmem_shared>> -> memref<100000x8xf32, #tpu.memory_space<vmem_shared>>
    tpu.enqueue_indirect_dma source(%dma_start3A_30 : memref<100000x8xf32, #tpu.memory_space<vmem_shared>>) target(%dma_start3A_25 : memref<1600x8xf32, #tpu.memory_space<vmem>>) offsets(%dma_start3A_27 : memref<1600xi32, #tpu.memory_space<vmem>>) semaphore(%arg15 : memref<!tpu.dma_semaphore, #tpu.memory_space<semaphore_mem>>)
    %add3A_31 = arith.constant 16 : i32
    %add3A_32 = arith.addi %mul3A_2, %add3A_31 : i32
    %dma_start3A_33 = arith.constant 0 : i32
    %dma_start3A_34 = tpu.memref_slice %arg2[%add3A_32, %dma_start3A_33] : memref<16384x200xi32, #tpu.memory_space<hbm>> -> memref<16x200xi32, #tpu.memory_space<hbm>>
    %dma_start3A_35 = arith.constant 0 : i32
    %dma_start3A_36 = tpu.memref_slice %arg2[%add3A_32, %dma_start3A_35] : memref<16384x200xi32, #tpu.memory_space<hbm>> -> memref<16x200xi32, #tpu.memory_space<hbm>>
    tpu.enqueue_dma source(%dma_start3A_36 : memref<16x200xi32, #tpu.memory_space<hbm>>) target(%arg7 : memref<16x200xi32, #tpu.memory_space<vmem>>) target_semaphore(%arg14 : memref<!tpu.dma_semaphore, #tpu.memory_space<semaphore_mem>>)
    %scan3A_37 = arith.constant 0 : i32
    %scan3A_38 = arith.constant 0 : i32
    %scan3A_39 = arith.constant 16 : i32
    %scan3A_40 = arith.addi %scan3A_38, %scan3A_39 : i32
    %scan3A_41 = arith.constant 1 : i32
    scf.for %scan3A_43 = %scan3A_38 to %scan3A_40 step %scan3A_41  : i32 {
      %mul3A_44 = arith.constant 2 : i32
      %mul3A_45 = arith.muli %mul3A_44, %scan3A_43 : i32
      %add3A_46 = arith.constant 0 : i32
      %add3A_47 = arith.addi %mul3A_45, %add3A_46 : i32
      %add3A_48 = arith.constant 1 : i32
      %add3A_49 = arith.addi %add3A_47, %add3A_48 : i32
      %lt3A = arith.constant 32 : i32
      %lt3A_50 = arith.cmpi slt, %add3A_49, %lt3A : i32
      %convert_element_type3A_51 = arith.extui %lt3A_50 : i1 to i32
      %cond3A_52 = arith.constant 0 : i32
      %cond3A_53 = arith.cmpi ne, %convert_element_type3A_51, %cond3A_52 : i32
      scf.if %cond3A_53 {
        %add3A_128 = arith.constant 1 : i32
        %add3A_129 = arith.addi %add3A_47, %add3A_128 : i32
        %mul3A_130 = arith.constant 16 : i32
        %mul3A_131 = arith.muli %add3A_129, %mul3A_130 : i32
        %add3A_132 = arith.addi %mul3A_2, %mul3A_131 : i32
        %dma_wait3A_133 = arith.constant 0 : i32
        %dma_wait3A_134 = tpu.memref_slice %arg2[%add3A_132, %dma_wait3A_133] : memref<16384x200xi32, #tpu.memory_space<hbm>> -> memref<16x200xi32, #tpu.memory_space<hbm>>
        %dma_wait3A_135 = arith.constant 0 : i32
        %dma_wait3A_136 = tpu.memref_slice %arg2[%add3A_132, %dma_wait3A_135] : memref<16384x200xi32, #tpu.memory_space<hbm>> -> memref<16x200xi32, #tpu.memory_space<hbm>>
        tpu.wait_dma2 semaphore(%arg14 : memref<!tpu.dma_semaphore, #tpu.memory_space<semaphore_mem>>) src(%dma_wait3A_136 : memref<16x200xi32, #tpu.memory_space<hbm>>) dst(%arg7 : memref<16x200xi32, #tpu.memory_space<vmem>>)
        %scan3A_137 = arith.constant 0 : i32
        %scan3A_138 = arith.constant 0 : i32
        %scan3A_139 = arith.constant 50 : i32
        %scan3A_140 = arith.addi %scan3A_138, %scan3A_139 : i32
        %scan3A_141 = arith.constant 1 : i32
        scf.for %scan3A_159 = %scan3A_138 to %scan3A_140 step %scan3A_141  : i32 {
          %mul3A_160 = arith.constant 4 : i32
          %mul3A_161 = arith.muli %mul3A_160, %scan3A_159 : i32
          %add3A_162 = arith.constant 0 : i32
          %add3A_163 = arith.addi %mul3A_161, %add3A_162 : i32
          %mul3A_164 = arith.constant 16 : i32
          %mul3A_165 = arith.muli %mul3A_164, %add3A_163 : i32
          %add3A_166 = vector.broadcast %mul3A_165 : i32 to vector<16xi32>
          %add3A_167 = arith.addi %add3A_166, %iota3A : vector<16xi32>
          %div3A = arith.constant 200 : i32
          %div3A_168 = vector.broadcast %div3A : i32 to vector<16xi32>
          %div3A_169 = arith.divsi %add3A_167, %div3A_168 : vector<16xi32>
          %mul3A_170 = arith.constant 200 : i32
          %mul3A_171 = vector.broadcast %mul3A_170 : i32 to vector<16xi32>
          %mul3A_172 = arith.muli %mul3A_171, %div3A_169 : vector<16xi32>
          %sub3A = arith.subi %add3A_167, %mul3A_172 : vector<16xi32>
          %gather3A = tpu.vector_load_idx %arg7[%div3A_169, %sub3A] : memref<16x200xi32, #tpu.memory_space<vmem>>[vector<16xi32>, vector<16xi32>], vector<16xi32>,
          %mul3A_173 = arith.constant 16 : i32
          %mul3A_174 = arith.muli %mul3A_173, %add3A_163 : i32
          %swap3A = arith.index_cast %mul3A_174 : i32 to index
          %swap3A_175 = tpu.vector_load %arg9[%swap3A] {strides = array<i32>} : memref<3200xi32, #tpu.memory_space<vmem>>, vector<16xi32>,
          tpu.vector_store %arg9[%swap3A], %gather3A {strides = array<i32>} : memref<3200xi32, #tpu.memory_space<vmem>>, vector<16xi32>,
          %mul3A_176 = arith.constant 4 : i32
          %mul3A_177 = arith.muli %mul3A_176, %scan3A_159 : i32
          %add3A_178 = arith.constant 1 : i32
          %add3A_179 = arith.addi %mul3A_177, %add3A_178 : i32
          %mul3A_180 = arith.constant 16 : i32
          %mul3A_181 = arith.muli %mul3A_180, %add3A_179 : i32
          %add3A_182 = vector.broadcast %mul3A_181 : i32 to vector<16xi32>
          %add3A_183 = arith.addi %add3A_182, %iota3A : vector<16xi32>
          %div3A_184 = arith.constant 200 : i32
          %div3A_185 = vector.broadcast %div3A_184 : i32 to vector<16xi32>
          %div3A_186 = arith.divsi %add3A_183, %div3A_185 : vector<16xi32>
          %mul3A_187 = arith.constant 200 : i32
          %mul3A_188 = vector.broadcast %mul3A_187 : i32 to vector<16xi32>
          %mul3A_189 = arith.muli %mul3A_188, %div3A_186 : vector<16xi32>
          %sub3A_190 = arith.subi %add3A_183, %mul3A_189 : vector<16xi32>
          %gather3A_191 = tpu.vector_load_idx %arg7[%div3A_186, %sub3A_190] : memref<16x200xi32, #tpu.memory_space<vmem>>[vector<16xi32>, vector<16xi32>], vector<16xi32>,
          %mul3A_192 = arith.constant 16 : i32
          %mul3A_193 = arith.muli %mul3A_192, %add3A_179 : i32
          %swap3A_194 = arith.index_cast %mul3A_193 : i32 to index
          %swap3A_195 = tpu.vector_load %arg9[%swap3A_194] {strides = array<i32>} : memref<3200xi32, #tpu.memory_space<vmem>>, vector<16xi32>,
          tpu.vector_store %arg9[%swap3A_194], %gather3A_191 {strides = array<i32>} : memref<3200xi32, #tpu.memory_space<vmem>>, vector<16xi32>,
          %mul3A_196 = arith.constant 4 : i32
          %mul3A_197 = arith.muli %mul3A_196, %scan3A_159 : i32
          %add3A_198 = arith.constant 2 : i32
          %add3A_199 = arith.addi %mul3A_197, %add3A_198 : i32
          %mul3A_200 = arith.constant 16 : i32
          %mul3A_201 = arith.muli %mul3A_200, %add3A_199 : i32
          %add3A_202 = vector.broadcast %mul3A_201 : i32 to vector<16xi32>
          %add3A_203 = arith.addi %add3A_202, %iota3A : vector<16xi32>
          %div3A_204 = arith.constant 200 : i32
          %div3A_205 = vector.broadcast %div3A_204 : i32 to vector<16xi32>
          %div3A_206 = arith.divsi %add3A_203, %div3A_205 : vector<16xi32>
          %mul3A_207 = arith.constant 200 : i32
          %mul3A_208 = vector.broadcast %mul3A_207 : i32 to vector<16xi32>
          %mul3A_209 = arith.muli %mul3A_208, %div3A_206 : vector<16xi32>
          %sub3A_210 = arith.subi %add3A_203, %mul3A_209 : vector<16xi32>
          %gather3A_211 = tpu.vector_load_idx %arg7[%div3A_206, %sub3A_210] : memref<16x200xi32, #tpu.memory_space<vmem>>[vector<16xi32>, vector<16xi32>], vector<16xi32>,
          %mul3A_212 = arith.constant 16 : i32
          %mul3A_213 = arith.muli %mul3A_212, %add3A_199 : i32
          %swap3A_214 = arith.index_cast %mul3A_213 : i32 to index
          %swap3A_215 = tpu.vector_load %arg9[%swap3A_214] {strides = array<i32>} : memref<3200xi32, #tpu.memory_space<vmem>>, vector<16xi32>,
          tpu.vector_store %arg9[%swap3A_214], %gather3A_211 {strides = array<i32>} : memref<3200xi32, #tpu.memory_space<vmem>>, vector<16xi32>,
          %mul3A_216 = arith.constant 4 : i32
          %mul3A_217 = arith.muli %mul3A_216, %scan3A_159 : i32
          %add3A_218 = arith.constant 3 : i32
          %add3A_219 = arith.addi %mul3A_217, %add3A_218 : i32
          %mul3A_220 = arith.constant 16 : i32
          %mul3A_221 = arith.muli %mul3A_220, %add3A_219 : i32
          %add3A_222 = vector.broadcast %mul3A_221 : i32 to vector<16xi32>
          %add3A_223 = arith.addi %add3A_222, %iota3A : vector<16xi32>
          %div3A_224 = arith.constant 200 : i32
          %div3A_225 = vector.broadcast %div3A_224 : i32 to vector<16xi32>
          %div3A_226 = arith.divsi %add3A_223, %div3A_225 : vector<16xi32>
          %mul3A_227 = arith.constant 200 : i32
          %mul3A_228 = vector.broadcast %mul3A_227 : i32 to vector<16xi32>
          %mul3A_229 = arith.muli %mul3A_228, %div3A_226 : vector<16xi32>
          %sub3A_230 = arith.subi %add3A_223, %mul3A_229 : vector<16xi32>
          %gather3A_231 = tpu.vector_load_idx %arg7[%div3A_226, %sub3A_230] : memref<16x200xi32, #tpu.memory_space<vmem>>[vector<16xi32>, vector<16xi32>], vector<16xi32>,
          %mul3A_232 = arith.constant 16 : i32
          %mul3A_233 = arith.muli %mul3A_232, %add3A_219 : i32
          %swap3A_234 = arith.index_cast %mul3A_233 : i32 to index
          %swap3A_235 = tpu.vector_load %arg9[%swap3A_234] {strides = array<i32>} : memref<3200xi32, #tpu.memory_space<vmem>>, vector<16xi32>,
          tpu.vector_store %arg9[%swap3A_234], %gather3A_231 {strides = array<i32>} : memref<3200xi32, #tpu.memory_space<vmem>>, vector<16xi32>,
        }
        %scan3A_142 = arith.constant 50 : i32
        %dma_start3A_143 = arith.constant 0 : i32
        %dma_start3A_144 = arith.constant 0 : i32
        %dma_start3A_145 = tpu.memref_slice %arg11[%dma_start3A_143, %dma_start3A_144] : memref<3200x8xf32, #tpu.memory_space<vmem>> -> memref<1600x8xf32, #tpu.memory_space<vmem>>
        %dma_start3A_146 = arith.constant 0 : i32
        %dma_start3A_147 = tpu.memref_slice %arg9[%dma_start3A_146] : memref<3200xi32, #tpu.memory_space<vmem>> -> memref<1600xi32, #tpu.memory_space<vmem>>
        %dma_start3A_148 = arith.constant 0 : i32
        %dma_start3A_149 = arith.constant 0 : i32
        %dma_start3A_150 = tpu.memref_slice %arg5[%dma_start3A_148, %dma_start3A_149] : memref<100000x8xf32, #tpu.memory_space<vmem_shared>> -> memref<100000x8xf32, #tpu.memory_space<vmem_shared>>
        tpu.enqueue_indirect_dma source(%dma_start3A_150 : memref<100000x8xf32, #tpu.memory_space<vmem_shared>>) target(%dma_start3A_145 : memref<1600x8xf32, #tpu.memory_space<vmem>>) offsets(%dma_start3A_147 : memref<1600xi32, #tpu.memory_space<vmem>>) semaphore(%arg16 : memref<!tpu.dma_semaphore, #tpu.memory_space<semaphore_mem>>)
        %dma_start3A_151 = arith.constant 1600 : i32
        %dma_start3A_152 = arith.constant 0 : i32
        %dma_start3A_153 = tpu.memref_slice %arg11[%dma_start3A_151, %dma_start3A_152] : memref<3200x8xf32, #tpu.memory_space<vmem>> -> memref<1600x8xf32, #tpu.memory_space<vmem>>
        %dma_start3A_154 = arith.constant 1600 : i32
        %dma_start3A_155 = tpu.memref_slice %arg9[%dma_start3A_154] : memref<3200xi32, #tpu.memory_space<vmem>> -> memref<1600xi32, #tpu.memory_space<vmem>>
        %dma_start3A_156 = arith.constant 0 : i32
        %dma_start3A_157 = arith.constant 0 : i32
        %dma_start3A_158 = tpu.memref_slice %arg5[%dma_start3A_156, %dma_start3A_157] : memref<100000x8xf32, #tpu.memory_space<vmem_shared>> -> memref<100000x8xf32, #tpu.memory_space<vmem_shared>>
        tpu.enqueue_indirect_dma source(%dma_start3A_158 : memref<100000x8xf32, #tpu.memory_space<vmem_shared>>) target(%dma_start3A_153 : memref<1600x8xf32, #tpu.memory_space<vmem>>) offsets(%dma_start3A_155 : memref<1600xi32, #tpu.memory_space<vmem>>) semaphore(%arg16 : memref<!tpu.dma_semaphore, #tpu.memory_space<semaphore_mem>>)
      } else {
      }
      %add3A_54 = arith.constant 2 : i32
      %add3A_55 = arith.addi %add3A_47, %add3A_54 : i32
      %lt3A_56 = arith.constant 32 : i32
      %lt3A_57 = arith.cmpi slt, %add3A_55, %lt3A_56 : i32
      %convert_element_type3A_58 = arith.extui %lt3A_57 : i1 to i32
      %cond3A_59 = arith.constant 0 : i32
      %cond3A_60 = arith.cmpi ne, %convert_element_type3A_58, %cond3A_59 : i32
      scf.if %cond3A_60 {
        %add3A_128 = arith.constant 2 : i32
        %add3A_129 = arith.addi %add3A_47, %add3A_128 : i32
        %mul3A_130 = arith.constant 16 : i32
        %mul3A_131 = arith.muli %add3A_129, %mul3A_130 : i32
        %add3A_132 = arith.addi %mul3A_2, %mul3A_131 : i32
        %dma_start3A_133 = arith.constant 0 : i32
        %dma_start3A_134 = tpu.memref_slice %arg2[%add3A_132, %dma_start3A_133] : memref<16384x200xi32, #tpu.memory_space<hbm>> -> memref<16x200xi32, #tpu.memory_space<hbm>>
        %dma_start3A_135 = arith.constant 0 : i32
        %dma_start3A_136 = tpu.memref_slice %arg2[%add3A_132, %dma_start3A_135] : memref<16384x200xi32, #tpu.memory_space<hbm>> -> memref<16x200xi32, #tpu.memory_space<hbm>>
        tpu.enqueue_dma source(%dma_start3A_136 : memref<16x200xi32, #tpu.memory_space<hbm>>) target(%arg6 : memref<16x200xi32, #tpu.memory_space<vmem>>) target_semaphore(%arg13 : memref<!tpu.dma_semaphore, #tpu.memory_space<semaphore_mem>>)
      } else {
      }
      %dma_wait3A = arith.constant 0 : i32
      %dma_wait3A_61 = arith.constant 0 : i32
      %dma_wait3A_62 = tpu.memref_slice %arg10[%dma_wait3A, %dma_wait3A_61] : memref<3200x8xf32, #tpu.memory_space<vmem>> -> memref<1600x8xf32, #tpu.memory_space<vmem>>
      %dma_wait3A_63 = arith.constant 0 : i32
      %dma_wait3A_64 = tpu.memref_slice %arg8[%dma_wait3A_63] : memref<3200xi32, #tpu.memory_space<vmem>> -> memref<1600xi32, #tpu.memory_space<vmem>>
      %dma_wait3A_65 = arith.constant 0 : i32
      %dma_wait3A_66 = arith.constant 0 : i32
      %dma_wait3A_67 = tpu.memref_slice %arg5[%dma_wait3A_65, %dma_wait3A_66] : memref<100000x8xf32, #tpu.memory_space<vmem_shared>> -> memref<100000x8xf32, #tpu.memory_space<vmem_shared>>
      tpu.wait_indirect_dma semaphore(%arg15 : memref<!tpu.dma_semaphore, #tpu.memory_space<semaphore_mem>>) src(%dma_wait3A_67 : memref<100000x8xf32, #tpu.memory_space<vmem_shared>>) dst(%dma_wait3A_62 : memref<1600x8xf32, #tpu.memory_space<vmem>>)
      %dma_wait3A_68 = arith.constant 1600 : i32
      %dma_wait3A_69 = arith.constant 0 : i32
      %dma_wait3A_70 = tpu.memref_slice %arg10[%dma_wait3A_68, %dma_wait3A_69] : memref<3200x8xf32, #tpu.memory_space<vmem>> -> memref<1600x8xf32, #tpu.memory_space<vmem>>
      %dma_wait3A_71 = arith.constant 1600 : i32
      %dma_wait3A_72 = tpu.memref_slice %arg8[%dma_wait3A_71] : memref<3200xi32, #tpu.memory_space<vmem>> -> memref<1600xi32, #tpu.memory_space<vmem>>
      %dma_wait3A_73 = arith.constant 0 : i32
      %dma_wait3A_74 = arith.constant 0 : i32
      %dma_wait3A_75 = tpu.memref_slice %arg5[%dma_wait3A_73, %dma_wait3A_74] : memref<100000x8xf32, #tpu.memory_space<vmem_shared>> -> memref<100000x8xf32, #tpu.memory_space<vmem_shared>>
      tpu.wait_indirect_dma semaphore(%arg15 : memref<!tpu.dma_semaphore, #tpu.memory_space<semaphore_mem>>) src(%dma_wait3A_75 : memref<100000x8xf32, #tpu.memory_space<vmem_shared>>) dst(%dma_wait3A_70 : memref<1600x8xf32, #tpu.memory_space<vmem>>)
      %scan3A_76 = arith.constant 0 : i32
      %scan3A_77 = arith.constant 0 : i32
      %scan3A_78 = arith.constant 16 : i32
      %scan3A_79 = arith.addi %scan3A_77, %scan3A_78 : i32
      %scan3A_80 = arith.constant 1 : i32
      scf.for %scan3A_128 = %scan3A_77 to %scan3A_79 step %scan3A_80  : i32 {
        %scan3A_129 = arith.constant 0 : i32
        %scan3A_130 = arith.constant 0 : i32
        %scan3A_131 = arith.constant 25 : i32
        %scan3A_132 = arith.addi %scan3A_130, %scan3A_131 : i32
        %scan3A_133 = arith.constant 1 : i32
        scf.for %scan3A_135 = %scan3A_130 to %scan3A_132 step %scan3A_133  : i32 {
          %mul3A_136 = arith.constant 2 : i32
          %mul3A_137 = arith.muli %mul3A_136, %scan3A_135 : i32
          %add3A_138 = arith.constant 0 : i32
          %add3A_139 = arith.addi %mul3A_137, %add3A_138 : i32
          %mul3A_140 = arith.constant 50 : i32
          %mul3A_141 = arith.muli %scan3A_128, %mul3A_140 : i32
          %add3A_142 = arith.addi %mul3A_141, %add3A_139 : i32
          %mul3A_143 = arith.constant 4 : i32
          %mul3A_144 = arith.muli %mul3A_143, %add3A_142 : i32
          %add3A_145 = vector.broadcast %mul3A_144 : i32 to vector<16xi32>
          %add3A_146 = arith.addi %shift_right_logical3A_8, %add3A_145 : vector<16xi32>
          %gather3A = tpu.vector_load_idx %arg10[%add3A_146, %and3A_10] : memref<3200x8xf32, #tpu.memory_space<vmem>>[vector<16xi32>, vector<16xi32>], vector<16xf32>,
          %mul3A_147 = arith.constant 16 : i32
          %mul3A_148 = arith.muli %mul3A_147, %add3A_139 : i32
          %swap3A = arith.index_cast %scan3A_128 : i32 to index
          %swap3A_149 = arith.index_cast %mul3A_148 : i32 to index
          %swap3A_150 = tpu.vector_load %arg12[%swap3A, %swap3A_149] {strides = array<i32>} : memref<16x800xf32, #tpu.memory_space<vmem>>, vector<16xf32>,
          tpu.vector_store %arg12[%swap3A, %swap3A_149], %gather3A {strides = array<i32>} : memref<16x800xf32, #tpu.memory_space<vmem>>, vector<16xf32>,
          %mul3A_151 = arith.constant 2 : i32
          %mul3A_152 = arith.muli %mul3A_151, %scan3A_135 : i32
          %add3A_153 = arith.constant 1 : i32
          %add3A_154 = arith.addi %mul3A_152, %add3A_153 : i32
          %mul3A_155 = arith.constant 50 : i32
          %mul3A_156 = arith.muli %scan3A_128, %mul3A_155 : i32
          %add3A_157 = arith.addi %mul3A_156, %add3A_154 : i32
          %mul3A_158 = arith.constant 4 : i32
          %mul3A_159 = arith.muli %mul3A_158, %add3A_157 : i32
          %add3A_160 = vector.broadcast %mul3A_159 : i32 to vector<16xi32>
          %add3A_161 = arith.addi %shift_right_logical3A_8, %add3A_160 : vector<16xi32>
          %gather3A_162 = tpu.vector_load_idx %arg10[%add3A_161, %and3A_10] : memref<3200x8xf32, #tpu.memory_space<vmem>>[vector<16xi32>, vector<16xi32>], vector<16xf32>,
          %mul3A_163 = arith.constant 16 : i32
          %mul3A_164 = arith.muli %mul3A_163, %add3A_154 : i32
          %swap3A_165 = arith.index_cast %scan3A_128 : i32 to index
          %swap3A_166 = arith.index_cast %mul3A_164 : i32 to index
          %swap3A_167 = tpu.vector_load %arg12[%swap3A_165, %swap3A_166] {strides = array<i32>} : memref<16x800xf32, #tpu.memory_space<vmem>>, vector<16xf32>,
          tpu.vector_store %arg12[%swap3A_165, %swap3A_166], %gather3A_162 {strides = array<i32>} : memref<16x800xf32, #tpu.memory_space<vmem>>, vector<16xf32>,
        }
        %scan3A_134 = arith.constant 25 : i32
      }
      %scan3A_81 = arith.constant 16 : i32
      %mul3A_82 = arith.constant 16 : i32
      %mul3A_83 = arith.muli %add3A_47, %mul3A_82 : i32
      %add3A_84 = arith.addi %mul3A_2, %mul3A_83 : i32
      "tpu.region"() ({
        %run_scoped3A = tpu.sem_alloc : memref<!tpu.dma_semaphore, #tpu.memory_space<semaphore_mem>>
        %dma_start3A_128 = arith.constant 0 : i32
        %dma_start3A_129 = tpu.memref_slice %arg4[%add3A_84, %dma_start3A_128] : memref<16384x800xf32, #tpu.memory_space<hbm>> -> memref<16x800xf32, #tpu.memory_space<hbm>>
        %dma_start3A_130 = arith.constant 0 : i32
        %dma_start3A_131 = tpu.memref_slice %arg4[%add3A_84, %dma_start3A_130] : memref<16384x800xf32, #tpu.memory_space<hbm>> -> memref<16x800xf32, #tpu.memory_space<hbm>>
        tpu.enqueue_dma source(%arg12 : memref<16x800xf32, #tpu.memory_space<vmem>>) target(%dma_start3A_131 : memref<16x800xf32, #tpu.memory_space<hbm>>) target_semaphore(%run_scoped3A : memref<!tpu.dma_semaphore, #tpu.memory_space<semaphore_mem>>)
        %dma_wait3A_132 = arith.constant 0 : i32
        %dma_wait3A_133 = tpu.memref_slice %arg4[%add3A_84, %dma_wait3A_132] : memref<16384x800xf32, #tpu.memory_space<hbm>> -> memref<16x800xf32, #tpu.memory_space<hbm>>
        %dma_wait3A_134 = arith.constant 0 : i32
        %dma_wait3A_135 = tpu.memref_slice %arg4[%add3A_84, %dma_wait3A_134] : memref<16384x800xf32, #tpu.memory_space<hbm>> -> memref<16x800xf32, #tpu.memory_space<hbm>>
        tpu.wait_dma2 semaphore(%run_scoped3A : memref<!tpu.dma_semaphore, #tpu.memory_space<semaphore_mem>>) src(%arg12 : memref<16x800xf32, #tpu.memory_space<vmem>>) dst(%dma_wait3A_135 : memref<16x800xf32, #tpu.memory_space<hbm>>)
        tpu.yield
      }) : () -> ()
      %mul3A_85 = arith.constant 2 : i32
      %mul3A_86 = arith.muli %mul3A_85, %scan3A_43 : i32
      %add3A_87 = arith.constant 1 : i32
      %add3A_88 = arith.addi %mul3A_86, %add3A_87 : i32
      %add3A_89 = arith.constant 1 : i32
      %add3A_90 = arith.addi %add3A_88, %add3A_89 : i32
      %lt3A_91 = arith.constant 32 : i32
      %lt3A_92 = arith.cmpi slt, %add3A_90, %lt3A_91 : i32
      %convert_element_type3A_93 = arith.extui %lt3A_92 : i1 to i32
      %cond3A_94 = arith.constant 0 : i32
      %cond3A_95 = arith.cmpi ne, %convert_element_type3A_93, %cond3A_94 : i32
      scf.if %cond3A_95 {
        %add3A_128 = arith.constant 1 : i32
        %add3A_129 = arith.addi %add3A_88, %add3A_128 : i32
        %mul3A_130 = arith.constant 16 : i32
        %mul3A_131 = arith.muli %add3A_129, %mul3A_130 : i32
        %add3A_132 = arith.addi %mul3A_2, %mul3A_131 : i32
        %dma_wait3A_133 = arith.constant 0 : i32
        %dma_wait3A_134 = tpu.memref_slice %arg2[%add3A_132, %dma_wait3A_133] : memref<16384x200xi32, #tpu.memory_space<hbm>> -> memref<16x200xi32, #tpu.memory_space<hbm>>
        %dma_wait3A_135 = arith.constant 0 : i32
        %dma_wait3A_136 = tpu.memref_slice %arg2[%add3A_132, %dma_wait3A_135] : memref<16384x200xi32, #tpu.memory_space<hbm>> -> memref<16x200xi32, #tpu.memory_space<hbm>>
        tpu.wait_dma2 semaphore(%arg13 : memref<!tpu.dma_semaphore, #tpu.memory_space<semaphore_mem>>) src(%dma_wait3A_136 : memref<16x200xi32, #tpu.memory_space<hbm>>) dst(%arg6 : memref<16x200xi32, #tpu.memory_space<vmem>>)
        %scan3A_137 = arith.constant 0 : i32
        %scan3A_138 = arith.constant 0 : i32
        %scan3A_139 = arith.constant 50 : i32
        %scan3A_140 = arith.addi %scan3A_138, %scan3A_139 : i32
        %scan3A_141 = arith.constant 1 : i32
        scf.for %scan3A_159 = %scan3A_138 to %scan3A_140 step %scan3A_141  : i32 {
          %mul3A_160 = arith.constant 4 : i32
          %mul3A_161 = arith.muli %mul3A_160, %scan3A_159 : i32
          %add3A_162 = arith.constant 0 : i32
          %add3A_163 = arith.addi %mul3A_161, %add3A_162 : i32
          %mul3A_164 = arith.constant 16 : i32
          %mul3A_165 = arith.muli %mul3A_164, %add3A_163 : i32
          %add3A_166 = vector.broadcast %mul3A_165 : i32 to vector<16xi32>
          %add3A_167 = arith.addi %add3A_166, %iota3A : vector<16xi32>
          %div3A = arith.constant 200 : i32
          %div3A_168 = vector.broadcast %div3A : i32 to vector<16xi32>
          %div3A_169 = arith.divsi %add3A_167, %div3A_168 : vector<16xi32>
          %mul3A_170 = arith.constant 200 : i32
          %mul3A_171 = vector.broadcast %mul3A_170 : i32 to vector<16xi32>
          %mul3A_172 = arith.muli %mul3A_171, %div3A_169 : vector<16xi32>
          %sub3A = arith.subi %add3A_167, %mul3A_172 : vector<16xi32>
          %gather3A = tpu.vector_load_idx %arg6[%div3A_169, %sub3A] : memref<16x200xi32, #tpu.memory_space<vmem>>[vector<16xi32>, vector<16xi32>], vector<16xi32>,
          %mul3A_173 = arith.constant 16 : i32
          %mul3A_174 = arith.muli %mul3A_173, %add3A_163 : i32
          %swap3A = arith.index_cast %mul3A_174 : i32 to index
          %swap3A_175 = tpu.vector_load %arg8[%swap3A] {strides = array<i32>} : memref<3200xi32, #tpu.memory_space<vmem>>, vector<16xi32>,
          tpu.vector_store %arg8[%swap3A], %gather3A {strides = array<i32>} : memref<3200xi32, #tpu.memory_space<vmem>>, vector<16xi32>,
          %mul3A_176 = arith.constant 4 : i32
          %mul3A_177 = arith.muli %mul3A_176, %scan3A_159 : i32
          %add3A_178 = arith.constant 1 : i32
          %add3A_179 = arith.addi %mul3A_177, %add3A_178 : i32
          %mul3A_180 = arith.constant 16 : i32
          %mul3A_181 = arith.muli %mul3A_180, %add3A_179 : i32
          %add3A_182 = vector.broadcast %mul3A_181 : i32 to vector<16xi32>
          %add3A_183 = arith.addi %add3A_182, %iota3A : vector<16xi32>
          %div3A_184 = arith.constant 200 : i32
          %div3A_185 = vector.broadcast %div3A_184 : i32 to vector<16xi32>
          %div3A_186 = arith.divsi %add3A_183, %div3A_185 : vector<16xi32>
          %mul3A_187 = arith.constant 200 : i32
          %mul3A_188 = vector.broadcast %mul3A_187 : i32 to vector<16xi32>
          %mul3A_189 = arith.muli %mul3A_188, %div3A_186 : vector<16xi32>
          %sub3A_190 = arith.subi %add3A_183, %mul3A_189 : vector<16xi32>
          %gather3A_191 = tpu.vector_load_idx %arg6[%div3A_186, %sub3A_190] : memref<16x200xi32, #tpu.memory_space<vmem>>[vector<16xi32>, vector<16xi32>], vector<16xi32>,
          %mul3A_192 = arith.constant 16 : i32
          %mul3A_193 = arith.muli %mul3A_192, %add3A_179 : i32
          %swap3A_194 = arith.index_cast %mul3A_193 : i32 to index
          %swap3A_195 = tpu.vector_load %arg8[%swap3A_194] {strides = array<i32>} : memref<3200xi32, #tpu.memory_space<vmem>>, vector<16xi32>,
          tpu.vector_store %arg8[%swap3A_194], %gather3A_191 {strides = array<i32>} : memref<3200xi32, #tpu.memory_space<vmem>>, vector<16xi32>,
          %mul3A_196 = arith.constant 4 : i32
          %mul3A_197 = arith.muli %mul3A_196, %scan3A_159 : i32
          %add3A_198 = arith.constant 2 : i32
          %add3A_199 = arith.addi %mul3A_197, %add3A_198 : i32
          %mul3A_200 = arith.constant 16 : i32
          %mul3A_201 = arith.muli %mul3A_200, %add3A_199 : i32
          %add3A_202 = vector.broadcast %mul3A_201 : i32 to vector<16xi32>
          %add3A_203 = arith.addi %add3A_202, %iota3A : vector<16xi32>
          %div3A_204 = arith.constant 200 : i32
          %div3A_205 = vector.broadcast %div3A_204 : i32 to vector<16xi32>
          %div3A_206 = arith.divsi %add3A_203, %div3A_205 : vector<16xi32>
          %mul3A_207 = arith.constant 200 : i32
          %mul3A_208 = vector.broadcast %mul3A_207 : i32 to vector<16xi32>
          %mul3A_209 = arith.muli %mul3A_208, %div3A_206 : vector<16xi32>
          %sub3A_210 = arith.subi %add3A_203, %mul3A_209 : vector<16xi32>
          %gather3A_211 = tpu.vector_load_idx %arg6[%div3A_206, %sub3A_210] : memref<16x200xi32, #tpu.memory_space<vmem>>[vector<16xi32>, vector<16xi32>], vector<16xi32>,
          %mul3A_212 = arith.constant 16 : i32
          %mul3A_213 = arith.muli %mul3A_212, %add3A_199 : i32
          %swap3A_214 = arith.index_cast %mul3A_213 : i32 to index
          %swap3A_215 = tpu.vector_load %arg8[%swap3A_214] {strides = array<i32>} : memref<3200xi32, #tpu.memory_space<vmem>>, vector<16xi32>,
          tpu.vector_store %arg8[%swap3A_214], %gather3A_211 {strides = array<i32>} : memref<3200xi32, #tpu.memory_space<vmem>>, vector<16xi32>,
          %mul3A_216 = arith.constant 4 : i32
          %mul3A_217 = arith.muli %mul3A_216, %scan3A_159 : i32
          %add3A_218 = arith.constant 3 : i32
          %add3A_219 = arith.addi %mul3A_217, %add3A_218 : i32
          %mul3A_220 = arith.constant 16 : i32
          %mul3A_221 = arith.muli %mul3A_220, %add3A_219 : i32
          %add3A_222 = vector.broadcast %mul3A_221 : i32 to vector<16xi32>
          %add3A_223 = arith.addi %add3A_222, %iota3A : vector<16xi32>
          %div3A_224 = arith.constant 200 : i32
          %div3A_225 = vector.broadcast %div3A_224 : i32 to vector<16xi32>
          %div3A_226 = arith.divsi %add3A_223, %div3A_225 : vector<16xi32>
          %mul3A_227 = arith.constant 200 : i32
          %mul3A_228 = vector.broadcast %mul3A_227 : i32 to vector<16xi32>
          %mul3A_229 = arith.muli %mul3A_228, %div3A_226 : vector<16xi32>
          %sub3A_230 = arith.subi %add3A_223, %mul3A_229 : vector<16xi32>
          %gather3A_231 = tpu.vector_load_idx %arg6[%div3A_226, %sub3A_230] : memref<16x200xi32, #tpu.memory_space<vmem>>[vector<16xi32>, vector<16xi32>], vector<16xi32>,
          %mul3A_232 = arith.constant 16 : i32
          %mul3A_233 = arith.muli %mul3A_232, %add3A_219 : i32
          %swap3A_234 = arith.index_cast %mul3A_233 : i32 to index
          %swap3A_235 = tpu.vector_load %arg8[%swap3A_234] {strides = array<i32>} : memref<3200xi32, #tpu.memory_space<vmem>>, vector<16xi32>,
          tpu.vector_store %arg8[%swap3A_234], %gather3A_231 {strides = array<i32>} : memref<3200xi32, #tpu.memory_space<vmem>>, vector<16xi32>,
        }
        %scan3A_142 = arith.constant 50 : i32
        %dma_start3A_143 = arith.constant 0 : i32
        %dma_start3A_144 = arith.constant 0 : i32
        %dma_start3A_145 = tpu.memref_slice %arg10[%dma_start3A_143, %dma_start3A_144] : memref<3200x8xf32, #tpu.memory_space<vmem>> -> memref<1600x8xf32, #tpu.memory_space<vmem>>
        %dma_start3A_146 = arith.constant 0 : i32
        %dma_start3A_147 = tpu.memref_slice %arg8[%dma_start3A_146] : memref<3200xi32, #tpu.memory_space<vmem>> -> memref<1600xi32, #tpu.memory_space<vmem>>
        %dma_start3A_148 = arith.constant 0 : i32
        %dma_start3A_149 = arith.constant 0 : i32
        %dma_start3A_150 = tpu.memref_slice %arg5[%dma_start3A_148, %dma_start3A_149] : memref<100000x8xf32, #tpu.memory_space<vmem_shared>> -> memref<100000x8xf32, #tpu.memory_space<vmem_shared>>
        tpu.enqueue_indirect_dma source(%dma_start3A_150 : memref<100000x8xf32, #tpu.memory_space<vmem_shared>>) target(%dma_start3A_145 : memref<1600x8xf32, #tpu.memory_space<vmem>>) offsets(%dma_start3A_147 : memref<1600xi32, #tpu.memory_space<vmem>>) semaphore(%arg15 : memref<!tpu.dma_semaphore, #tpu.memory_space<semaphore_mem>>)
        %dma_start3A_151 = arith.constant 1600 : i32
        %dma_start3A_152 = arith.constant 0 : i32
        %dma_start3A_153 = tpu.memref_slice %arg10[%dma_start3A_151, %dma_start3A_152] : memref<3200x8xf32, #tpu.memory_space<vmem>> -> memref<1600x8xf32, #tpu.memory_space<vmem>>
        %dma_start3A_154 = arith.constant 1600 : i32
        %dma_start3A_155 = tpu.memref_slice %arg8[%dma_start3A_154] : memref<3200xi32, #tpu.memory_space<vmem>> -> memref<1600xi32, #tpu.memory_space<vmem>>
        %dma_start3A_156 = arith.constant 0 : i32
        %dma_start3A_157 = arith.constant 0 : i32
        %dma_start3A_158 = tpu.memref_slice %arg5[%dma_start3A_156, %dma_start3A_157] : memref<100000x8xf32, #tpu.memory_space<vmem_shared>> -> memref<100000x8xf32, #tpu.memory_space<vmem_shared>>
        tpu.enqueue_indirect_dma source(%dma_start3A_158 : memref<100000x8xf32, #tpu.memory_space<vmem_shared>>) target(%dma_start3A_153 : memref<1600x8xf32, #tpu.memory_space<vmem>>) offsets(%dma_start3A_155 : memref<1600xi32, #tpu.memory_space<vmem>>) semaphore(%arg15 : memref<!tpu.dma_semaphore, #tpu.memory_space<semaphore_mem>>)
      } else {
      }
      %add3A_96 = arith.constant 2 : i32
      %add3A_97 = arith.addi %add3A_88, %add3A_96 : i32
      %lt3A_98 = arith.constant 32 : i32
      %lt3A_99 = arith.cmpi slt, %add3A_97, %lt3A_98 : i32
      %convert_element_type3A_100 = arith.extui %lt3A_99 : i1 to i32
      %cond3A_101 = arith.constant 0 : i32
      %cond3A_102 = arith.cmpi ne, %convert_element_type3A_100, %cond3A_101 : i32
      scf.if %cond3A_102 {
        %add3A_128 = arith.constant 2 : i32
        %add3A_129 = arith.addi %add3A_88, %add3A_128 : i32
        %mul3A_130 = arith.constant 16 : i32
        %mul3A_131 = arith.muli %add3A_129, %mul3A_130 : i32
        %add3A_132 = arith.addi %mul3A_2, %mul3A_131 : i32
        %dma_start3A_133 = arith.constant 0 : i32
        %dma_start3A_134 = tpu.memref_slice %arg2[%add3A_132, %dma_start3A_133] : memref<16384x200xi32, #tpu.memory_space<hbm>> -> memref<16x200xi32, #tpu.memory_space<hbm>>
        %dma_start3A_135 = arith.constant 0 : i32
        %dma_start3A_136 = tpu.memref_slice %arg2[%add3A_132, %dma_start3A_135] : memref<16384x200xi32, #tpu.memory_space<hbm>> -> memref<16x200xi32, #tpu.memory_space<hbm>>
        tpu.enqueue_dma source(%dma_start3A_136 : memref<16x200xi32, #tpu.memory_space<hbm>>) target(%arg7 : memref<16x200xi32, #tpu.memory_space<vmem>>) target_semaphore(%arg14 : memref<!tpu.dma_semaphore, #tpu.memory_space<semaphore_mem>>)
      } else {
      }
      %dma_wait3A_103 = arith.constant 0 : i32
      %dma_wait3A_104 = arith.constant 0 : i32
      %dma_wait3A_105 = tpu.memref_slice %arg11[%dma_wait3A_103, %dma_wait3A_104] : memref<3200x8xf32, #tpu.memory_space<vmem>> -> memref<1600x8xf32, #tpu.memory_space<vmem>>
      %dma_wait3A_106 = arith.constant 0 : i32
      %dma_wait3A_107 = tpu.memref_slice %arg9[%dma_wait3A_106] : memref<3200xi32, #tpu.memory_space<vmem>> -> memref<1600xi32, #tpu.memory_space<vmem>>
      %dma_wait3A_108 = arith.constant 0 : i32
      %dma_wait3A_109 = arith.constant 0 : i32
      %dma_wait3A_110 = tpu.memref_slice %arg5[%dma_wait3A_108, %dma_wait3A_109] : memref<100000x8xf32, #tpu.memory_space<vmem_shared>> -> memref<100000x8xf32, #tpu.memory_space<vmem_shared>>
      tpu.wait_indirect_dma semaphore(%arg16 : memref<!tpu.dma_semaphore, #tpu.memory_space<semaphore_mem>>) src(%dma_wait3A_110 : memref<100000x8xf32, #tpu.memory_space<vmem_shared>>) dst(%dma_wait3A_105 : memref<1600x8xf32, #tpu.memory_space<vmem>>)
      %dma_wait3A_111 = arith.constant 1600 : i32
      %dma_wait3A_112 = arith.constant 0 : i32
      %dma_wait3A_113 = tpu.memref_slice %arg11[%dma_wait3A_111, %dma_wait3A_112] : memref<3200x8xf32, #tpu.memory_space<vmem>> -> memref<1600x8xf32, #tpu.memory_space<vmem>>
      %dma_wait3A_114 = arith.constant 1600 : i32
      %dma_wait3A_115 = tpu.memref_slice %arg9[%dma_wait3A_114] : memref<3200xi32, #tpu.memory_space<vmem>> -> memref<1600xi32, #tpu.memory_space<vmem>>
      %dma_wait3A_116 = arith.constant 0 : i32
      %dma_wait3A_117 = arith.constant 0 : i32
      %dma_wait3A_118 = tpu.memref_slice %arg5[%dma_wait3A_116, %dma_wait3A_117] : memref<100000x8xf32, #tpu.memory_space<vmem_shared>> -> memref<100000x8xf32, #tpu.memory_space<vmem_shared>>
      tpu.wait_indirect_dma semaphore(%arg16 : memref<!tpu.dma_semaphore, #tpu.memory_space<semaphore_mem>>) src(%dma_wait3A_118 : memref<100000x8xf32, #tpu.memory_space<vmem_shared>>) dst(%dma_wait3A_113 : memref<1600x8xf32, #tpu.memory_space<vmem>>)
      %scan3A_119 = arith.constant 0 : i32
      %scan3A_120 = arith.constant 0 : i32
      %scan3A_121 = arith.constant 16 : i32
      %scan3A_122 = arith.addi %scan3A_120, %scan3A_121 : i32
      %scan3A_123 = arith.constant 1 : i32
      scf.for %scan3A_128 = %scan3A_120 to %scan3A_122 step %scan3A_123  : i32 {
        %scan3A_129 = arith.constant 0 : i32
        %scan3A_130 = arith.constant 0 : i32
        %scan3A_131 = arith.constant 25 : i32
        %scan3A_132 = arith.addi %scan3A_130, %scan3A_131 : i32
        %scan3A_133 = arith.constant 1 : i32
        scf.for %scan3A_135 = %scan3A_130 to %scan3A_132 step %scan3A_133  : i32 {
          %mul3A_136 = arith.constant 2 : i32
          %mul3A_137 = arith.muli %mul3A_136, %scan3A_135 : i32
          %add3A_138 = arith.constant 0 : i32
          %add3A_139 = arith.addi %mul3A_137, %add3A_138 : i32
          %mul3A_140 = arith.constant 50 : i32
          %mul3A_141 = arith.muli %scan3A_128, %mul3A_140 : i32
          %add3A_142 = arith.addi %mul3A_141, %add3A_139 : i32
          %mul3A_143 = arith.constant 4 : i32
          %mul3A_144 = arith.muli %mul3A_143, %add3A_142 : i32
          %add3A_145 = vector.broadcast %mul3A_144 : i32 to vector<16xi32>
          %add3A_146 = arith.addi %shift_right_logical3A_8, %add3A_145 : vector<16xi32>
          %gather3A = tpu.vector_load_idx %arg11[%add3A_146, %and3A_10] : memref<3200x8xf32, #tpu.memory_space<vmem>>[vector<16xi32>, vector<16xi32>], vector<16xf32>,
          %mul3A_147 = arith.constant 16 : i32
          %mul3A_148 = arith.muli %mul3A_147, %add3A_139 : i32
          %swap3A = arith.index_cast %scan3A_128 : i32 to index
          %swap3A_149 = arith.index_cast %mul3A_148 : i32 to index
          %swap3A_150 = tpu.vector_load %arg12[%swap3A, %swap3A_149] {strides = array<i32>} : memref<16x800xf32, #tpu.memory_space<vmem>>, vector<16xf32>,
          tpu.vector_store %arg12[%swap3A, %swap3A_149], %gather3A {strides = array<i32>} : memref<16x800xf32, #tpu.memory_space<vmem>>, vector<16xf32>,
          %mul3A_151 = arith.constant 2 : i32
          %mul3A_152 = arith.muli %mul3A_151, %scan3A_135 : i32
          %add3A_153 = arith.constant 1 : i32
          %add3A_154 = arith.addi %mul3A_152, %add3A_153 : i32
          %mul3A_155 = arith.constant 50 : i32
          %mul3A_156 = arith.muli %scan3A_128, %mul3A_155 : i32
          %add3A_157 = arith.addi %mul3A_156, %add3A_154 : i32
          %mul3A_158 = arith.constant 4 : i32
          %mul3A_159 = arith.muli %mul3A_158, %add3A_157 : i32
          %add3A_160 = vector.broadcast %mul3A_159 : i32 to vector<16xi32>
          %add3A_161 = arith.addi %shift_right_logical3A_8, %add3A_160 : vector<16xi32>
          %gather3A_162 = tpu.vector_load_idx %arg11[%add3A_161, %and3A_10] : memref<3200x8xf32, #tpu.memory_space<vmem>>[vector<16xi32>, vector<16xi32>], vector<16xf32>,
          %mul3A_163 = arith.constant 16 : i32
          %mul3A_164 = arith.muli %mul3A_163, %add3A_154 : i32
          %swap3A_165 = arith.index_cast %scan3A_128 : i32 to index
          %swap3A_166 = arith.index_cast %mul3A_164 : i32 to index
          %swap3A_167 = tpu.vector_load %arg12[%swap3A_165, %swap3A_166] {strides = array<i32>} : memref<16x800xf32, #tpu.memory_space<vmem>>, vector<16xf32>,
          tpu.vector_store %arg12[%swap3A_165, %swap3A_166], %gather3A_162 {strides = array<i32>} : memref<16x800xf32, #tpu.memory_space<vmem>>, vector<16xf32>,
        }
        %scan3A_134 = arith.constant 25 : i32
      }
      %scan3A_124 = arith.constant 16 : i32
      %mul3A_125 = arith.constant 16 : i32
      %mul3A_126 = arith.muli %add3A_88, %mul3A_125 : i32
      %add3A_127 = arith.addi %mul3A_2, %mul3A_126 : i32
      "tpu.region"() ({
        %run_scoped3A = tpu.sem_alloc : memref<!tpu.dma_semaphore, #tpu.memory_space<semaphore_mem>>
        %dma_start3A_128 = arith.constant 0 : i32
        %dma_start3A_129 = tpu.memref_slice %arg4[%add3A_127, %dma_start3A_128] : memref<16384x800xf32, #tpu.memory_space<hbm>> -> memref<16x800xf32, #tpu.memory_space<hbm>>
        %dma_start3A_130 = arith.constant 0 : i32
        %dma_start3A_131 = tpu.memref_slice %arg4[%add3A_127, %dma_start3A_130] : memref<16384x800xf32, #tpu.memory_space<hbm>> -> memref<16x800xf32, #tpu.memory_space<hbm>>
        tpu.enqueue_dma source(%arg12 : memref<16x800xf32, #tpu.memory_space<vmem>>) target(%dma_start3A_131 : memref<16x800xf32, #tpu.memory_space<hbm>>) target_semaphore(%run_scoped3A : memref<!tpu.dma_semaphore, #tpu.memory_space<semaphore_mem>>)
        %dma_wait3A_132 = arith.constant 0 : i32
        %dma_wait3A_133 = tpu.memref_slice %arg4[%add3A_127, %dma_wait3A_132] : memref<16384x800xf32, #tpu.memory_space<hbm>> -> memref<16x800xf32, #tpu.memory_space<hbm>>
        %dma_wait3A_134 = arith.constant 0 : i32
        %dma_wait3A_135 = tpu.memref_slice %arg4[%add3A_127, %dma_wait3A_134] : memref<16384x800xf32, #tpu.memory_space<hbm>> -> memref<16x800xf32, #tpu.memory_space<hbm>>
        tpu.wait_dma2 semaphore(%run_scoped3A : memref<!tpu.dma_semaphore, #tpu.memory_space<semaphore_mem>>) src(%arg12 : memref<16x800xf32, #tpu.memory_space<vmem>>) dst(%dma_wait3A_135 : memref<16x800xf32, #tpu.memory_space<hbm>>)
        tpu.yield
      }) : () -> ()
    }
    %scan3A_42 = arith.constant 16 : i32
    return
  }
}

</mosaic_0001>

<sc_bundles>
// kernel: kernel.3.cloned.1.call-start
scs
__scs_entry_jumppad:
0x0: {  	(pc) =	sbr.rel $0x88, $3  }
0x1: {  	(tag) =	ssettag $0x0;
	lr =	simm.s32 $0x1  }
0x2: {  	[smem:$0x3F9F] =	sst lr;
	_ =	strace $0xD0000000  }
0x3: {  	_ = 	snop  }
0x4: {  	_ = 	snop  }
0x5: {  	_ = 	snop  }
0x6: {  	_ = 	snop  }
0x7: {  	_ = 	snop  }
__scs_overlays_trampoline_lowered:
0x8: {  	[smem:$0x3FAE] =	sst s0  }
0x9: {  	[smem:$0x3FAF] =	sst s1  }
0xa: {  	[smem:$0x3FB0] =	sst s2  }
0xb: {  	[smem:$0x3FB1] =	sst s3  }
0xc: {  	[smem:$0x3FB2] =	sst s4  }
0xd: {  	[smem:$0x3FB3] =	sst s5  }
0xe: {  	[smem:$0x3FB4] =	sst s6  }
0xf: {  	[smem:$0x3FB5] =	sst s7  }
0x10: {  	[smem:$0x3FB6] =	sst s8  }
0x11: {  	[smem:$0x3FB7] =	sst s9;
	s0 =	simm.s32 @!p0 $0x0  }
0x12: {  	s1 =	sld [smem:$0x3F9D];
	s0 =	simm.s32 @p0 $0x1  }
0x13: {  	[smem:$0x3FB8] =	sst s0;
	s0 =	simm.s32 @!p1 $0x0  }
0x14: {  	s2 =	sld [smem:$0x3F9C];
	s0 =	simm.s32 @p1 $0x1  }
0x15: {  	[smem:$0x3FB9] =	sst s0;
	s0 =	simm.s32 @!p2 $0x0  }
0x16: {  	s3 =	sld [smem:$0x3FDB];
	s0 =	simm.s32 @p2 $0x1  }
0x17: {  	s4 =	simm.s32 $0x1BF5;
	[smem:$0x3FBB] =	sst s0  }
0x18: {  	s0 =	sld [smem:$0x3F9E];
	_ =	swait.ge [sflag:s4], $0x0  }
0x19: {  	s7 =	sld [smem:$0x3F9F]  }
0x1a: {  	s8 =	sadd.s32 $0xFFFFE003, lr  }
0x1b: {  	s9 =	sadd.s32 $0xFFFFFEF7, lr;
	s5 =	simm.s32 $0xFFFFFFFF;
	p2 =	slt.u32 s8, $0xFFFFF086  }
0x1c: {  	p1 =	slt.u32 s9, $0xF7A;
	s5 =	simm.s32 @!p2 $0x0  }
0x1d: {  	s5 =	simm.s32 @p1 $0x1;
	p0 =	seq.s32 s7, s2  }
0x1e: {  	s7 =	smul.u32 @!p0 $0xF7A, s2;
	p2 =	seq.s32 @!p0 s5, $0x0  }
0x1f: {  	s9 =	smul.u32 $0xF7A, s1;
	s8 =	simm.s32 @!p0 $0x1BF5;
	p2 =	por !p2, p0  }
0x20: {  	[sflag:s8] =	ssyncset.s32 @!p0 $0xFFFFF086;
	s6 =	sadd.s32 @!p0 s3, s7;
	s7 =	simm.s32 @!p0 $0x108  }
0x21: {  	s3 =	sadd.s32 s3, s9;
	s6 =	sadd.s32 @!p0 $0x88, s6;
	s7 =	simm.s32 @p2 $0x1082  }
0x22: {  	[simem:s7], [sflag:s8] =	dma.local @!p0 [hbm:s6], $0xF7A  }
0x23: {  	s9 =	sor.u32 $0xD0000000, s2;
	s6 =	simm.s32 $0x108;
	_ =	swait.ge @!p0 [sflag:s8], $0x0  }
0x24: {  	s3 =	sadd.s32 $0x88, s3;
	s6 =	simm.s32 @!p1 $0x1082;
	[sflag:s4] =	ssyncset.s32 $0xFFFFF086  }
0x25: {  	[simem:s6], [sflag:s4] =	dma.local [hbm:s3], $0xF7A  }
0x26: {  	[smem:$0x3F9F] =	sst s1;
	(tag) =	ssettag s2;
	_ =	strace s9  }
0x27: {  	s1 =	sld [smem:$0x3FAF]  }
0x28: {  	s2 =	sld [smem:$0x3FB0]  }
0x29: {  	s4 =	sld [smem:$0x3FB2]  }
0x2a: {  	p0 =	seq.s32 s5, $0x0;
	s5 =	sld [smem:$0x3FB3]  }
0x2b: {  	s6 =	sld [smem:$0x3FB4]  }
0x2c: {  	s7 =	sld [smem:$0x3FB5]  }
0x2d: {  	s3 =	simm.s32 $0x108;
	s8 =	sld [smem:$0x3FB6]  }
0x2e: {  	s3 =	simm.s32 @!p0 $0x1082;
	s9 =	sld [smem:$0x3FB7]  }
0x2f: {  	lr =	sadd.s32 s0, s3;
	s0 =	sld [smem:$0x3FAE]  }
0x30: {  	s3 =	sld [smem:$0x3FB1]  }
0x31: {  	[smem:$0x3FBA] =	sst s10  }
0x32: {  	s10 =	sld [smem:$0x3FB8];
	_ =	sdelay $0x3  }
0x33: {  	p0 =	seq.s32 s10, $0x1;
	s10 =	sld [smem:$0x3FBA];
	_ =	sdelay $0x3  }
0x34: {  	[smem:$0x3FBA] =	sst s10  }
0x35: {  	s10 =	sld [smem:$0x3FB9];
	_ =	sdelay $0x3  }
0x36: {  	p1 =	seq.s32 s10, $0x1;
	s10 =	sld [smem:$0x3FBA];
	_ =	sdelay $0x3  }
0x37: {  	[smem:$0x3FBA] =	sst s10  }
0x38: {  	s10 =	sld [smem:$0x3FBB]  }
0x39: {  	_ = 	snop;
	(pc) =	sbr.ind lr, $3  }
0x3a: {  	_ = 	snop  }
0x3b: {  	_ = 	snop  }
0x3c: {  	p2 =	seq.s32 s10, $0x1;
	s10 =	sld [smem:$0x3FBA]  }
0x3d: {  	_ =	shalt  }
0x3e: {  	_ =	shalt  }
0x3f: {  	_ =	shalt  }
0x40: {  	_ =	shalt  }
0x41: {  	_ =	shalt  }
0x42: {  	_ =	shalt  }
0x43: {  	_ =	shalt  }
0x44: {  	_ =	shalt  }
0x45: {  	_ =	shalt  }
0x46: {  	_ =	shalt  }
0x47: {  	_ =	shalt  }
0x48: {  	_ =	shalt  }
0x49: {  	_ =	shalt  }
0x4a: {  	_ =	shalt  }
0x4b: {  	_ =	shalt  }
0x4c: {  	_ =	shalt  }
0x4d: {  	_ =	shalt  }
0x4e: {  	_ =	shalt  }
0x4f: {  	_ =	shalt  }
0x50: {  	_ =	shalt  }
0x51: {  	_ =	shalt  }
0x52: {  	_ =	shalt  }
0x53: {  	_ =	shalt  }
0x54: {  	_ =	shalt  }
0x55: {  	_ =	shalt  }
0x56: {  	_ =	shalt  }
0x57: {  	_ =	shalt  }
0x58: {  	_ =	shalt  }
0x59: {  	_ =	shalt  }
0x5a: {  	_ =	shalt  }
0x5b: {  	_ =	shalt  }
0x5c: {  	_ =	shalt  }
0x5d: {  	_ =	shalt  }
0x5e: {  	_ =	shalt  }
0x5f: {  	_ =	shalt  }
0x60: {  	_ =	shalt  }
0x61: {  	_ =	shalt  }
0x62: {  	_ =	shalt  }
0x63: {  	_ =	shalt  }
0x64: {  	_ =	shalt  }
0x65: {  	_ =	shalt  }
0x66: {  	_ =	shalt  }
0x67: {  	_ =	shalt  }
0x68: {  	_ =	shalt  }
0x69: {  	_ =	shalt  }
0x6a: {  	_ =	shalt  }
0x6b: {  	_ =	shalt  }
0x6c: {  	_ =	shalt  }
0x6d: {  	_ =	shalt  }
0x6e: {  	_ =	shalt  }
0x6f: {  	_ =	shalt  }
0x70: {  	_ =	shalt  }
0x71: {  	_ =	shalt  }
0x72: {  	_ =	shalt  }
0x73: {  	_ =	shalt  }
0x74: {  	_ =	shalt  }
0x75: {  	_ =	shalt  }
0x76: {  	_ =	shalt  }
0x77: {  	_ =	shalt  }
0x78: {  	_ =	shalt  }
0x79: {  	_ =	shalt  }
0x7a: {  	_ =	shalt  }
0x7b: {  	_ =	shalt  }
0x7c: {  	_ =	shalt  }
0x7d: {  	_ =	shalt  }
0x7e: {  	_ =	shalt  }
0x7f: {  	_ =	shalt  }
0x80: {  	_ =	shalt  }
0x81: {  	_ =	shalt  }
0x82: {  	_ =	shalt  }
0x83: {  	_ =	shalt  }
0x84: {  	_ =	shalt  }
0x85: {  	_ =	shalt  }
0x86: {  	_ =	shalt  }
0x87: {  	_ =	shalt  }
.Lfunc_end0:
.L_simem_size_0:
called_computation.1_lowered:
.L_overlay_start_0:
0x88: {  	s2 =	sld [smem:$0x3FD9]  }
0x89: {  	s3 =	sld [smem:$0x3FFE];
	_ =	sdelay $0x1  }
0x8a: {  	s1 =	srdreg.scid  }
0x8b: {  	s0 =	sand.u32 $0x1, s1  }
0x8c: {  	s17 =	sshll.u32 s0, $0xA;
	s2 =	sadd.s32 s3, s2  }
0x8d: {  	s2 =	sadd.s32 s2, s17  }
0x8e: {  	[smem:$0x3FC6] =	sst s2  }
0x8f: {  	_ = 	snop  }
0x90: {  	s2 =	sld [smem:$0x3FD0];
	(tm) =	ssettm $0x1  }
0x91: {  	s18 =	sld [smem:$0x3FFB];
	_ =	sdelay $0x3  }
0x92: {  	_ =	strace s18  }
0x93: {  	s3 =	sld [smem:$0x3FFC];
	_ =	sdelay $0x3  }
0x94: {  	_ =	strace s3  }
0x95: {  	s3 =	sld [smem:$0x3FFD];
	_ =	sdelay $0x3  }
0x96: {  	_ =	strace s3  }
0x97: {  	_ =	strace $0x8FFFFFFF  }
0x98: {  	s19 =	sld [smem:$0x3FDB];
	_ =	sdelay $0x1  }
0x99: {  	s4 =	simm.s32 $_scs_section_size  }
0x9a: {  	s5 =	simm.s32 $_size__tile_overlayer_lowered;
	s6 =	simm.s32 $_tile_overlayer_lowered  }
0x9b: {  	s22 =	simm.s32 $0x1BFF;
	s21 =	sshll.u32 s6, $0x1;
	s3 =	sadd.s32 s4, s19  }
0x9c: {  	s7 =	simm.s32 $0x0;
	s20 =	sshll.u32 s5, $0x1;
	s5 =	sadd.s32 s21, s3  }
0x9d: {  	[timem:s7], [sflag:s22] =	dma.local [hbm:s5], s20  }
0x9e: {  	_ =	swait.ge [sflag:s22], s20  }
0x9f: {  	s4 =	ssub.s32 $0x0, s20;
	[sflag:s22] =	ssyncset.done $0x0  }
0xa0: {  	[sflag:s22] =	ssyncadd.s32 s4;
	_ =	sdelay $0x1  }
0xa1: {  	s23 =	simm.s32 $0x1B8B  }
0xa2: {  	_ =	swait.ge [sflag:s23], $0x1  }
0xa3: {  	[sflag:s23] =	ssyncset.done $0x0  }
0xa4: {  	s25 =	simm.s32 $0x1B8E;
	s24 =	sld [smem:$0x3FFE];
	[sflag:s23] =	ssyncadd.s32 $0xFFFFFFFF  }
0xa5: {  	s26 =	simm.s32 $execute0_lowered;
	[smem:$0x3FD2] =	sst s25  }
0xa6: {  	s5 =	sshll.u32 s26, $0x1;
	_ =	strace $0x80000046;
	[dreg:$0x1] =	wrdreg $0xFFFFFFFF  }
0xa7: {  	s28 =	simm.s32 $_size_execute0_lowered;
	s3 =	sadd.s32 s3, s5;
	[dreg:$0x0] =	wrdreg $0x0  }
0xa8: {  	s5 =	sshll.u32 s28, $0x1;
	[dreg:$0x2] =	wrdreg s3  }
0xa9: {  	[dreg:$0x3] =	wrdreg s5  }
0xaa: {  	[dreg:$0x4] =	wrdreg $0xC0  }
0xab: {  	_ =	task [dreg:s7], $0x5FFFF  }
0xac: {  	[dreg:$0x1] =	wrdreg $0xFFFFFFFF  }
0xad: {  	[dreg:$0x0] =	wrdreg $0x60  }
0xae: {  	[dreg:$0x2] =	wrdreg s24  }
0xaf: {  	[dreg:$0x3] =	wrdreg s2  }
0xb0: {  	[dreg:$0x4] =	wrdreg $0x0  }
0xb1: {  	[dreg:$0x5] =	wrdreg $0x9  }
0xb2: {  	_ =	task.clear_ibuf [dreg:s7], $0x6FFFF;
	_ =	strace $0x90000046  }
0xb3: {  	s29 =	simm.s32 $0x9;
	_ =	strace $0x80000048  }
0xb4: {  	_ =	swait.ge [sflag:s29], $0x1  }
0xb5: {  	[sflag:s29] =	ssyncadd.s32 $0xFFFFFFFF  }
0xb6: {  	_ =	strace $0x90000048  }
0xb7: {  	_ =	sfence  }
0xb8: {  	s30 =	sld [smem:$0x0];
	_ =	sdelay $0x2  }
0xb9: {  	s31 =	sshll.u32 s1, $0xD;
	s1 =	sshrl.u32 s1, $0x2  }
0xba: {  	s3 =	sand.u32 $0x4000, s31;
	s1 =	sadd.s32 s1, s30  }
0xbb: {  	s0 =	sor.u32 s3, s0;
	s1 =	sshll.u32 s1, $0x11  }
0xbc: {  	s0 =	sor.u32 s1, s0  }
0xbd: {  	s0 =	sadd.s32 $0x8F2B, s0  }
0xbe: {  	[sflag:s0] =	ssyncadd.remote.s32 $0x1  }
0xbf: {  	_ =	sfence.sel $0xFFFF  }
0xc0: {  	[dreg:$0x0] =	wrdreg $0xFFFFFFFF;
	(pc) =	sbr.abs _section_cstart, $3  }
0xc1: {  	[dreg:$0x1] =	wrdreg $0xFFFFFFFF  }
0xc2: {  	_ =	task.clear_ibuf [dreg:s7], $0x2FFFF;
	_ =	strace $0x9FFFFFFF  }
0xc3: {  	(tm) =	ssettm $0x7FFFFFFF  }
tec
execute0_lowered:
.L_overlay_start_1:
0x0: {  	(tag) =	ssettag $0x1  }
0x1: {  	s0 =	rddreg [dreg:$0x0]  }
0x2: {  	s8 =	rddreg [dreg:$0x2]  }
0x3: {  	s1 =	simm.s32 $0x0;
	s7 =	stileid.u32;
	s2 =	srdreg.scid  }
0x4: {  	[smem:$0x7FF] =	sst s1;
	s21 =	smul.u32 $0xC340, s7  }
0x5: {  	s9 =	sadd.s32 $0x800, s0;
	s2 =	sand.u32 $0x1, s2;
	s5 =	sshll.u32 s7, $0xA  }
0x6: {  	s23 =	sshll.u32 s7, $0x6;
	_ =	strace $0x80000047;
	s4 =	ssub.s32 $0x2, s2  }
0x7: {  	s2 =	sshll.u32 s2, $0x9;
	s24 =	sor.u32 $0x1C05, s23;
	[dreg:$0x4] =	wrdreg s9  }
0x8: {  	s3 =	sshrl.u32 s21, $0x3;
	s10 =	sor.u32 s2, s5;
	[dreg:$0x7] =	wrdreg s24  }
0x9: {  	s3 =	sadd.s32 s3, s0;
	s0 =	sadd.s32 $0x7CE80, s0;
	[dreg:$0x5] =	wrdreg s10  }
0xa: {  	s6 =	sshrl.u32 s4, $0x1;
	s26 =	sor.u32 $0x20, s10;
	[dreg:$0x8] =	wrdreg s0  }
0xb: {  	v1 =	vimm.s32 $0xECA86420;
	v0 =	vlaneseq.u32;
	vm0 =	vcmask $0xB08;
	s1 =	sadd.s32 s21, s8;
	s29 =	sor.u32 $0x30, s10;
	[dreg:$0xb] =	wrdreg s26  }
0xc: {  	vm1 =	vcmask $0x1310;
	vm2 =	vcmask $0x1B18;
	vm3 =	vcmask $0x300;
	s22 =	ssub.s32 s4, s6;
	s31 =	sshrl.u32 s1, $0x3;
	[dreg:$0xc] =	wrdreg s29  }
0xd: {  	vm4 =	vcmask $0x2320;
	vm5 =	vcmask $0x2B28;
	vm6 =	vcmask $0x3330;
	s5 =	smul.u32 $0x19, s10;
	s3 =	sadd.s32 $0x64800, s3;
	[dreg:$0xe] =	wrdreg s31  }
0xe: {  	vm7 =	vcmask $0x3B38;
	vm8 =	vmmov $0xff;
	vm9 =	vcmask $0x704;
	s28 =	simm.s32 $0x15950;
	s30 =	smax.u32 s22, $0x1;
	[dreg:$0x6] =	wrdreg s3  }
0xf: {  	vm10 =	vcmask $0xF0C;
	vm11 =	vcmask $0x1714;
	vm12 =	vcmask $0x1F1C;
	p0 =	sne.s32 s7, $0xF;
	s25 =	sadd.s32 s9, s5;
	[dreg:$0xd] =	wrdreg s30  }
0x10: {  	vm13 =	vcmask $0x2724;
	vm14 =	vcmask $0x2F2C;
	v1 =	vunpack.c.l.s4.s8 v1;
	s3 =	sadd.s32 $0xC3400, s8;
	[dreg:$0x9] =	wrdreg s25;
	s0 =	sadd.s32 $0x190, s25  }
0x11: {  	vm15 =	vcmask $0x3734;
	v2 =	vmul.u32 $0x2, v0;
	v3 =	vshrl.u32 v0, $0x2;
	s21 =	simm.s32 $0xF550;
	[dreg:$0xa] =	wrdreg s0;
	s0 =	sshrl.u32 @!p0 s3, $0x3  }
0x12: {  	v4 =	vand.u32 $0x3, v0;
	v3 =	vmul.u32 $0x8, v3;
	v1 =	vunpack.c.0.s8.s32 v1;
	s4 =	simm.s32 $0xC350;
	s1 =	simm.s32 $0x0;
	[dreg:$0xf] =	wrdreg s0  }
.LBB2_1:
0x13: {  	[dreg:$0x10] =	wrdreg s1  }
0x14: {  	s0 =	rddreg [dreg:$0x6]  }
0x15: {  	s1 =	rddreg [dreg:$0x7]  }
0x16: {  	s2 =	rddreg [dreg:$0xe];
	s29 =	simm.s32 $0x5  }
0x17: {  	[spmem:s2], [sflag:s1] =	dma.local [hbm:s0], $0x1868  }
0x18: {  	_ =	swait.ge [sflag:s29], $0x1868  }
0x19: {  	[sflag:s29] =	ssyncset.done $0x0;
	s0 =	rddreg [dreg:$0x8]  }
0x1a: {  	s3 =	rddreg [dreg:$0xf];
	[sflag:s29] =	ssyncadd.s32 $0xFFFFE798  }
0x1b: {  	[spmem:s3], [sflag:s1] =	dma.local @!p0 [hbm:s0], $0x20  }
0x1c: {  	s0 =	simm.s32 @!p0 $0x5  }
0x1d: {  	_ =	swait.ge @!p0 [sflag:s0], $0x20  }
0x1e: {  	[sflag:s0] =	ssyncset.done @!p0 $0x0  }
0x1f: {  	[sflag:s0] =	ssyncadd.s32 @!p0 $0xFFFFFFE0  }
0x20: {  	[bflag:$0x0] =	sbarrier.arrive $0xFFFF  }
0x21: {  	s30 =	simm.s32 $0x0;
	s31 =	rddreg [dreg:$0x9]  }
0x22: {  	[tilespmem:s4], [sflag:$0x5] =	stream.linear.gather [hbm4b:s31+s30], $0xC80, $0x38;
	[tilespmem:$0x1EF50] =	vst v63  }
0x23: {  	_ =	swait.ge [sflag:s29], $0xC80  }
0x24: {  	[sflag:s29] =	ssyncset.done $0x0  }
0x25: {  	s1 =	simm.s32 $0xDC70;
	s0 =	simm.s32 $0x30;
	[sflag:s29] =	ssyncadd.s32 $0xFFFFF380  }
.LBB2_2:
0x26: {  	[dreg:$0x14] =	wrdreg s0  }
0x27: {  	s0 =	rddreg [dreg:$0x14]  }
0x28: {  	s0 =	sadd.s32 $0xFFFFFFD0, s0  }
0x29: {  	v5 =	vor.u32 s0, v0  }
0x2a: {  	(v2sf) =	vpush v5, $0xD;
	_ =	sdelay $0x1  }
0x2b: {  	(v2sf) =	vpush v5, $0xC;
	_ =	sdelay $0x1  }
0x2c: {  	(v2sf) =	vpush v5, $0xE;
	_ =	sdelay $0x1  }
0x2d: {  	(v2sf) =	vpush v5, $0xF;
	_ =	sdelay $0x1  }
0x2e: {  	(v2sf) =	vpush v5, $0x9;
	_ =	sdelay $0x1  }
0x2f: {  	(v2sf) =	vpush v5, $0x8;
	_ =	sdelay $0x1  }
0x30: {  	(v2sf) =	vpush v5, $0xA;
	_ =	sdelay $0x1  }
0x31: {  	(v2sf) =	vpush v5, $0xB  }
0x32: {  	[dreg:$0x17] =	wrdreg s1;
	s1 =	spop (v2sf)  }
0x33: {  	(v2sf) =	vpush v5, $0x0;
	s19 =	smulhi.u32 $0x51EB851F, s1;
	s0 =	sshra.s32 s1, $0x1F  }
0x34: {  	s2 =	spop (v2sf);
	s22 =	smul.u32 $0x51EB851F, s0  }
0x35: {  	(v2sf) =	vpush v5, $0x1;
	s23 =	smulhi.u32 $0x51EB851F, s2;
	s0 =	sshra.s32 s2, $0x1F  }
0x36: {  	s3 =	spop (v2sf);
	s16 =	smul.u32 $0x51EB851F, s0  }
0x37: {  	s24 =	smulhi.u32 $0x51EB851F, s3;
	s0 =	sshra.s32 s3, $0x1F  }
0x38: {  	(v2sf) =	vpush v5, $0x2;
	s4 =	spop (v2sf);
	s8 =	smul.u32 $0x51EB851F, s0  }
0x39: {  	s25 =	smulhi.u32 $0x51EB851F, s4;
	s0 =	sshra.s32 s4, $0x1F  }
0x3a: {  	s5 =	spop (v2sf);
	s9 =	smul.u32 $0x51EB851F, s0  }
0x3b: {  	(v2sf) =	vpush v5, $0x3;
	s26 =	smulhi.u32 $0x51EB851F, s5;
	s0 =	sshra.s32 s5, $0x1F  }
0x3c: {  	s6 =	spop (v2sf);
	s14 =	smul.u32 $0x51EB851F, s0  }
0x3d: {  	s29 =	smulhi.u32 $0x51EB851F, s6;
	s0 =	sshra.s32 s6, $0x1F  }
0x3e: {  	(v2sf) =	vpush v5, $0x4;
	s7 =	spop (v2sf);
	s20 =	smul.u32 $0x51EB851F, s0  }
0x3f: {  	s30 =	smulhi.u32 $0x51EB851F, s7;
	s0 =	sshra.s32 s7, $0x1F  }
0x40: {  	s10 =	spop (v2sf);
	s7 =	smul.u32 $0x51EB851F, s0  }
0x41: {  	(v2sf) =	vpush v5, $0x5;
	s31 =	smulhi.u32 $0x51EB851F, s10;
	s0 =	sshra.s32 s10, $0x1F  }
0x42: {  	s12 =	spop (v2sf);
	s18 =	smul.u32 $0x51EB851F, s0  }
0x43: {  	s11 =	rddreg [dreg:$0x14];
	s13 =	smulhi.u32 $0x51EB851F, s12;
	s0 =	sshra.s32 s12, $0x1F  }
0x44: {  	s1 =	sadd.s32 $0xFFFFFFE0, s11;
	(v2sf) =	vpush v5, $0x6;
	s17 =	smul.u32 $0x51EB851F, s0;
	s15 =	spop (v2sf)  }
0x45: {  	v6 =	vor.u32 s1, v0;
	s2 =	smulhi.u32 $0x51EB851F, s15;
	s1 =	sshra.s32 s15, $0x1F  }
0x46: {  	(v2sf) =	vpush v5, $0x7;
	s15 =	smul.u32 $0x51EB851F, s1  }
0x47: {  	[smem:$0x7A2] =	sst s2;
	s2 =	spop (v2sf)  }
0x48: {  	(v2sf) =	vpush v6, $0xD;
	s3 =	smulhi.u32 $0x51EB851F, s2;
	s2 =	sshra.s32 s2, $0x1F  }
0x49: {  	s12 =	smul.u32 $0x51EB851F, s2  }
0x4a: {  	(v2sf) =	vpush v6, $0xC;
	[smem:$0x7A3] =	sst s3;
	s3 =	spop (v2sf)  }
0x4b: {  	s4 =	smulhi.u32 $0x51EB851F, s3;
	s3 =	sshra.s32 s3, $0x1F  }
0x4c: {  	(v2sf) =	vpush v6, $0xE;
	s0 =	smul.u32 $0x51EB851F, s3  }
0x4d: {  	[smem:$0x7A4] =	sst s4;
	s4 =	spop (v2sf)  }
0x4e: {  	(v2sf) =	vpush v6, $0xF;
	s5 =	smulhi.u32 $0x51EB851F, s4;
	s4 =	sshra.s32 s4, $0x1F  }
0x4f: {  	s1 =	smul.u32 $0x51EB851F, s4  }
0x50: {  	[smem:$0x7A5] =	sst s5;
	s5 =	spop (v2sf)  }
0x51: {  	s6 =	smulhi.u32 $0x51EB851F, s5;
	s5 =	sshra.s32 s5, $0x1F  }
0x52: {  	[smem:$0x7A1] =	sst s13;
	(v2sf) =	vpush v6, $0x9;
	s10 =	smul.u32 $0x51EB851F, s5  }
0x53: {  	[smem:$0x7A6] =	sst s6;
	s6 =	spop (v2sf)  }
0x54: {  	[smem:$0x7A7] =	sst s10;
	s11 =	smulhi.u32 $0x51EB851F, s6;
	s6 =	sshra.s32 s6, $0x1F  }
0x55: {  	(v2sf) =	vpush v6, $0x8;
	s10 =	spop (v2sf);
	s13 =	smul.u32 $0x51EB851F, s6  }
0x56: {  	s3 =	smulhi.u32 $0x51EB851F, s10;
	s10 =	sshra.s32 s10, $0x1F;
	[smem:$0x7A8] =	sst s11  }
0x57: {  	(v2sf) =	vpush v6, $0xA;
	s2 =	smul.u32 $0x51EB851F, s10;
	s11 =	spop (v2sf)  }
0x58: {  	s10 =	smulhi.u32 $0x51EB851F, s11;
	s11 =	sshra.s32 s11, $0x1F  }
0x59: {  	s5 =	spop (v2sf);
	s4 =	smul.u32 $0x51EB851F, s11  }
0x5a: {  	[smem:$0x7A9] =	sst s13;
	s6 =	smulhi.u32 $0x51EB851F, s5  }
0x5b: {  	s11 =	sshra.s32 s5, $0x1F;
	s13 =	spop (v2sf);
	[smem:$0x7AB] =	sst s4  }
0x5c: {  	(v2sf) =	vpush v6, $0xB;
	s11 =	smul.u32 $0x51EB851F, s11;
	[smem:$0x7AC] =	sst s6  }
0x5d: {  	s4 =	smulhi.u32 $0x51EB851F, s13;
	s6 =	spop (v2sf)  }
0x5e: {  	(v2sf) =	vpush v6, $0x0;
	[smem:$0x7AD] =	sst s11;
	s11 =	sshra.s32 s13, $0x1F;
	s13 =	smulhi.u32 $0x51EB851F, s6  }
0x5f: {  	s5 =	smul.u32 $0x51EB851F, s11;
	s11 =	sshra.s32 s6, $0x1F  }
0x60: {  	(v2sf) =	vpush v6, $0x1;
	[smem:$0x7AE] =	sst s4;
	s4 =	smul.u32 $0x51EB851F, s11  }
0x61: {  	[smem:$0x7AF] =	sst s5;
	s5 =	spop (v2sf)  }
0x62: {  	[smem:$0x7B0] =	sst s13;
	s6 =	smulhi.u32 $0x51EB851F, s5;
	s11 =	sshra.s32 s5, $0x1F  }
0x63: {  	[smem:$0x7B1] =	sst s4;
	s11 =	smul.u32 $0x51EB851F, s11  }
0x64: {  	(v2sf) =	vpush v6, $0x2;
	s13 =	spop (v2sf);
	[smem:$0x7B2] =	sst s6  }
0x65: {  	s4 =	smulhi.u32 $0x51EB851F, s13;
	[smem:$0x7B3] =	sst s11;
	s11 =	sshra.s32 s13, $0x1F  }
0x66: {  	s6 =	spop (v2sf);
	s5 =	smul.u32 $0x51EB851F, s11  }
0x67: {  	[smem:$0x7B4] =	sst s4;
	s13 =	smulhi.u32 $0x51EB851F, s6  }
0x68: {  	(v2sf) =	vpush v6, $0x3;
	s11 =	sshra.s32 s6, $0x1F;
	[smem:$0x7B5] =	sst s5  }
0x69: {  	s4 =	smul.u32 $0x51EB851F, s11;
	[smem:$0x7B6] =	sst s13  }
0x6a: {  	(v2sf) =	vpush v6, $0x4;
	s13 =	rddreg [dreg:$0x14]  }
0x6b: {  	s5 =	spop (v2sf);
	[smem:$0x7B7] =	sst s4  }
0x6c: {  	(v2sf) =	vpush v6, $0x5;
	s6 =	smulhi.u32 $0x51EB851F, s5;
	s11 =	sshra.s32 s5, $0x1F;
	s13 =	sadd.s32 $0xFFFFFFF0, s13  }
0x6d: {  	s19 =	sadd.s32 s22, s19;
	(v2sf) =	vpush v6, $0x6;
	s4 =	spop (v2sf);
	v7 =	vor.u32 s13, v0;
	s13 =	smul.u32 $0x51EB851F, s11  }
0x6e: {  	[smem:$0x7CF] =	sst s19;
	s5 =	smulhi.u32 $0x51EB851F, s4  }
0x6f: {  	s19 =	sadd.s32 s16, s23;
	[smem:$0x7B8] =	sst s6;
	s6 =	spop (v2sf)  }
0x70: {  	[smem:$0x7D0] =	sst s19;
	s11 =	sshra.s32 s4, $0x1F;
	s4 =	smulhi.u32 $0x51EB851F, s6  }
0x71: {  	[smem:$0x7B9] =	sst s5  }
0x72: {  	s5 =	smul.u32 $0x51EB851F, s11;
	s11 =	sshra.s32 s6, $0x1F;
	[smem:$0x7BA] =	sst s4  }
0x73: {  	s4 =	smul.u32 $0x51EB851F, s11;
	s11 =	spop (v2sf)  }
0x74: {  	s8 =	sadd.s32 s8, s24;
	s6 =	smulhi.u32 $0x51EB851F, s11;
	s11 =	sshra.s32 s11, $0x1F  }
0x75: {  	[smem:$0x7D1] =	sst s8;
	s11 =	smul.u32 $0x51EB851F, s11  }
0x76: {  	[smem:$0x7AA] =	sst s3  }
0x77: {  	[smem:$0x7BC] =	sst s11;
	s11 =	spop (v2sf)  }
0x78: {  	[smem:$0x7BB] =	sst s6;
	s6 =	smulhi.u32 $0x51EB851F, s11;
	s11 =	sshra.s32 s11, $0x1F  }
0x79: {  	s3 =	smul.u32 $0x51EB851F, s11;
	s11 =	spop (v2sf)  }
0x7a: {  	(v2sf) =	vpush v6, $0x7;
	[smem:$0x7BD] =	sst s6;
	s22 =	smulhi.u32 $0x51EB851F, s11  }
0x7b: {  	s23 =	spop (v2sf);
	s6 =	sld [smem:$0x7AA]  }
0x7c: {  	(v2sf) =	vpush v7, $0xD;
	s11 =	sshra.s32 s11, $0x1F;
	s16 =	smulhi.u32 $0x51EB851F, s23;
	s24 =	spop (v2sf)  }
0x7d: {  	s19 =	sshra.s32 s23, $0x1F;
	[smem:$0x7BE] =	sst s22;
	s22 =	smul.u32 $0x51EB851F, s11  }
0x7e: {  	s23 =	smul.u32 $0x51EB851F, s19;
	s8 =	sshra.s32 s24, $0x1F;
	[smem:$0x7C0] =	sst s16  }
0x7f: {  	(v2sf) =	vpush v7, $0xC;
	s11 =	smul.u32 $0x51EB851F, s8;
	s8 =	sld [smem:$0x7A3]  }
0x80: {  	[smem:$0x7BF] =	sst s22  }
0x81: {  	s16 =	sadd.s32 s7, s30;
	[smem:$0x7C1] =	sst s23  }
0x82: {  	[smem:$0x7D5] =	sst s16  }
0x83: {  	s22 =	sadd.s32 s9, s25;
	s9 =	sadd.s32 s20, s29;
	s29 =	sld [smem:$0x7A2]  }
0x84: {  	s25 =	sadd.s32 s14, s26;
	[smem:$0x7D2] =	sst s22  }
0x85: {  	[smem:$0x7D3] =	sst s25  }
0x86: {  	[smem:$0x7D4] =	sst s9  }
0x87: {  	[smem:$0x7C3] =	sst s11  }
0x88: {  	s26 =	smulhi.u32 $0x51EB851F, s24;
	s25 =	sld [smem:$0x7A1]  }
0x89: {  	s14 =	spop (v2sf);
	s11 =	sld [smem:$0x7A4]  }
0x8a: {  	s19 =	smulhi.u32 $0x51EB851F, s14;
	s22 =	sadd.s32 s18, s31;
	s18 =	sld [smem:$0x7A6]  }
0x8b: {  	(v2sf) =	vpush v7, $0xE;
	s20 =	sshra.s32 s14, $0x1F;
	s24 =	spop (v2sf);
	[smem:$0x7C2] =	sst s26  }
0x8c: {  	[smem:$0x7D6] =	sst s22;
	s23 =	smul.u32 $0x51EB851F, s20  }
0x8d: {  	s26 =	smulhi.u32 $0x51EB851F, s24;
	s20 =	sld [smem:$0x7A7]  }
0x8e: {  	s7 =	sshra.s32 s24, $0x1F;
	s31 =	spop (v2sf);
	[smem:$0x7C4] =	sst s19  }
0x8f: {  	s19 =	sadd.s32 s15, s29;
	s30 =	smul.u32 $0x51EB851F, s7;
	s15 =	sld [smem:$0x7A5]  }
0x90: {  	(v2sf) =	vpush v7, $0xF;
	s9 =	smulhi.u32 $0x51EB851F, s31;
	s7 =	sshra.s32 s31, $0x1F;
	s31 =	sld [smem:$0x7A9]  }
0x91: {  	[smem:$0x7C5] =	sst s23  }
0x92: {  	[smem:$0x7C6] =	sst s26  }
0x93: {  	s24 =	sadd.s32 s0, s11;
	s11 =	sld [smem:$0x7AC]  }
0x94: {  	(v2sf) =	vpush v7, $0x9;
	[smem:$0x7C7] =	sst s30  }
0x95: {  	[smem:$0x7C8] =	sst s9  }
0x96: {  	s30 =	sld [smem:$0x7A8]  }
0x97: {  	s22 =	sadd.s32 s12, s8;
	s9 =	sld [smem:$0x7AB]  }
0x98: {  	s12 =	smul.u32 $0x51EB851F, s7;
	s29 =	sadd.s32 s20, s18;
	s18 =	sld [smem:$0x7B0]  }
0x99: {  	s20 =	sld [smem:$0x7B1]  }
0x9a: {  	s14 =	spop (v2sf);
	[smem:$0x7C9] =	sst s12  }
0x9b: {  	(v2sf) =	vpush v7, $0x8;
	s16 =	smulhi.u32 $0x51EB851F, s14;
	s12 =	sld [smem:$0x7AD]  }
0x9c: {  	(v2sf) =	vpush v7, $0xA;
	s7 =	sshra.s32 s14, $0x1F;
	s26 =	sadd.s32 s1, s15;
	s15 =	sld [smem:$0x7AE]  }
0x9d: {  	s23 =	smul.u32 $0x51EB851F, s7;
	[smem:$0x7CA] =	sst s16  }
0x9e: {  	s16 =	sld [smem:$0x7AF]  }
0x9f: {  	s17 =	sadd.s32 s17, s25;
	[smem:$0x7CB] =	sst s23;
	s25 =	spop (v2sf)  }
0xa0: {  	s30 =	sadd.s32 s31, s30;
	s31 =	sadd.s32 s2, s6;
	s1 =	smulhi.u32 $0x51EB851F, s25  }
0xa1: {  	s7 =	sshra.s32 s25, $0x1F;
	s2 =	sadd.s32 s16, s15;
	s15 =	sld [smem:$0x7B7]  }
0xa2: {  	s7 =	smul.u32 $0x51EB851F, s7;
	[smem:$0x7CC] =	sst s1  }
0xa3: {  	s8 =	spop (v2sf);
	s1 =	sadd.s32 s9, s10;
	[smem:$0x7D9] =	sst s2  }
0xa4: {  	(v2sf) =	vpush v7, $0xB;
	s10 =	smulhi.u32 $0x51EB851F, s8;
	s0 =	sshra.s32 s8, $0x1F;
	s8 =	sld [smem:$0x7B3]  }
0xa5: {  	s9 =	sld [smem:$0x7B4]  }
0xa6: {  	(v2sf) =	vpush v7, $0x0;
	[smem:$0x7CD] =	sst s7  }
0xa7: {  	s2 =	sadd.s32 s20, s18;
	[smem:$0x7D7] =	sst s1  }
0xa8: {  	[smem:$0x7DA] =	sst s2  }
0xa9: {  	s7 =	sld [smem:$0x7B2]  }
0xaa: {  	s14 =	spop (v2sf);
	s1 =	sadd.s32 s12, s11;
	s12 =	sld [smem:$0x7B6]  }
0xab: {  	s23 =	spop (v2sf);
	[smem:$0x7CE] =	sst s10  }
0xac: {  	[smem:$0x7D8] =	sst s1;
	s1 =	smul.u32 $0x51EB851F, s0  }
0xad: {  	s0 =	sshra.s32 s14, $0x1F;
	s18 =	smulhi.u32 $0x51EB851F, s23;
	s10 =	sld [smem:$0x7B5]  }
0xae: {  	s16 =	smul.u32 $0x51EB851F, s0;
	s0 =	sshra.s32 s23, $0x1F;
	s23 =	sld [smem:$0x7B8]  }
0xaf: {  	(v2sf) =	vpush v7, $0x1;
	s2 =	sadd.s32 s8, s7;
	s7 =	sld [smem:$0x7B9]  }
0xb0: {  	s25 =	smulhi.u32 $0x51EB851F, s14;
	s8 =	sld [smem:$0x7BA]  }
0xb1: {  	(v2sf) =	vpush v7, $0x2;
	s14 =	smul.u32 $0x51EB851F, s0;
	s0 =	sadd.s32 s15, s12;
	s12 =	sld [smem:$0x7BC]  }
0xb2: {  	[smem:$0x7DB] =	sst s2  }
0xb3: {  	s11 =	spop (v2sf);
	[smem:$0x7DD] =	sst s0  }
0xb4: {  	s2 =	sadd.s32 s10, s9;
	s20 =	sshra.s32 s11, $0x1F;
	s10 =	sld [smem:$0x7BB]  }
0xb5: {  	s6 =	spop (v2sf);
	s16 =	sadd.s32 s16, s25;
	[smem:$0x7DC] =	sst s2  }
0xb6: {  	s0 =	sadd.s32 s13, s23;
	s13 =	smul.u32 $0x51EB851F, s20;
	s2 =	rddreg [dreg:$0x14]  }
0xb7: {  	s23 =	smulhi.u32 $0x51EB851F, s6;
	s20 =	sshra.s32 s6, $0x1F;
	s6 =	sld [smem:$0x7BF]  }
0xb8: {  	(v2sf) =	vpush v7, $0x3;
	[smem:$0x7EC] =	sst s16  }
0xb9: {  	s15 =	smulhi.u32 $0x51EB851F, s11;
	[smem:$0x7DE] =	sst s0  }
0xba: {  	s11 =	smul.u32 $0x51EB851F, s20;
	s20 =	sld [smem:$0x7BD]  }
0xbb: {  	s0 =	sadd.s32 s5, s7;
	s5 =	sld [smem:$0x7BE]  }
0xbc: {  	s7 =	sld [smem:$0x7C0]  }
0xbd: {  	(v2sf) =	vpush v7, $0x4;
	[smem:$0x7DF] =	sst s0  }
0xbe: {  	s9 =	spop (v2sf);
	s0 =	sadd.s32 s4, s8;
	s8 =	sld [smem:$0x7C1]  }
0xbf: {  	v8 =	vor.u32 s2, v0;
	s2 =	sadd.s32 s12, s10;
	s12 =	smulhi.u32 $0x51EB851F, s9;
	[smem:$0x7E0] =	sst s0  }
0xc0: {  	s4 =	spop (v2sf);
	[smem:$0x7E1] =	sst s2  }
0xc1: {  	s0 =	sshra.s32 s9, $0x1F;
	s9 =	smulhi.u32 $0x51EB851F, s4;
	s2 =	sadd.s32 s3, s20  }
0xc2: {  	s10 =	smul.u32 $0x51EB851F, s0;
	s0 =	sshra.s32 s4, $0x1F;
	s4 =	sld [smem:$0x7C2]  }
0xc3: {  	[smem:$0x7E2] =	sst s2  }
0xc4: {  	s2 =	sadd.s32 s6, s5;
	s5 =	sld [smem:$0x7C3]  }
0xc5: {  	s6 =	sld [smem:$0x7C4]  }
0xc6: {  	[smem:$0x7E4] =	sst s2;
	s2 =	sadd.s32 s8, s7;
	s8 =	smul.u32 $0x51EB851F, s0  }
0xc7: {  	s20 =	spop (v2sf);
	[smem:$0x7E5] =	sst s2  }
0xc8: {  	s7 =	smulhi.u32 $0x51EB851F, s20;
	s0 =	sshra.s32 s20, $0x1F;
	s20 =	sld [smem:$0x7C5]  }
0xc9: {  	s2 =	sadd.s32 s5, s4;
	s5 =	sld [smem:$0x7C6]  }
0xca: {  	[smem:$0x7E6] =	sst s2  }
0xcb: {  	(v2sf) =	vpush v7, $0x5;
	s14 =	sadd.s32 s14, s18;
	s2 =	sadd.s32 s20, s6;
	s20 =	sld [smem:$0x7C7]  }
0xcc: {  	[smem:$0x7ED] =	sst s14;
	s4 =	spop (v2sf)  }
0xcd: {  	(v2sf) =	vpush v7, $0x6;
	s6 =	smul.u32 $0x51EB851F, s0;
	s0 =	sshra.s32 s4, $0x1F;
	[smem:$0x7E3] =	sst s2  }
0xce: {  	(v2sf) =	vpush v7, $0x7;
	s2 =	sadd.s32 s20, s5;
	s5 =	smulhi.u32 $0x51EB851F, s4;
	s4 =	sld [smem:$0x7C8]  }
0xcf: {  	s20 =	sld [smem:$0x7C9]  }
0xd0: {  	(v2sf) =	vpush v8, $0xD;
	s3 =	sld [smem:$0x7CA]  }
0xd1: {  	[smem:$0x7E7] =	sst s2  }
0xd2: {  	s13 =	sadd.s32 s13, s15;
	s2 =	sadd.s32 s20, s4;
	s20 =	sld [smem:$0x7CB]  }
0xd3: {  	[smem:$0x7EE] =	sst s13  }
0xd4: {  	[smem:$0x7E8] =	sst s2  }
0xd5: {  	s2 =	sadd.s32 s20, s3;
	s20 =	sld [smem:$0x7CD]  }
0xd6: {  	[smem:$0x7E9] =	sst s2  }
0xd7: {  	s8 =	sadd.s32 s8, s9;
	s2 =	sld [smem:$0x7CC]  }
0xd8: {  	[smem:$0x7F0] =	sst s8;
	s6 =	sadd.s32 s6, s7  }
0xd9: {  	[smem:$0x7F4] =	sst s6;
	s4 =	smul.u32 $0x51EB851F, s0  }
0xda: {  	s0 =	spop (v2sf);
	s2 =	sadd.s32 s20, s2;
	s20 =	sld [smem:$0x7CE]  }
0xdb: {  	s3 =	smulhi.u32 $0x51EB851F, s0;
	s0 =	sshra.s32 s0, $0x1F;
	[smem:$0x7EA] =	sst s2  }
0xdc: {  	s2 =	smul.u32 $0x51EB851F, s0;
	s0 =	spop (v2sf)  }
0xdd: {  	s6 =	sld [smem:$0x7D5];
	s4 =	sadd.s32 s4, s5;
	s25 =	spop (v2sf)  }
0xde: {  	[smem:$0x7F6] =	sst s4;
	s1 =	sadd.s32 s1, s20;
	s14 =	smulhi.u32 $0x51EB851F, s25  }
0xdf: {  	s18 =	spop (v2sf);
	s2 =	sadd.s32 s2, s3;
	s3 =	sld [smem:$0x7D4]  }
0xe0: {  	s16 =	sshra.s32 s25, $0x1F;
	[smem:$0x7EB] =	sst s1;
	s1 =	smulhi.u32 $0x51EB851F, s0  }
0xe1: {  	s16 =	smul.u32 $0x51EB851F, s16;
	[smem:$0x7F7] =	sst s2  }
0xe2: {  	s20 =	smulhi.u32 $0x51EB851F, s18;
	s25 =	sshra.s32 s18, $0x1F;
	s18 =	sld [smem:$0x7D0]  }
0xe3: {  	s13 =	sadd.s32 s10, s12;
	s12 =	smul.u32 $0x51EB851F, s25;
	s25 =	sld [smem:$0x7D2]  }
0xe4: {  	s0 =	sshra.s32 s0, $0x1F;
	s14 =	sadd.s32 s16, s14;
	s16 =	sld [smem:$0x7CF]  }
0xe5: {  	s0 =	smul.u32 $0x51EB851F, s0;
	[smem:$0x7F5] =	sst s14  }
0xe6: {  	s15 =	sadd.s32 s12, s20;
	s20 =	sld [smem:$0x7D1]  }
0xe7: {  	s0 =	sadd.s32 s0, s1;
	s1 =	sld [smem:$0x7D3]  }
0xe8: {  	[dreg:$0x1d] =	wrdreg s0  }
0xe9: {  	s23 =	sadd.s32 s11, s23;
	s4 =	sshrl.u32 s18, $0x1F;
	[dreg:$0x1b] =	wrdreg s15  }
0xea: {  	s12 =	sshrl.u32 s25, $0x1F;
	s11 =	sshra.s32 s25, $0x6;
	s15 =	sshrl.u32 s3, $0x1F  }
0xeb: {  	v11 =	vmov s4;
	s0 =	sshra.s32 s19, $0x6;
	s4 =	sshra.s32 s19, $0x1F;
	s2 =	sshrl.u32 s16, $0x1F  }
0xec: {  	s7 =	sshrl.u32 s20, $0x1F;
	s9 =	sshra.s32 s20, $0x6;
	s20 =	sld [smem:$0x7D6]  }
0xed: {  	s8 =	sshra.s32 s16, $0x6;
	s16 =	sshra.s32 s3, $0x6;
	v30 =	vmov s15;
	s15 =	sshra.s32 s29, $0x1F  }
0xee: {  	s14 =	sshrl.u32 s1, $0x1F;
	s10 =	sshra.s32 s1, $0x6;
	s1 =	sshrl.u32 s17, $0x1F  }
0xef: {  	v9 =	vmov s1;
	s25 =	sshrl.u32 s20, $0x1F;
	s3 =	sshra.s32 s20, $0x6;
	s20 =	sshra.s32 s31, $0x1F  }
0xf0: {  	v11 =	vsel vm0, s2, v11;
	s1 =	sshra.s32 s17, $0x1F;
	v9 =	vnsel vm3, $0x0, v9;
	v10 =	vmov s20;
	s20 =	sshra.s32 s17, $0x6;
	s17 =	sshrl.u32 s19, $0x1F  }
0xf1: {  	s2 =	sshra.s32 s22, $0x1F;
	v11 =	vsel vm1, s7, v11;
	s7 =	sshra.s32 s24, $0x6;
	v10 =	vsel vm3, s20, v10;
	s20 =	sshrl.u32 s22, $0x1F;
	v9 =	vsel vm0, s17, v9  }
0xf2: {  	s17 =	sshra.s32 s26, $0x1F;
	v10 =	vsel vm9, s1, v10;
	s1 =	sshra.s32 s22, $0x6;
	s22 =	sshrl.u32 s24, $0x1F;
	v12 =	vsel vm1, s20, v9  }
0xf3: {  	s20 =	sshra.s32 s24, $0x1F;
	s24 =	sshrl.u32 s26, $0x1F;
	v10 =	vsel vm0, s0, v10;
	v29 =	vsel vm2, s22, v12;
	s22 =	sshra.s32 s30, $0x1F  }
0xf4: {  	v28 =	vsel vm2, s12, v11;
	s0 =	sshra.s32 s31, $0x6;
	v10 =	vsel vm10, s4, v10;
	s4 =	sshra.s32 s26, $0x6;
	s26 =	sshrl.u32 s29, $0x1F;
	v11 =	vsel vm4, s24, v29  }
0xf5: {  	v10 =	vsel vm1, s1, v10;
	s1 =	sshra.s32 s29, $0x6;
	s29 =	sshrl.u32 s30, $0x1F;
	v11 =	vsel vm5, s26, v11;
	s26 =	sld [smem:$0x7DA]  }
0xf6: {  	v10 =	vsel vm11, s2, v10;
	s2 =	sshra.s32 s30, $0x6;
	s30 =	sshrl.u32 s31, $0x1F;
	s31 =	sld [smem:$0x7D7]  }
0xf7: {  	v13 =	vsel vm6, s29, v11;
	s29 =	sld [smem:$0x7DB]  }
0xf8: {  	v32 =	vsel vm7, s30, v13;
	s30 =	sld [smem:$0x7DC]  }
0xf9: {  	s5 =	sshra.s32 s18, $0x6;
	v14 =	vsel vm2, s7, v10;
	s7 =	sld [smem:$0x7DE]  }
0xfa: {  	v34 =	vmov s5;
	v33 =	vsel vm12, s20, v14;
	s20 =	sld [smem:$0x7D9];
	s5 =	sshra.s32 s26, $0x6  }
0xfb: {  	s18 =	sshrl.u32 s6, $0x1F;
	v12 =	vsel vm0, s14, v30;
	s14 =	sshra.s32 s31, $0x6;
	[smem:$0x7F2] =	sst s5  }
0xfc: {  	v12 =	vsel vm1, s18, v12;
	[smem:$0x7EF] =	sst s14  }
0xfd: {  	v31 =	vsel vm2, s25, v12;
	v12 =	vsel vm4, s4, v33;
	s5 =	sshra.s32 s29, $0x6;
	s14 =	sld [smem:$0x7D8]  }
0xfe: {  	s6 =	sshra.s32 s6, $0x6;
	s18 =	sshrl.u32 s31, $0x1F;
	v12 =	vsel vm13, s17, v12;
	[smem:$0x7F3] =	sst s5  }
0xff: {  	v13 =	vsel vm0, s8, v34;
	s4 =	sshrl.u32 s26, $0x1F;
	s8 =	sshrl.u32 s29, $0x1F;
	v15 =	vsel vm5, s1, v12;
	s1 =	sld [smem:$0x7DD]  }
0x100: {  	v35 =	vmov s16;
	s24 =	sshrl.u32 s20, $0x1F;
	s25 =	sshra.s32 s20, $0x6;
	s20 =	sld [smem:$0x7E1]  }
0x101: {  	v14 =	vsel vm0, s10, v35;
	s31 =	sshrl.u32 s30, $0x1F;
	s10 =	sshra.s32 s30, $0x6;
	[smem:$0x7F1] =	sst s25  }
0x102: {  	v13 =	vsel vm1, s9, v13;
	v14 =	vsel vm1, s6, v14;
	s9 =	sshrl.u32 s7, $0x1F;
	s16 =	sshra.s32 s7, $0x6;
	s25 =	sld [smem:$0x7DF]  }
0x103: {  	v37 =	vsel vm2, s3, v14;
	s7 =	sld [smem:$0x7E3];
	v38 =	vsel vm14, s15, v15;
	s19 =	sshrl.u32 s14, $0x1F;
	s12 =	sshra.s32 s14, $0x6  }
0x104: {  	v16 =	vmov s31;
	v14 =	vsel vm6, s2, v38;
	s6 =	sshrl.u32 s1, $0x1F;
	s14 =	sshra.s32 s1, $0x6;
	v39 =	vmov s19;
	s19 =	sld [smem:$0x7E0]  }
0x105: {  	v16 =	vsel vm0, s8, v16;
	v14 =	vsel vm15, s22, v14;
	s8 =	sshra.s32 s20, $0x6;
	s22 =	sld [smem:$0x7E2];
	s26 =	sshrl.u32 s25, $0x1F  }
0x106: {  	s29 =	sshra.s32 s25, $0x6;
	s30 =	sshra.s32 s25, $0x1F;
	v15 =	vsel vm0, s18, v39;
	s25 =	sld [smem:$0x7E4]  }
0x107: {  	s18 =	sshrl.u32 s20, $0x1F;
	v15 =	vsel vm1, s24, v15;
	s24 =	sshra.s32 s7, $0x1F;
	v18 =	vmov s26;
	s26 =	sld [smem:$0x7E5]  }
0x108: {  	v36 =	vsel vm2, s11, v13;
	s11 =	sshrl.u32 s19, $0x1F;
	s15 =	sshra.s32 s19, $0x6;
	s17 =	sshra.s32 s19, $0x1F  }
0x109: {  	s19 =	sshra.s32 s20, $0x1F;
	s20 =	sshrl.u32 s22, $0x1F;
	s1 =	sshra.s32 s22, $0x6;
	v17 =	vmov s24  }
0x10a: {  	s5 =	sshra.s32 s22, $0x1F;
	s24 =	sshra.s32 s7, $0x6;
	v17 =	vsel vm3, s29, v17;
	s29 =	sld [smem:$0x7E6]  }
0x10b: {  	v15 =	vsel vm2, s4, v15;
	v18 =	vnsel vm3, $0x0, v18;
	s3 =	sshrl.u32 s25, $0x1F;
	s22 =	sshra.s32 s25, $0x6;
	s4 =	sshra.s32 s25, $0x1F  }
0x10c: {  	v16 =	vsel vm1, s6, v16;
	v18 =	vsel vm0, s11, v18;
	s11 =	sld [smem:$0x7E7];
	s2 =	sshrl.u32 s26, $0x1F;
	s6 =	sshra.s32 s26, $0x6;
	v17 =	vsel vm9, s30, v17  }
0x10d: {  	v14 =	vsel vm7, s0, v14;
	s31 =	sshra.s32 s26, $0x1F;
	v17 =	vsel vm0, s15, v17;
	s15 =	sshrl.u32 s7, $0x1F;
	s0 =	sshrl.u32 s29, $0x1F  }
0x10e: {  	s30 =	sshra.s32 s29, $0x6;
	s25 =	sshra.s32 s29, $0x1F;
	s29 =	sld [smem:$0x7E8]  }
0x10f: {  	s26 =	sshrl.u32 s11, $0x1F;
	s7 =	sshra.s32 s11, $0x6;
	s11 =	sld [smem:$0x7E9]  }
0x110: {  	v17 =	vsel vm10, s17, v17;
	s17 =	sld [smem:$0x7EA]  }
0x111: {  	[smem:$0x7F8] =	sst s7;
	v17 =	vsel vm1, s8, v17  }
0x112: {  	(v2sf) =	vpush v8, $0xC;
	v18 =	vsel vm1, s18, v18;
	v17 =	vsel vm11, s19, v17;
	s19 =	sld [smem:$0x7EB]  }
0x113: {  	v18 =	vsel vm2, s20, v18;
	s20 =	sshrl.u32 s11, $0x1F;
	s8 =	sshra.s32 s11, $0x6;
	s11 =	sld [smem:$0x7ED]  }
0x114: {  	(v2sf) =	vpush v8, $0xE;
	v17 =	vsel vm2, s1, v17;
	s1 =	sld [smem:$0x7EE]  }
0x115: {  	s18 =	sshra.s32 s17, $0x6;
	[smem:$0x7F9] =	sst s8  }
0x116: {  	[smem:$0x7FA] =	sst s18  }
0x117: {  	(v2sf) =	vpush v8, $0xF;
	s8 =	sld [smem:$0x7EC]  }
0x118: {  	(v2sf) =	vpush v8, $0x9;
	v18 =	vsel vm4, s3, v18;
	v19 =	vsel vm12, s5, v17;
	s5 =	sld [smem:$0x7F1];
	s3 =	sshra.s32 s19, $0x6  }
0x119: {  	(v2sf) =	vpush v8, $0x8;
	v18 =	vsel vm5, s2, v18;
	[smem:$0x7FB] =	sst s3  }
0x11a: {  	(v2sf) =	vpush v8, $0xA;
	v42 =	vmov s12;
	s12 =	sshra.s32 s13, $0x6;
	v18 =	vsel vm6, s0, v18;
	s0 =	sshra.s32 s1, $0x6;
	s3 =	sld [smem:$0x7EF]  }
0x11b: {  	(v2sf) =	vpush v8, $0xB;
	v16 =	vsel vm2, s9, v16;
	s7 =	sshrl.u32 s29, $0x1F;
	s9 =	sshra.s32 s29, $0x6;
	[smem:$0x7FD] =	sst s0  }
0x11c: {  	(v2sf) =	vpush v8, $0x0;
	s29 =	sshrl.u32 s17, $0x1F;
	v40 =	vsel vm7, s15, v18;
	s15 =	sshrl.u32 s23, $0x1F;
	s0 =	sld [smem:$0x7F0]  }
0x11d: {  	(v2sf) =	vpush v8, $0x1;
	s18 =	sshrl.u32 s19, $0x1F;
	v41 =	vsel vm4, s22, v19;
	s19 =	sshrl.u32 s11, $0x1F;
	s17 =	sshra.s32 s11, $0x6  }
0x11e: {  	(v2sf) =	vpush v8, $0x2;
	s11 =	sshra.s32 s23, $0x6;
	s23 =	sshra.s32 s23, $0x1F;
	v18 =	vsel vm13, s4, v41;
	v19 =	vsel vm0, s3, v42;
	s3 =	sld [smem:$0x7F2]  }
0x11f: {  	(v2sf) =	vpush v8, $0x3;
	s4 =	sshrl.u32 s13, $0x1F;
	v18 =	vsel vm5, s6, v18;
	s6 =	sshrl.u32 s0, $0x1F;
	v19 =	vsel vm1, s5, v19;
	s5 =	sld [smem:$0x7F3]  }
0x120: {  	(v2sf) =	vpush v8, $0x4;
	v20 =	vmov s10;
	s22 =	sshra.s32 s0, $0x6;
	s10 =	sshra.s32 s0, $0x1F;
	s0 =	sld [smem:$0x7F4]  }
0x121: {  	(v2sf) =	vpush v8, $0x5;
	[smem:$0x7FC] =	sst s17;
	s17 =	sshrl.u32 s1, $0x1F;
	s1 =	spop (v2sf)  }
0x122: {  	v21 =	vmov s7;
	v22 =	vmov s15;
	s2 =	sshrl.u32 s8, $0x1F;
	v18 =	vsel vm14, s31, v18;
	s31 =	smulhi.u32 $0x51EB851F, s1;
	s1 =	sshra.s32 s1, $0x1F  }
0x123: {  	v18 =	vsel vm6, s30, v18;
	s30 =	spop (v2sf);
	v19 =	vsel vm2, s3, v19;
	s3 =	smul.u32 $0x51EB851F, s1;
	v20 =	vsel vm0, s5, v20;
	s5 =	sshrl.u32 s0, $0x1F  }
0x124: {  	v21 =	vsel vm0, s26, v21;
	v22 =	vnsel vm3, $0x0, v22;
	s1 =	sshra.s32 s0, $0x6;
	v20 =	vsel vm1, s14, v20;
	s14 =	sshra.s32 s0, $0x1F;
	s0 =	sld [smem:$0x7F5]  }
0x125: {  	v21 =	vsel vm1, s20, v21;
	v24 =	vmov s2;
	v18 =	vsel vm15, s25, v18;
	s25 =	smulhi.u32 $0x51EB851F, s30;
	s7 =	sshra.s32 s30, $0x1F;
	s30 =	sld [smem:$0x7F6]  }
0x126: {  	s13 =	sshra.s32 s13, $0x1F;
	v22 =	vsel vm0, s4, v22;
	v24 =	vsel vm0, s18, v24;
	s20 =	smul.u32 $0x51EB851F, s7;
	v20 =	vsel vm2, s16, v20;
	s16 =	spop (v2sf)  }
0x127: {  	(v2sf) =	vpush v8, $0x6;
	v24 =	vsel vm1, s19, v24;
	v22 =	vsel vm1, s6, v22;
	s6 =	sld [smem:$0x7F7];
	s2 =	sshra.s32 s16, $0x1F;
	s26 =	sshra.s32 s0, $0x1F  }
0x128: {  	v18 =	vsel vm7, s24, v18;
	s24 =	sshrl.u32 s30, $0x1F;
	v22 =	vsel vm2, s5, v22;
	s15 =	spop (v2sf);
	s19 =	smul.u32 $0x51EB851F, s2;
	v23 =	vmov s26  }
0x129: {  	v21 =	vsel vm2, s29, v21;
	s29 =	sshra.s32 s30, $0x1F;
	v22 =	vsel vm4, s24, v22;
	s7 =	smulhi.u32 $0x51EB851F, s15;
	s24 =	sshra.s32 s15, $0x1F;
	v23 =	vsel vm3, s11, v23  }
0x12a: {  	s26 =	sshra.s32 s30, $0x6;
	s30 =	spop (v2sf);
	s15 =	smul.u32 $0x51EB851F, s24;
	v23 =	vsel vm9, s23, v23  }
0x12b: {  	s8 =	sshra.s32 s8, $0x6;
	s24 =	sld [smem:$0x7F8];
	s11 =	smulhi.u32 $0x51EB851F, s16;
	v23 =	vsel vm0, s12, v23  }
0x12c: {  	v24 =	vsel vm2, s17, v24;
	s5 =	sshra.s32 s6, $0x1F;
	s4 =	spop (v2sf);
	s17 =	smulhi.u32 $0x51EB851F, s30;
	v23 =	vsel vm10, s13, v23  }
0x12d: {  	v25 =	vmov s9;
	s30 =	sshra.s32 s30, $0x1F;
	s16 =	spop (v2sf);
	s23 =	sshra.s32 s6, $0x6;
	v23 =	vsel vm1, s22, v23  }
0x12e: {  	s12 =	sshrl.u32 s6, $0x1F;
	s2 =	spop (v2sf);
	v25 =	vsel vm0, s24, v25;
	s24 =	sld [smem:$0x7FA];
	v23 =	vsel vm11, s10, v23  }
0x12f: {  	(v2sf) =	vpush v8, $0x7;
	s18 =	spop (v2sf);
	s13 =	sshrl.u32 s0, $0x1F;
	s22 =	rddreg [dreg:$0x1d];
	v23 =	vsel vm2, s1, v23  }
0x130: {  	v9 =	vcombine.low v31, v28;
	v22 =	vsel vm5, s12, v22;
	s12 =	spop (v2sf);
	s10 =	sshrl.u32 s22, $0x1F;
	v23 =	vsel vm12, s14, v23;
	s14 =	sld [smem:$0x7F9]  }
0x131: {  	v26 =	vmov s8;
	s8 =	sshra.s32 s22, $0x1F;
	v22 =	vsel vm6, s10, v22;
	s10 =	spop (v2sf);
	v23 =	vsel vm4, s26, v23;
	s26 =	sld [smem:$0x7FB]  }
0x132: {  	v22 =	vsel vm7, s13, v22;
	s13 =	sshra.s32 s22, $0x6;
	s22 =	smul.u32 $0x51EB851F, s30;
	s30 =	sld [smem:$0x7FC]  }
0x133: {  	v9 =	vperm.xlane v9, v1;
	v12 =	vcombine.low v37, v36;
	s1 =	sadd.s32 s20, s25;
	s20 =	sshra.s32 s18, $0x1F;
	s9 =	spop (v2sf)  }
0x134: {  	s6 =	spop (v2sf);
	v23 =	vsel vm13, s29, v23;
	s29 =	sshra.s32 s4, $0x1F;
	v25 =	vsel vm1, s14, v25;
	s14 =	sld [smem:$0x7FD];
	v26 =	vsel vm0, s26, v26  }
0x135: {  	v23 =	vsel vm5, s23, v23;
	s23 =	sshra.s32 s0, $0x6;
	v25 =	vsel vm2, s24, v25;
	s24 =	smulhi.u32 $0x51EB851F, s4;
	v26 =	vsel vm1, s30, v26;
	s30 =	rddreg [dreg:$0x1b]  }
0x136: {  	v10 =	vperm.xlane v32, v2;
	v12 =	vperm.xlane v12, v1;
	s4 =	spop (v2sf);
	s26 =	smul.u32 $0x51EB851F, s29;
	v23 =	vsel vm14, s5, v23;
	s29 =	sshrl.u32 s30, $0x1F  }
0x137: {  	v14 =	vperm.xlane v14, v2;
	v44 =	vsel vm6, s13, v23;
	v43 =	vsel vm2, s14, v26;
	s14 =	sadd.s32 s3, s31;
	s31 =	smulhi.u32 $0x51EB851F, s16;
	s16 =	sshra.s32 s16, $0x1F  }
0x138: {  	v15 =	vcombine.low v16, v15;
	v13 =	vsel vm15, s8, v44;
	s8 =	sshrl.u32 s1, $0x1F;
	s3 =	sadd.s32 s15, s7;
	s15 =	smulhi.u32 $0x51EB851F, s18  }
0x139: {  	v9 =	vsel vm8, v10, v9;
	v12 =	vsel vm8, v14, v12;
	v46 =	vcombine.low v20, v19;
	s7 =	sadd.s32 s22, s17;
	s18 =	smul.u32 $0x51EB851F, s20;
	s5 =	sadd.s32 s26, s24  }
0x13a: {  	v9 =	vadd.s32 v9, v12;
	v47 =	vperm.xlane v15, v1;
	v48 =	vperm.xlane v40, v2;
	s17 =	sshra.s32 s30, $0x6;
	s0 =	sshrl.u32 s14, $0x1F;
	s13 =	smul.u32 $0x51EB851F, s16  }
0x13b: {  	v49 =	vperm.xlane v18, v2;
	v10 =	vperm.xlane v46, v1;
	s1 =	sshra.s32 s1, $0x6;
	s16 =	smulhi.u32 $0x51EB851F, s2;
	s2 =	sshra.s32 s2, $0x1F;
	v45 =	vmov s0  }
0x13c: {  	v9 =	vmul.u32 $0xC8, v9;
	s25 =	sshrl.u32 s3, $0x1F;
	s26 =	sshrl.u32 s7, $0x1F;
	s0 =	sadd.s32 s19, s11;
	v16 =	vsel vm0, s29, v45  }
0x13d: {  	v14 =	vsel vm8, v48, v47;
	v10 =	vsel vm8, v49, v10;
	s7 =	sshra.s32 s7, $0x6;
	s2 =	smul.u32 $0x51EB851F, s2;
	s11 =	sshrl.u32 s0, $0x1F;
	v16 =	vsel vm1, s8, v16  }
0x13e: {  	v5 =	vsub.s32 v5, v9;
	v10 =	vadd.s32 v14, v10;
	s3 =	sshra.s32 s3, $0x6;
	s19 =	smulhi.u32 $0x51EB851F, s12;
	v16 =	vsel vm2, s11, v16;
	s11 =	spop (v2sf)  }
0x13f: {  	v52 =	vand.u32 $0xFFFFFFF8, v5;
	v5 =	vand.u32 $0x7, v5;
	v10 =	vmul.u32 $0xC8, v10;
	s12 =	sshra.s32 s12, $0x1F;
	s22 =	smulhi.u32 $0x51EB851F, s11;
	s8 =	sshra.s32 s11, $0x1F  }
0x140: {  	v9 =	vadd.s32 v52, v9;
	v51 =	vcombine.low v24, v21;
	v50 =	vmov s26;
	s15 =	sadd.s32 s18, s15;
	s26 =	sshra.s32 s9, $0x1F;
	s8 =	smul.u32 $0x51EB851F, s8  }
0x141: {  	v5 =	vor.u32 v5, v9;
	v6 =	vsub.s32 v6, v10;
	s2 =	sadd.s32 s2, s16;
	s16 =	smulhi.u32 $0x51EB851F, s10;
	s10 =	sshra.s32 s10, $0x1F  }
0x142: {  	v14 =	vperm.xlane v51, v1;
	v57 =	vand.u32 $0xFFFFFFF8, v6;
	v11 =	vcombine.low v43, v25;
	s29 =	sshrl.u32 s5, $0x1F;
	s10 =	smul.u32 $0x51EB851F, s10;
	s8 =	sadd.s32 s8, s22  }
0x143: {  	v6 =	vand.u32 $0x7, v6;
	v13 =	vsel vm7, s23, v13;
	v12 =	vsel vm0, s25, v50;
	s25 =	smulhi.u32 $0x51EB851F, s9;
	s9 =	sadd.s32 s13, s31;
	s31 =	sshra.s32 s8, $0x1F  }
0x144: {  	v13 =	vperm.xlane v13, v2;
	s12 =	smul.u32 $0x51EB851F, s12;
	v11 =	vperm.xlane v11, v1;
	s10 =	sadd.s32 s10, s16;
	s16 =	sshra.s32 s2, $0x6;
	v55 =	vmov s31  }
0x145: {  	v10 =	vadd.s32 v57, v10;
	s24 =	sshrl.u32 s15, $0x1F;
	v12 =	vsel vm1, s29, v12;
	s23 =	sshrl.u32 s2, $0x1F;
	s2 =	sshra.s32 s2, $0x1F;
	v56 =	vsel vm3, s16, v55  }
0x146: {  	s20 =	sshra.s32 s15, $0x6;
	s15 =	sshra.s32 s15, $0x1F;
	s29 =	smul.u32 $0x51EB851F, s26;
	v11 =	vsel vm8, v13, v11;
	v53 =	vmov s23;
	v13 =	vsel vm9, s2, v56  }
0x147: {  	v54 =	vperm.xlane v22, v2;
	s12 =	sadd.s32 s12, s19;
	s19 =	smulhi.u32 $0x51EB851F, s6;
	s6 =	sshra.s32 s6, $0x1F;
	v17 =	vnsel vm3, $0x0, v53;
	v13 =	vsel vm0, s20, v13  }
0x148: {  	v6 =	vor.u32 v6, v10;
	s11 =	sadd.s32 s29, s25;
	s6 =	smul.u32 $0x51EB851F, s6;
	v17 =	vsel vm0, s24, v17;
	s24 =	sshra.s32 s12, $0x6;
	v13 =	vsel vm10, s15, v13  }
0x149: {  	v14 =	vsel vm8, v54, v14;
	v62 =	vmov s7;
	s18 =	sshrl.u32 s12, $0x1F;
	s23 =	smulhi.u32 $0x51EB851F, s4;
	s12 =	sshra.s32 s12, $0x1F;
	v13 =	vsel vm1, s24, v13  }
0x14a: {  	v11 =	vadd.s32 v14, v11;
	s4 =	sshra.s32 s4, $0x1F;
	s25 =	sshrl.u32 s9, $0x1F;
	v14 =	vsel vm0, s3, v62;
	s29 =	sshra.s32 s10, $0x6;
	v59 =	vsel vm11, s12, v13  }
0x14b: {  	v11 =	vmul.u32 $0xC8, v11;
	s4 =	smul.u32 $0x51EB851F, s4;
	v12 =	vsel vm2, s25, v12;
	s22 =	sshrl.u32 s10, $0x1F;
	s10 =	sshra.s32 s10, $0x1F;
	v9 =	vsel vm2, s29, v59  }
0x14c: {  	s13 =	sshra.s32 s11, $0x6;
	s6 =	sadd.s32 s6, s19;
	v12 =	vcombine.low v12, v16;
	s19 =	sshra.s32 s5, $0x6;
	v17 =	vsel vm1, s18, v17;
	v9 =	vsel vm12, s10, v9  }
0x14d: {  	s26 =	sshrl.u32 s11, $0x1F;
	v14 =	vsel vm1, s19, v14;
	v58 =	vsel vm2, s22, v17;
	s16 =	sshra.s32 s11, $0x1F;
	s15 =	sshra.s32 s14, $0x6;
	v9 =	vsel vm4, s13, v9  }
0x14e: {  	s18 =	sshra.s32 s6, $0x6;
	s22 =	simm.s32 $0xC350;
	v60 =	vsel vm4, s26, v58;
	s31 =	sshrl.u32 s6, $0x1F;
	v61 =	vmov s15;
	v9 =	vsel vm13, s16, v9  }
0x14f: {  	v10 =	vsel vm5, s31, v60;
	s2 =	sadd.s32 s4, s23;
	s23 =	sshra.s32 s9, $0x6;
	s20 =	sshra.s32 s6, $0x1F;
	v13 =	vsel vm0, s17, v61;
	v9 =	vsel vm5, s18, v9  }
0x150: {  	s0 =	sshra.s32 s0, $0x6;
	v5 =	vld.idx.msk [tilespmem:v5+s22+$0x0], $0xffff;
	v14 =	vsel vm2, s23, v14;
	s24 =	sshra.s32 s2, $0x6;
	s12 =	sshrl.u32 s2, $0x1F;
	v13 =	vsel vm1, s1, v13;
	v9 =	vsel vm14, s20, v9  }
0x151: {  	s25 =	sshrl.u32 s8, $0x1F;
	v10 =	vsel vm6, s12, v10;
	s29 =	sshra.s32 s2, $0x1F;
	v13 =	vsel vm2, s0, v13;
	v9 =	vsel vm6, s24, v9  }
0x152: {  	s30 =	sshra.s32 s8, $0x6;
	v10 =	vsel vm7, s25, v10;
	v13 =	vcombine.low v14, v13;
	v9 =	vsel vm15, s29, v9  }
0x153: {  	v12 =	vperm.xlane v12, v1;
	v10 =	vperm.xlane v10, v2;
	v9 =	vsel vm7, s30, v9  }
0x154: {  	v7 =	vsub.s32 v7, v11;
	s26 =	rddreg [dreg:$0x17];
	v13 =	vperm.xlane v13, v1;
	v9 =	vperm.xlane v9, v2  }
0x155: {  	v63 =	vand.u32 $0xFFFFFFF8, v7;
	v7 =	vand.u32 $0x7, v7;
	[tilespmem:s26+$0xFFFFFFE0] =	vst v5  }
0x156: {  	v5 =	vadd.s32 v63, v11;
	v6 =	vld.idx.msk [tilespmem:v6+s22+$0x0], $0xffff;
	v10 =	vsel vm8, v10, v12;
	v9 =	vsel vm8, v9, v13  }
0x157: {  	v5 =	vor.u32 v7, v5;
	v7 =	vadd.s32 v10, v9  }
0x158: {  	v7 =	vmul.u32 $0xC8, v7;
	_ =	sdelay $0x1  }
0x159: {  	v8 =	vsub.s32 v8, v7  }
0x15a: {  	[tilespmem:s26+$0xFFFFFFF0] =	vst v6;
	v6 =	vand.u32 $0xFFFFFFF8, v8  }
0x15b: {  	v5 =	vld.idx.msk [tilespmem:v5+s22+$0x0], $0xffff;
	v8 =	vand.u32 $0x7, v8;
	v6 =	vadd.s32 v6, v7  }
0x15c: {  	v6 =	vor.u32 v8, v6;
	_ =	sdelay $0x3  }
0x15d: {  	s31 =	rddreg [dreg:$0x14];
	[tilespmem:s26+$0x0] =	vst v5  }
0x15e: {  	p1 =	sne.s32 s31, $0xC70;
	v5 =	vld.idx.msk [tilespmem:v6+s22+$0x0], $0xffff  }
.Ltmp0:
0x15f: {  	_ = 	snop;
	(pc) =	sbr.rel @p1 .LBB2_2-.Ltmp0, $2  }
0x160: {  	_ =	sdelay $0x2  }
0x161: {  	s1 =	sadd.s32 $0x40, s26;
	s0 =	sadd.s32 $0x40, s31;
	[tilespmem:s26+$0x10] =	vst v5  }
0x162: {  	s0 =	rddreg [dreg:$0x2];
	s1 =	simm.s32 $0x640;
	s2 =	simm.s32 $0xDC50  }
0x163: {  	[tilespmem:s21], [sflag:$0x3] =	stream.indirect.gather [spmem:s0], $0x8, s2, s1, $0xb8;
	[tilespmem:$0x1EF50] =	vst v63  }
0x164: {  	s29 =	simm.s32 $0xE290;
	s3 =	simm.s32 $0x12750  }
0x165: {  	[tilespmem:s3], [sflag:$0x3] =	stream.indirect.gather [spmem:s0], $0x8, s29, s1, $0xb8;
	[tilespmem:$0x1EF50] =	vst v63  }
0x166: {  	s9 =	simm.s32 $0x0;
	s30 =	rddreg [dreg:$0xa];
	s31 =	simm.s32 $0xCFD0  }
0x167: {  	[tilespmem:s31], [sflag:$0x2] =	stream.linear.gather [hbm4b:s30+s9], $0xC80, $0x38;
	[tilespmem:$0x1EF50] =	vst v63  }
.LBB2_4:
0x168: {  	[dreg:$0x11] =	wrdreg s9;
	s0 =	simm.s32 $0x2  }
0x169: {  	_ =	swait.ge [sflag:s0], $0xC80  }
0x16a: {  	[sflag:s0] =	ssyncset.done $0x0  }
0x16b: {  	s1 =	simm.s32 $0xE8F0;
	[sflag:s0] =	ssyncadd.s32 $0xFFFFF380;
	s0 =	simm.s32 $0x30  }
.LBB2_5:
0x16c: {  	[dreg:$0x15] =	wrdreg s0  }
0x16d: {  	s0 =	rddreg [dreg:$0x15]  }
0x16e: {  	s0 =	sadd.s32 $0xFFFFFFD0, s0  }
0x16f: {  	v5 =	vor.u32 s0, v0  }
0x170: {  	(v2sf) =	vpush v5, $0xD;
	_ =	sdelay $0x1  }
0x171: {  	(v2sf) =	vpush v5, $0xC;
	_ =	sdelay $0x1  }
0x172: {  	(v2sf) =	vpush v5, $0xE;
	_ =	sdelay $0x1  }
0x173: {  	(v2sf) =	vpush v5, $0xF;
	_ =	sdelay $0x1  }
0x174: {  	(v2sf) =	vpush v5, $0x9;
	_ =	sdelay $0x1  }
0x175: {  	(v2sf) =	vpush v5, $0x8;
	_ =	sdelay $0x1  }
0x176: {  	(v2sf) =	vpush v5, $0xA;
	_ =	sdelay $0x1  }
0x177: {  	(v2sf) =	vpush v5, $0xB  }
0x178: {  	s6 =	spop (v2sf)  }
0x179: {  	(v2sf) =	vpush v5, $0x0;
	s14 =	smulhi.u32 $0x51EB851F, s6;
	s0 =	sshra.s32 s6, $0x1F  }
0x17a: {  	s7 =	spop (v2sf);
	s23 =	smul.u32 $0x51EB851F, s0  }
0x17b: {  	(v2sf) =	vpush v5, $0x1;
	s20 =	smulhi.u32 $0x51EB851F, s7;
	s0 =	sshra.s32 s7, $0x1F  }
0x17c: {  	s8 =	spop (v2sf);
	s17 =	smul.u32 $0x51EB851F, s0  }
0x17d: {  	(v2sf) =	vpush v5, $0x2;
	s24 =	smulhi.u32 $0x51EB851F, s8;
	s0 =	sshra.s32 s8, $0x1F  }
0x17e: {  	s9 =	spop (v2sf);
	s18 =	smul.u32 $0x51EB851F, s0  }
0x17f: {  	(v2sf) =	vpush v5, $0x3;
	s25 =	smulhi.u32 $0x51EB851F, s9;
	s0 =	sshra.s32 s9, $0x1F  }
0x180: {  	s10 =	spop (v2sf);
	(v2sf) =	vpush v5, $0x4;
	s8 =	smul.u32 $0x51EB851F, s0  }
0x181: {  	[dreg:$0x18] =	wrdreg s1;
	s26 =	smulhi.u32 $0x51EB851F, s10;
	s0 =	sshra.s32 s10, $0x1F  }
0x182: {  	s11 =	spop (v2sf);
	(v2sf) =	vpush v5, $0x5;
	s15 =	smul.u32 $0x51EB851F, s0  }
0x183: {  	s19 =	rddreg [dreg:$0x15];
	s29 =	smulhi.u32 $0x51EB851F, s11;
	s0 =	sshra.s32 s11, $0x1F  }
0x184: {  	s12 =	spop (v2sf);
	(v2sf) =	vpush v5, $0x6;
	s16 =	smul.u32 $0x51EB851F, s0  }
0x185: {  	s1 =	sadd.s32 $0xFFFFFFE0, s19;
	s30 =	smulhi.u32 $0x51EB851F, s12;
	s0 =	sshra.s32 s12, $0x1F  }
0x186: {  	s23 =	sadd.s32 s23, s14;
	s13 =	spop (v2sf);
	s7 =	smul.u32 $0x51EB851F, s0  }
0x187: {  	v6 =	vor.u32 s1, v0;
	[smem:$0x770] =	sst s23;
	(v2sf) =	vpush v5, $0x7;
	s31 =	smulhi.u32 $0x51EB851F, s13;
	s0 =	sshra.s32 s13, $0x1F  }
0x188: {  	s17 =	sadd.s32 s17, s20;
	s22 =	spop (v2sf);
	(v2sf) =	vpush v6, $0xD;
	s19 =	smul.u32 $0x51EB851F, s0  }
0x189: {  	[smem:$0x771] =	sst s17;
	s2 =	smulhi.u32 $0x51EB851F, s22;
	s0 =	sshra.s32 s22, $0x1F  }
0x18a: {  	s10 =	smul.u32 $0x51EB851F, s0;
	s3 =	spop (v2sf)  }
0x18b: {  	[smem:$0x744] =	sst s2;
	s4 =	smulhi.u32 $0x51EB851F, s3;
	s1 =	sshra.s32 s3, $0x1F  }
0x18c: {  	s24 =	sadd.s32 s18, s24;
	(v2sf) =	vpush v6, $0xC;
	s2 =	spop (v2sf);
	s13 =	smul.u32 $0x51EB851F, s1  }
0x18d: {  	[smem:$0x772] =	sst s24;
	s5 =	smulhi.u32 $0x51EB851F, s2  }
0x18e: {  	(v2sf) =	vpush v6, $0xE;
	s3 =	spop (v2sf);
	[smem:$0x745] =	sst s4  }
0x18f: {  	s6 =	smulhi.u32 $0x51EB851F, s3;
	s3 =	sshra.s32 s3, $0x1F;
	s4 =	spop (v2sf)  }
0x190: {  	(v2sf) =	vpush v6, $0xF;
	[smem:$0x746] =	sst s5;
	s1 =	smul.u32 $0x51EB851F, s3  }
0x191: {  	s9 =	smulhi.u32 $0x51EB851F, s4;
	s4 =	sshra.s32 s4, $0x1F;
	s5 =	spop (v2sf)  }
0x192: {  	(v2sf) =	vpush v6, $0x9;
	[smem:$0x747] =	sst s6;
	s0 =	smul.u32 $0x51EB851F, s4  }
0x193: {  	s11 =	smulhi.u32 $0x51EB851F, s5;
	s6 =	spop (v2sf)  }
0x194: {  	s5 =	sshra.s32 s5, $0x1F;
	[smem:$0x748] =	sst s9;
	s12 =	smulhi.u32 $0x51EB851F, s6  }
0x195: {  	(v2sf) =	vpush v6, $0x8;
	s6 =	sshra.s32 s6, $0x1F;
	[smem:$0x749] =	sst s11;
	s11 =	smul.u32 $0x51EB851F, s5  }
0x196: {  	s9 =	spop (v2sf);
	s3 =	smul.u32 $0x51EB851F, s6  }
0x197: {  	s17 =	sadd.s32 s8, s25;
	(v2sf) =	vpush v6, $0xA;
	s6 =	smulhi.u32 $0x51EB851F, s9;
	s4 =	spop (v2sf)  }
0x198: {  	[smem:$0x773] =	sst s17;
	s9 =	sshra.s32 s9, $0x1F;
	s5 =	smulhi.u32 $0x51EB851F, s4  }
0x199: {  	[smem:$0x74B] =	sst s3;
	s3 =	smul.u32 $0x51EB851F, s9;
	s9 =	sshra.s32 s4, $0x1F  }
0x19a: {  	[smem:$0x74A] =	sst s12;
	s12 =	smul.u32 $0x51EB851F, s9  }
0x19b: {  	(v2sf) =	vpush v6, $0xB;
	[smem:$0x74C] =	sst s5;
	s4 =	spop (v2sf)  }
0x19c: {  	[smem:$0x74D] =	sst s12;
	s5 =	smulhi.u32 $0x51EB851F, s4;
	s9 =	sshra.s32 s4, $0x1F  }
0x19d: {  	s4 =	spop (v2sf);
	s12 =	smul.u32 $0x51EB851F, s9  }
0x19e: {  	[smem:$0x74E] =	sst s5;
	s5 =	smulhi.u32 $0x51EB851F, s4  }
0x19f: {  	(v2sf) =	vpush v6, $0x0;
	s9 =	sshra.s32 s4, $0x1F;
	s4 =	spop (v2sf);
	[smem:$0x74F] =	sst s12  }
0x1a0: {  	s12 =	smul.u32 $0x51EB851F, s9;
	[smem:$0x750] =	sst s5  }
0x1a1: {  	s9 =	sshra.s32 s4, $0x1F;
	s5 =	smulhi.u32 $0x51EB851F, s4;
	s4 =	spop (v2sf)  }
0x1a2: {  	(v2sf) =	vpush v6, $0x1;
	[smem:$0x751] =	sst s12;
	s12 =	smul.u32 $0x51EB851F, s9  }
0x1a3: {  	[smem:$0x752] =	sst s5;
	s5 =	smulhi.u32 $0x51EB851F, s4  }
0x1a4: {  	(v2sf) =	vpush v6, $0x2;
	s9 =	sshra.s32 s4, $0x1F;
	s4 =	spop (v2sf);
	[smem:$0x753] =	sst s12  }
0x1a5: {  	s12 =	smul.u32 $0x51EB851F, s9;
	[smem:$0x754] =	sst s5  }
0x1a6: {  	s9 =	sshra.s32 s4, $0x1F;
	s5 =	smulhi.u32 $0x51EB851F, s4;
	s4 =	spop (v2sf)  }
0x1a7: {  	[smem:$0x755] =	sst s12;
	s12 =	smul.u32 $0x51EB851F, s9  }
0x1a8: {  	(v2sf) =	vpush v6, $0x3;
	s9 =	sshra.s32 s4, $0x1F;
	[smem:$0x756] =	sst s5;
	s5 =	smulhi.u32 $0x51EB851F, s4  }
0x1a9: {  	s9 =	smul.u32 $0x51EB851F, s9;
	[smem:$0x757] =	sst s12  }
0x1aa: {  	s12 =	spop (v2sf);
	[smem:$0x758] =	sst s5  }
0x1ab: {  	(v2sf) =	vpush v6, $0x4;
	[smem:$0x759] =	sst s9;
	s4 =	smulhi.u32 $0x51EB851F, s12  }
0x1ac: {  	(v2sf) =	vpush v6, $0x5;
	s5 =	rddreg [dreg:$0x15]  }
0x1ad: {  	s9 =	sshra.s32 s12, $0x1F;
	s12 =	sadd.s32 $0xFFFFFFF0, s5;
	[smem:$0x75A] =	sst s4  }
0x1ae: {  	s25 =	sadd.s32 s16, s29;
	v7 =	vor.u32 s12, v0;
	s12 =	smul.u32 $0x51EB851F, s9;
	s4 =	spop (v2sf)  }
0x1af: {  	[smem:$0x775] =	sst s25;
	s9 =	sshra.s32 s4, $0x1F  }
0x1b0: {  	[smem:$0x75B] =	sst s12;
	s12 =	smul.u32 $0x51EB851F, s9  }
0x1b1: {  	s5 =	smulhi.u32 $0x51EB851F, s4;
	s4 =	spop (v2sf)  }
0x1b2: {  	s9 =	smulhi.u32 $0x51EB851F, s4;
	[smem:$0x75D] =	sst s12;
	s12 =	sshra.s32 s4, $0x1F  }
0x1b3: {  	s30 =	sadd.s32 s7, s30;
	s4 =	smul.u32 $0x51EB851F, s12;
	s12 =	spop (v2sf)  }
0x1b4: {  	(v2sf) =	vpush v6, $0x6;
	[smem:$0x75C] =	sst s5;
	s5 =	smulhi.u32 $0x51EB851F, s12;
	s12 =	sshra.s32 s12, $0x1F  }
0x1b5: {  	[smem:$0x776] =	sst s30;
	s2 =	sshra.s32 s2, $0x1F;
	s12 =	smul.u32 $0x51EB851F, s12  }
0x1b6: {  	s17 =	sld [smem:$0x744];
	s22 =	smul.u32 $0x51EB851F, s2;
	(v2sf) =	vpush v6, $0x7  }
0x1b7: {  	s4 =	sadd.s32 s4, s9;
	[smem:$0x75F] =	sst s12;
	s12 =	spop (v2sf)  }
0x1b8: {  	[smem:$0x75E] =	sst s5;
	s5 =	smulhi.u32 $0x51EB851F, s12;
	s12 =	sshra.s32 s12, $0x1F  }
0x1b9: {  	[smem:$0x782] =	sst s4;
	s2 =	smul.u32 $0x51EB851F, s12  }
0x1ba: {  	(v2sf) =	vpush v7, $0xD;
	s12 =	spop (v2sf);
	[smem:$0x760] =	sst s5  }
0x1bb: {  	s14 =	smulhi.u32 $0x51EB851F, s12;
	s12 =	sshra.s32 s12, $0x1F;
	s23 =	spop (v2sf)  }
0x1bc: {  	s5 =	sld [smem:$0x749];
	s20 =	smul.u32 $0x51EB851F, s12  }
0x1bd: {  	s12 =	sshra.s32 s23, $0x1F;
	[smem:$0x761] =	sst s14  }
0x1be: {  	s14 =	smulhi.u32 $0x51EB851F, s23;
	s23 =	sadd.s32 s15, s26;
	[smem:$0x762] =	sst s20  }
0x1bf: {  	(v2sf) =	vpush v7, $0xC;
	s18 =	smul.u32 $0x51EB851F, s12;
	[smem:$0x774] =	sst s23  }
0x1c0: {  	[smem:$0x763] =	sst s14  }
0x1c1: {  	[smem:$0x764] =	sst s18  }
0x1c2: {  	s14 =	sadd.s32 s19, s31;
	s19 =	sld [smem:$0x745]  }
0x1c3: {  	s20 =	spop (v2sf);
	s31 =	sld [smem:$0x748]  }
0x1c4: {  	s24 =	smulhi.u32 $0x51EB851F, s20;
	s4 =	sld [smem:$0x762]  }
0x1c5: {  	s8 =	sshra.s32 s20, $0x1F;
	s29 =	spop (v2sf);
	[smem:$0x777] =	sst s14  }
0x1c6: {  	s26 =	smul.u32 $0x51EB851F, s8;
	[smem:$0x765] =	sst s24  }
0x1c7: {  	s7 =	smulhi.u32 $0x51EB851F, s29;
	s24 =	sld [smem:$0x746]  }
0x1c8: {  	(v2sf) =	vpush v7, $0xE;
	[smem:$0x766] =	sst s26  }
0x1c9: {  	s12 =	sshra.s32 s29, $0x1F;
	s16 =	spop (v2sf);
	[smem:$0x767] =	sst s7  }
0x1ca: {  	s15 =	smul.u32 $0x51EB851F, s12;
	s26 =	sld [smem:$0x747]  }
0x1cb: {  	s18 =	smulhi.u32 $0x51EB851F, s16;
	s7 =	sshra.s32 s16, $0x1F;
	s16 =	sld [smem:$0x74C]  }
0x1cc: {  	[smem:$0x768] =	sst s15  }
0x1cd: {  	[smem:$0x769] =	sst s18  }
0x1ce: {  	s23 =	spop (v2sf);
	s15 =	sadd.s32 s10, s17;
	s10 =	sld [smem:$0x74A]  }
0x1cf: {  	(v2sf) =	vpush v7, $0xF;
	s25 =	smulhi.u32 $0x51EB851F, s23;
	s17 =	sld [smem:$0x74D]  }
0x1d0: {  	s20 =	smul.u32 $0x51EB851F, s7;
	s7 =	sshra.s32 s23, $0x1F;
	s23 =	sld [smem:$0x74F]  }
0x1d1: {  	s18 =	sadd.s32 s13, s19;
	s13 =	sadd.s32 s3, s6;
	s3 =	sld [smem:$0x750]  }
0x1d2: {  	s6 =	sld [smem:$0x752]  }
0x1d3: {  	(v2sf) =	vpush v7, $0x9;
	[smem:$0x76B] =	sst s25  }
0x1d4: {  	s25 =	sadd.s32 s11, s5;
	s11 =	sld [smem:$0x74B]  }
0x1d5: {  	[smem:$0x778] =	sst s13  }
0x1d6: {  	s19 =	sadd.s32 s22, s24;
	s22 =	sld [smem:$0x74E]  }
0x1d7: {  	s30 =	spop (v2sf);
	s5 =	sld [smem:$0x751]  }
0x1d8: {  	(v2sf) =	vpush v7, $0x8;
	s29 =	smul.u32 $0x51EB851F, s7;
	s7 =	sshra.s32 s30, $0x1F;
	s13 =	sld [smem:$0x756]  }
0x1d9: {  	[smem:$0x76A] =	sst s20;
	s20 =	sadd.s32 s1, s26;
	s1 =	smulhi.u32 $0x51EB851F, s30  }
0x1da: {  	s7 =	smul.u32 $0x51EB851F, s7;
	[smem:$0x76C] =	sst s29  }
0x1db: {  	(v2sf) =	vpush v7, $0xA;
	[smem:$0x76D] =	sst s1  }
0x1dc: {  	[smem:$0x76E] =	sst s7  }
0x1dd: {  	(v2sf) =	vpush v7, $0xB;
	s26 =	sadd.s32 s11, s10;
	s1 =	sadd.s32 s17, s16;
	s10 =	sld [smem:$0x754]  }
0x1de: {  	s8 =	spop (v2sf);
	[smem:$0x779] =	sst s1;
	s1 =	sadd.s32 s23, s22  }
0x1df: {  	s12 =	smulhi.u32 $0x51EB851F, s8;
	s7 =	sshra.s32 s8, $0x1F;
	[smem:$0x77A] =	sst s1  }
0x1e0: {  	s24 =	sadd.s32 s0, s31;
	s31 =	smul.u32 $0x51EB851F, s7;
	s7 =	sld [smem:$0x753]  }
0x1e1: {  	[smem:$0x76F] =	sst s12  }
0x1e2: {  	s14 =	spop (v2sf);
	s12 =	sld [smem:$0x755]  }
0x1e3: {  	s30 =	smulhi.u32 $0x51EB851F, s14;
	s0 =	sshra.s32 s14, $0x1F;
	s14 =	sld [smem:$0x757]  }
0x1e4: {  	s22 =	smul.u32 $0x51EB851F, s0;
	s0 =	sadd.s32 s5, s3;
	s3 =	sld [smem:$0x758]  }
0x1e5: {  	(v2sf) =	vpush v7, $0x0;
	s5 =	sld [smem:$0x759]  }
0x1e6: {  	(v2sf) =	vpush v7, $0x1;
	[smem:$0x77B] =	sst s0  }
0x1e7: {  	s29 =	spop (v2sf);
	s0 =	sadd.s32 s7, s6;
	s6 =	sld [smem:$0x75A]  }
0x1e8: {  	s23 =	smulhi.u32 $0x51EB851F, s29;
	s11 =	sshra.s32 s29, $0x1F;
	s7 =	sld [smem:$0x75B]  }
0x1e9: {  	s16 =	smul.u32 $0x51EB851F, s11;
	[smem:$0x77C] =	sst s0;
	s0 =	sadd.s32 s12, s10  }
0x1ea: {  	s8 =	spop (v2sf);
	s22 =	sadd.s32 s22, s30;
	[smem:$0x77D] =	sst s0  }
0x1eb: {  	s17 =	smulhi.u32 $0x51EB851F, s8;
	s11 =	sshra.s32 s8, $0x1F;
	s8 =	rddreg [dreg:$0x15]  }
0x1ec: {  	s0 =	sadd.s32 s14, s13;
	s29 =	spop (v2sf);
	[smem:$0x78D] =	sst s22  }
0x1ed: {  	(v2sf) =	vpush v7, $0x2;
	[smem:$0x77E] =	sst s0;
	s13 =	smul.u32 $0x51EB851F, s11  }
0x1ee: {  	s14 =	smulhi.u32 $0x51EB851F, s29;
	s11 =	sshra.s32 s29, $0x1F;
	s29 =	sld [smem:$0x75D]  }
0x1ef: {  	v8 =	vor.u32 s8, v0;
	s8 =	sld [smem:$0x760]  }
0x1f0: {  	(v2sf) =	vpush v7, $0x3;
	s16 =	sadd.s32 s16, s23;
	s0 =	sadd.s32 s5, s3;
	s3 =	sld [smem:$0x761]  }
0x1f1: {  	[smem:$0x78E] =	sst s16  }
0x1f2: {  	[smem:$0x77F] =	sst s0  }
0x1f3: {  	s12 =	smul.u32 $0x51EB851F, s11;
	s11 =	sld [smem:$0x75C]  }
0x1f4: {  	s10 =	spop (v2sf);
	s0 =	sadd.s32 s7, s6;
	s6 =	sld [smem:$0x75E]  }
0x1f5: {  	s5 =	spop (v2sf);
	[smem:$0x780] =	sst s0;
	s0 =	sshra.s32 s10, $0x1F  }
0x1f6: {  	s7 =	sld [smem:$0x75F];
	s13 =	sadd.s32 s13, s17;
	s9 =	smul.u32 $0x51EB851F, s0  }
0x1f7: {  	s17 =	sld [smem:$0x773];
	s1 =	sadd.s32 s29, s11;
	s11 =	smulhi.u32 $0x51EB851F, s10  }
0x1f8: {  	s0 =	sshra.s32 s5, $0x1F;
	s10 =	smulhi.u32 $0x51EB851F, s5;
	s5 =	sld [smem:$0x763]  }
0x1f9: {  	[smem:$0x781] =	sst s1  }
0x1fa: {  	s1 =	sadd.s32 s7, s6;
	s6 =	sld [smem:$0x764]  }
0x1fb: {  	[smem:$0x783] =	sst s1  }
0x1fc: {  	s29 =	spop (v2sf);
	s1 =	sadd.s32 s2, s8;
	s2 =	sld [smem:$0x765]  }
0x1fd: {  	s7 =	smulhi.u32 $0x51EB851F, s29;
	[smem:$0x784] =	sst s1  }
0x1fe: {  	(v2sf) =	vpush v7, $0x4;
	s8 =	smul.u32 $0x51EB851F, s0;
	s1 =	sadd.s32 s4, s3;
	s3 =	sld [smem:$0x766]  }
0x1ff: {  	s0 =	sshra.s32 s29, $0x1F;
	s29 =	spop (v2sf);
	s4 =	sld [smem:$0x767]  }
0x200: {  	[smem:$0x786] =	sst s1;
	s1 =	sadd.s32 s6, s5;
	s6 =	smul.u32 $0x51EB851F, s0  }
0x201: {  	s5 =	smulhi.u32 $0x51EB851F, s29;
	s0 =	sshra.s32 s29, $0x1F;
	s29 =	sld [smem:$0x768]  }
0x202: {  	(v2sf) =	vpush v7, $0x5;
	[smem:$0x787] =	sst s1  }
0x203: {  	s1 =	sadd.s32 s3, s2;
	s3 =	sld [smem:$0x769]  }
0x204: {  	(v2sf) =	vpush v7, $0x6;
	[smem:$0x788] =	sst s1  }
0x205: {  	s1 =	sadd.s32 s29, s4;
	s29 =	sld [smem:$0x76A]  }
0x206: {  	(v2sf) =	vpush v7, $0x7;
	s2 =	sld [smem:$0x76B]  }
0x207: {  	[smem:$0x785] =	sst s1  }
0x208: {  	(v2sf) =	vpush v8, $0xD;
	s1 =	sadd.s32 s29, s3;
	s29 =	sld [smem:$0x76C]  }
0x209: {  	[smem:$0x78F] =	sst s13  }
0x20a: {  	[smem:$0x789] =	sst s1  }
0x20b: {  	s1 =	sadd.s32 s29, s2;
	s29 =	sld [smem:$0x76E]  }
0x20c: {  	s4 =	smul.u32 $0x51EB851F, s0;
	[smem:$0x78A] =	sst s1  }
0x20d: {  	s0 =	spop (v2sf);
	s1 =	sld [smem:$0x76D]  }
0x20e: {  	s12 =	sadd.s32 s12, s14;
	s3 =	smulhi.u32 $0x51EB851F, s0;
	s0 =	sshra.s32 s0, $0x1F  }
0x20f: {  	[smem:$0x790] =	sst s12;
	s2 =	smul.u32 $0x51EB851F, s0  }
0x210: {  	s4 =	sadd.s32 s4, s5;
	s1 =	sadd.s32 s29, s1;
	s29 =	sld [smem:$0x76F]  }
0x211: {  	[smem:$0x795] =	sst s4;
	s0 =	spop (v2sf);
	s2 =	sadd.s32 s2, s3  }
0x212: {  	[smem:$0x78B] =	sst s1;
	s1 =	smulhi.u32 $0x51EB851F, s0;
	s0 =	sshra.s32 s0, $0x1F  }
0x213: {  	s0 =	smul.u32 $0x51EB851F, s0;
	s31 =	sadd.s32 s31, s29;
	s29 =	spop (v2sf)  }
0x214: {  	[smem:$0x799] =	sst s2;
	s22 =	smulhi.u32 $0x51EB851F, s29;
	s29 =	sshra.s32 s29, $0x1F  }
0x215: {  	s14 =	sadd.s32 s8, s10;
	s30 =	spop (v2sf);
	s16 =	smul.u32 $0x51EB851F, s29  }
0x216: {  	[smem:$0x78C] =	sst s31;
	s0 =	sadd.s32 s0, s1;
	s13 =	smulhi.u32 $0x51EB851F, s30  }
0x217: {  	s31 =	sshra.s32 s30, $0x1F;
	s23 =	spop (v2sf);
	[smem:$0x79A] =	sst s0  }
0x218: {  	s29 =	smulhi.u32 $0x51EB851F, s23;
	s30 =	sshra.s32 s23, $0x1F;
	s23 =	sld [smem:$0x775]  }
0x219: {  	s10 =	sadd.s32 s6, s7;
	s7 =	sadd.s32 s16, s22;
	s16 =	sld [smem:$0x772]  }
0x21a: {  	s12 =	smul.u32 $0x51EB851F, s31;
	s22 =	sld [smem:$0x774]  }
0x21b: {  	s31 =	smul.u32 $0x51EB851F, s30;
	s30 =	sld [smem:$0x777]  }
0x21c: {  	[dreg:$0x1e] =	wrdreg s7  }
0x21d: {  	s8 =	sadd.s32 s12, s13;
	s12 =	sld [smem:$0x770]  }
0x21e: {  	s13 =	sld [smem:$0x771]  }
0x21f: {  	[smem:$0x798] =	sst s8  }
0x220: {  	s11 =	sadd.s32 s9, s11;
	s9 =	sadd.s32 s31, s29;
	s29 =	sld [smem:$0x776]  }
0x221: {  	[dreg:$0x1c] =	wrdreg s9;
	s4 =	sshrl.u32 s16, $0x1F  }
0x222: {  	s0 =	sshra.s32 s16, $0x6;
	s9 =	sshra.s32 s17, $0x6;
	s5 =	sshra.s32 s22, $0x6  }
0x223: {  	s16 =	sshrl.u32 s23, $0x1F;
	s8 =	sshra.s32 s30, $0x6;
	s1 =	sshrl.u32 s12, $0x1F  }
0x224: {  	s3 =	sshrl.u32 s13, $0x1F;
	s7 =	sshra.s32 s13, $0x6;
	s13 =	sshrl.u32 s22, $0x1F  }
0x225: {  	s22 =	sshrl.u32 s29, $0x1F;
	s6 =	sshra.s32 s29, $0x6;
	s29 =	sld [smem:$0x778]  }
0x226: {  	s2 =	sshra.s32 s12, $0x6;
	s12 =	sshrl.u32 s17, $0x1F;
	s17 =	sshra.s32 s23, $0x6  }
0x227: {  	s23 =	sshrl.u32 s30, $0x1F;
	s30 =	sshrl.u32 s15, $0x1F;
	v30 =	vmov s16;
	s16 =	sshra.s32 s25, $0x6;
	v11 =	vmov s3  }
0x228: {  	v9 =	vmov s30;
	s30 =	sshra.s32 s15, $0x6;
	s15 =	sshra.s32 s15, $0x1F;
	v11 =	vsel vm0, s1, v11;
	s31 =	sshra.s32 s29, $0x1F  }
0x229: {  	s3 =	sshra.s32 s18, $0x6;
	v35 =	vmov s17;
	s17 =	sld [smem:$0x77C];
	s1 =	sshra.s32 s19, $0x6;
	v11 =	vsel vm1, s4, v11;
	v10 =	vmov s31  }
0x22a: {  	v9 =	vnsel vm3, $0x0, v9;
	s4 =	sshra.s32 s20, $0x1F;
	v28 =	vsel vm2, s12, v11;
	s12 =	sshra.s32 s24, $0x6;
	s31 =	sshrl.u32 s18, $0x1F;
	v10 =	vsel vm3, s30, v10  }
0x22b: {  	s18 =	sshra.s32 s18, $0x1F;
	s30 =	sshrl.u32 s19, $0x1F;
	v9 =	vsel vm0, s31, v9;
	s31 =	sshrl.u32 s24, $0x1F;
	v10 =	vsel vm9, s15, v10  }
0x22c: {  	s15 =	sshra.s32 s19, $0x1F;
	s19 =	sshrl.u32 s20, $0x1F;
	v12 =	vsel vm1, s30, v9;
	v10 =	vsel vm0, s3, v10;
	s3 =	sshra.s32 s20, $0x6  }
0x22d: {  	v29 =	vsel vm2, s19, v12;
	s20 =	sshra.s32 s25, $0x1F;
	v12 =	vsel vm0, s13, v30;
	s19 =	sshra.s32 s26, $0x6;
	s13 =	sld [smem:$0x77B];
	v10 =	vsel vm10, s18, v10  }
0x22e: {  	s18 =	sshra.s32 s24, $0x1F;
	s24 =	sshrl.u32 s25, $0x1F;
	v11 =	vsel vm4, s31, v29;
	s31 =	sld [smem:$0x779];
	v10 =	vsel vm1, s1, v10  }
0x22f: {  	s25 =	sshrl.u32 s26, $0x1F;
	v11 =	vsel vm5, s24, v11;
	s24 =	sshra.s32 s26, $0x1F;
	s26 =	sld [smem:$0x77D];
	v10 =	vsel vm11, s15, v10  }
0x230: {  	v34 =	vmov s7;
	s30 =	sshrl.u32 s29, $0x1F;
	v13 =	vsel vm6, s25, v11;
	v14 =	vsel vm2, s3, v10;
	s3 =	sshra.s32 s29, $0x6;
	s29 =	sld [smem:$0x77E]  }
0x231: {  	v32 =	vsel vm7, s30, v13;
	v13 =	vsel vm0, s2, v34;
	s2 =	sld [smem:$0x77F]  }
0x232: {  	v12 =	vsel vm1, s22, v12;
	s22 =	sshrl.u32 s31, $0x1F;
	s1 =	sshra.s32 s31, $0x6;
	s31 =	sld [smem:$0x780]  }
0x233: {  	[smem:$0x791] =	sst s1  }
0x234: {  	v33 =	vsel vm12, s4, v14;
	s4 =	sld [smem:$0x77A];
	s1 =	sshra.s32 s13, $0x6  }
0x235: {  	v13 =	vsel vm1, s0, v13;
	[smem:$0x792] =	sst s1  }
0x236: {  	v36 =	vsel vm2, s9, v13;
	s9 =	sld [smem:$0x781]  }
0x237: {  	s7 =	sshrl.u32 s17, $0x1F;
	v31 =	vsel vm2, s23, v12;
	v12 =	vsel vm4, s12, v33;
	s1 =	sshra.s32 s17, $0x6;
	s12 =	sld [smem:$0x787]  }
0x238: {  	s25 =	sshrl.u32 s13, $0x1F;
	v14 =	vsel vm0, s5, v35;
	s5 =	sshrl.u32 s26, $0x1F;
	[smem:$0x793] =	sst s1  }
0x239: {  	v12 =	vsel vm13, s18, v12;
	s1 =	sshra.s32 s26, $0x6;
	s30 =	sshrl.u32 s29, $0x1F;
	s18 =	sld [smem:$0x782]  }
0x23a: {  	s13 =	sshra.s32 s29, $0x6;
	s29 =	sld [smem:$0x783];
	s23 =	sshrl.u32 s4, $0x1F  }
0x23b: {  	s15 =	sshra.s32 s4, $0x6;
	[smem:$0x794] =	sst s1;
	s4 =	sshrl.u32 s2, $0x1F  }
0x23c: {  	s1 =	sshra.s32 s2, $0x6;
	s2 =	sshrl.u32 s31, $0x1F;
	v16 =	vmov s30;
	s30 =	sld [smem:$0x784]  }
0x23d: {  	v15 =	vsel vm5, s16, v12;
	[smem:$0x796] =	sst s1;
	s1 =	sshra.s32 s31, $0x6;
	s16 =	sshrl.u32 s9, $0x1F  }
0x23e: {  	v14 =	vsel vm1, s6, v14;
	s17 =	sshra.s32 s9, $0x6;
	s6 =	sshra.s32 s9, $0x1F;
	s31 =	sld [smem:$0x785]  }
0x23f: {  	(v2sf) =	vpush v8, $0xC;
	v38 =	vsel vm14, s20, v15;
	s9 =	sshrl.u32 s12, $0x1F;
	v42 =	vmov s15;
	s15 =	sshra.s32 s14, $0x6;
	[smem:$0x797] =	sst s1  }
0x240: {  	v37 =	vsel vm2, s8, v14;
	v39 =	vmov s23;
	v14 =	vsel vm6, s19, v38;
	s19 =	sshrl.u32 s18, $0x1F;
	s26 =	sshra.s32 s18, $0x6;
	s20 =	sshra.s32 s18, $0x1F  }
0x241: {  	v16 =	vsel vm0, s5, v16;
	v15 =	vsel vm0, s22, v39;
	s22 =	sshrl.u32 s29, $0x1F;
	s5 =	sshra.s32 s29, $0x6;
	v18 =	vmov s16;
	s16 =	sld [smem:$0x788]  }
0x242: {  	s23 =	sshra.s32 s29, $0x1F;
	v16 =	vsel vm1, s4, v16;
	s18 =	sld [smem:$0x789];
	v14 =	vsel vm15, s24, v14;
	v15 =	vsel vm1, s25, v15;
	s4 =	sshra.s32 s31, $0x1F  }
0x243: {  	s29 =	sshrl.u32 s30, $0x1F;
	s0 =	sshra.s32 s30, $0x6;
	v18 =	vnsel vm3, $0x0, v18;
	v15 =	vsel vm2, s7, v15;
	s7 =	sld [smem:$0x786];
	v17 =	vmov s4  }
0x244: {  	v14 =	vsel vm7, s3, v14;
	s3 =	sshra.s32 s30, $0x1F;
	s30 =	sshra.s32 s12, $0x1F;
	v18 =	vsel vm0, s19, v18;
	s19 =	sld [smem:$0x78A];
	v17 =	vsel vm3, s17, v17  }
0x245: {  	s24 =	sshra.s32 s31, $0x6;
	s4 =	sshra.s32 s12, $0x6;
	v18 =	vsel vm1, s22, v18;
	s22 =	sld [smem:$0x78C];
	v17 =	vsel vm9, s6, v17  }
0x246: {  	s12 =	sshra.s32 s16, $0x6;
	s25 =	sshra.s32 s16, $0x1F;
	v18 =	vsel vm2, s29, v18;
	s29 =	sld [smem:$0x78E];
	v17 =	vsel vm0, s26, v17  }
0x247: {  	s17 =	sshrl.u32 s16, $0x1F;
	s6 =	sshra.s32 s18, $0x6;
	v17 =	vsel vm10, s20, v17;
	s20 =	sld [smem:$0x78B]  }
0x248: {  	(v2sf) =	vpush v8, $0xE;
	s16 =	sshrl.u32 s31, $0x1F;
	s8 =	sshrl.u32 s7, $0x1F;
	[smem:$0x79B] =	sst s6;
	v17 =	vsel vm1, s5, v17  }
0x249: {  	v16 =	vsel vm2, s2, v16;
	s1 =	sshra.s32 s7, $0x6;
	s2 =	sshra.s32 s7, $0x1F;
	v17 =	vsel vm11, s23, v17;
	s23 =	sld [smem:$0x78D]  }
0x24a: {  	(v2sf) =	vpush v8, $0xF;
	s26 =	sshrl.u32 s18, $0x1F;
	v18 =	vsel vm4, s8, v18;
	s8 =	sld [smem:$0x790];
	s5 =	sshra.s32 s20, $0x6  }
0x24b: {  	(v2sf) =	vpush v8, $0x9;
	s6 =	sshrl.u32 s19, $0x1F;
	[smem:$0x79C] =	sst s5;
	s5 =	sshra.s32 s22, $0x6  }
0x24c: {  	s18 =	sshra.s32 s19, $0x6;
	v17 =	vsel vm2, s0, v17;
	[smem:$0x79D] =	sst s5;
	s5 =	sshra.s32 s23, $0x6  }
0x24d: {  	v18 =	vsel vm5, s9, v18;
	s9 =	sshrl.u32 s29, $0x1F;
	s31 =	sshrl.u32 s20, $0x1F;
	v19 =	vsel vm12, s3, v17;
	[smem:$0x79E] =	sst s5  }
0x24e: {  	v18 =	vsel vm6, s17, v18;
	s20 =	sshra.s32 s14, $0x1F;
	s3 =	sshrl.u32 s11, $0x1F;
	v41 =	vsel vm4, s1, v19;
	s5 =	sld [smem:$0x78F]  }
0x24f: {  	v40 =	vsel vm7, s16, v18;
	s19 =	sshrl.u32 s23, $0x1F;
	s23 =	sshra.s32 s29, $0x6;
	s29 =	spop (v2sf);
	v18 =	vsel vm13, s2, v41  }
0x250: {  	(v2sf) =	vpush v8, $0x8;
	s2 =	sshrl.u32 s14, $0x1F;
	s14 =	sld [smem:$0x791];
	s1 =	sshra.s32 s29, $0x1F;
	v18 =	vsel vm5, s4, v18  }
0x251: {  	(v2sf) =	vpush v8, $0xA;
	v18 =	vsel vm14, s30, v18;
	s30 =	smulhi.u32 $0x51EB851F, s29;
	s29 =	sld [smem:$0x794];
	s0 =	sshra.s32 s5, $0x6  }
0x252: {  	v22 =	vmov s3;
	[smem:$0x79F] =	sst s0  }
0x253: {  	(v2sf) =	vpush v8, $0xB;
	s17 =	sshrl.u32 s8, $0x1F;
	v22 =	vnsel vm3, $0x0, v22;
	s0 =	sshra.s32 s8, $0x6;
	s8 =	sld [smem:$0x792]  }
0x254: {  	(v2sf) =	vpush v8, $0x0;
	s4 =	sshrl.u32 s10, $0x1F;
	v22 =	vsel vm0, s2, v22;
	v19 =	vsel vm0, s14, v42;
	s14 =	sld [smem:$0x793]  }
0x255: {  	(v2sf) =	vpush v8, $0x1;
	v22 =	vsel vm1, s4, v22;
	s4 =	sld [smem:$0x79A];
	v18 =	vsel vm6, s12, v18  }
0x256: {  	(v2sf) =	vpush v8, $0x2;
	v18 =	vsel vm15, s25, v18;
	s25 =	sld [smem:$0x797];
	v19 =	vsel vm1, s8, v19  }
0x257: {  	v20 =	vmov s13;
	s7 =	sshrl.u32 s22, $0x1F;
	s12 =	spop (v2sf);
	v19 =	vsel vm2, s14, v19;
	s14 =	sld [smem:$0x796]  }
0x258: {  	(v2sf) =	vpush v8, $0x3;
	s16 =	sshra.s32 s11, $0x6;
	v20 =	vsel vm0, s29, v20;
	s29 =	smul.u32 $0x51EB851F, s1;
	s1 =	sld [smem:$0x799]  }
0x259: {  	(v2sf) =	vpush v8, $0x4;
	v21 =	vmov s6;
	s11 =	sshra.s32 s11, $0x1F;
	[smem:$0x7A0] =	sst s0;
	v18 =	vsel vm7, s24, v18;
	s24 =	spop (v2sf)  }
0x25a: {  	(v2sf) =	vpush v8, $0x5;
	v21 =	vsel vm0, s26, v21;
	s22 =	sshrl.u32 s5, $0x1F;
	s26 =	spop (v2sf);
	s8 =	sld [smem:$0x795];
	v20 =	vsel vm1, s14, v20  }
0x25b: {  	v21 =	vsel vm1, s31, v21;
	s2 =	sshra.s32 s24, $0x1F;
	s31 =	sshrl.u32 s1, $0x1F;
	v20 =	vsel vm2, s25, v20;
	s25 =	sld [smem:$0x798]  }
0x25c: {  	v21 =	vsel vm2, s7, v21;
	s3 =	sshra.s32 s1, $0x6;
	s7 =	sshra.s32 s1, $0x1F;
	s1 =	smulhi.u32 $0x51EB851F, s24  }
0x25d: {  	s24 =	sshra.s32 s4, $0x6;
	s13 =	sshrl.u32 s8, $0x1F;
	s6 =	sshra.s32 s8, $0x6  }
0x25e: {  	(v2sf) =	vpush v8, $0x6;
	s14 =	sshra.s32 s8, $0x1F;
	s8 =	smulhi.u32 $0x51EB851F, s12;
	s0 =	sshra.s32 s25, $0x1F  }
0x25f: {  	s12 =	sshra.s32 s12, $0x1F;
	v22 =	vsel vm2, s13, v22;
	s13 =	sshra.s32 s4, $0x1F;
	v23 =	vmov s0;
	s0 =	spop (v2sf)  }
0x260: {  	v24 =	vmov s9;
	v23 =	vsel vm3, s16, v23;
	s16 =	smul.u32 $0x51EB851F, s12;
	s9 =	spop (v2sf);
	s12 =	sshrl.u32 s4, $0x1F  }
0x261: {  	v25 =	vmov s18;
	v24 =	vsel vm0, s19, v24;
	v22 =	vsel vm4, s31, v22;
	s4 =	rddreg [dreg:$0x1e];
	s18 =	smulhi.u32 $0x51EB851F, s0;
	s0 =	sshra.s32 s0, $0x1F  }
0x262: {  	v26 =	vmov s23;
	v23 =	vsel vm9, s11, v23;
	s19 =	spop (v2sf);
	v22 =	vsel vm5, s12, v22;
	s31 =	sshrl.u32 s4, $0x1F;
	s23 =	smul.u32 $0x51EB851F, s0  }
0x263: {  	s5 =	sshra.s32 s10, $0x6;
	v24 =	vsel vm1, s22, v24;
	v23 =	vsel vm0, s15, v23;
	s22 =	spop (v2sf);
	v22 =	vsel vm6, s31, v22;
	s31 =	sld [smem:$0x79C]  }
0x264: {  	s10 =	sshra.s32 s10, $0x1F;
	(v2sf) =	vpush v8, $0x7;
	v23 =	vsel vm10, s20, v23;
	s20 =	smul.u32 $0x51EB851F, s2;
	s15 =	spop (v2sf)  }
0x265: {  	v9 =	vcombine.low v31, v28;
	v23 =	vsel vm1, s5, v23;
	s5 =	smulhi.u32 $0x51EB851F, s26;
	s26 =	sshra.s32 s26, $0x1F;
	s12 =	spop (v2sf)  }
0x266: {  	v24 =	vsel vm2, s17, v24;
	s2 =	sadd.s32 s29, s30;
	s17 =	smul.u32 $0x51EB851F, s26;
	s26 =	sld [smem:$0x79B]  }
0x267: {  	v9 =	vperm.xlane v9, v1;
	v12 =	vcombine.low v37, v36;
	s30 =	sshra.s32 s19, $0x1F;
	v23 =	vsel vm11, s10, v23;
	s11 =	spop (v2sf);
	s10 =	sshrl.u32 s25, $0x1F  }
0x268: {  	v10 =	vperm.xlane v32, v2;
	s0 =	sadd.s32 s20, s1;
	s1 =	smulhi.u32 $0x51EB851F, s22;
	v23 =	vsel vm2, s6, v23;
	v22 =	vsel vm7, s10, v22;
	s10 =	spop (v2sf)  }
0x269: {  	v12 =	vperm.xlane v12, v1;
	v23 =	vsel vm12, s14, v23;
	s14 =	sshra.s32 s4, $0x6;
	s6 =	spop (v2sf);
	v25 =	vsel vm0, s26, v25;
	s26 =	sld [smem:$0x79E]  }
0x26a: {  	v14 =	vperm.xlane v14, v2;
	v23 =	vsel vm4, s3, v23;
	s3 =	sshra.s32 s4, $0x1F;
	s4 =	sld [smem:$0x79D];
	v25 =	vsel vm1, s31, v25;
	s31 =	sshra.s32 s9, $0x1F  }
0x26b: {  	v9 =	vsel vm8, v10, v9;
	s22 =	sshra.s32 s22, $0x1F;
	v23 =	vsel vm13, s7, v23;
	s7 =	sld [smem:$0x79F];
	s31 =	smul.u32 $0x51EB851F, s31  }
0x26c: {  	v12 =	vsel vm8, v14, v12;
	v23 =	vsel vm5, s24, v23;
	s24 =	sshra.s32 s25, $0x6;
	s25 =	rddreg [dreg:$0x1c];
	v26 =	vsel vm0, s26, v26;
	s26 =	smulhi.u32 $0x51EB851F, s9  }
0x26d: {  	v9 =	vadd.s32 v9, v12;
	v25 =	vsel vm2, s4, v25;
	s4 =	spop (v2sf);
	v23 =	vsel vm14, s13, v23;
	s13 =	sadd.s32 s16, s8;
	s8 =	smul.u32 $0x51EB851F, s22  }
0x26e: {  	v15 =	vcombine.low v16, v15;
	v9 =	vmul.u32 $0xC8, v9;
	s20 =	sshra.s32 s15, $0x1F;
	s9 =	sld [smem:$0x7A0];
	s16 =	smulhi.u32 $0x51EB851F, s11  }
0x26f: {  	s11 =	sshra.s32 s11, $0x1F;
	v26 =	vsel vm1, s7, v26;
	s7 =	sshrl.u32 s25, $0x1F;
	v44 =	vsel vm6, s14, v23;
	s14 =	smul.u32 $0x51EB851F, s30  }
0x270: {  	v47 =	vperm.xlane v15, v1;
	v5 =	vsub.s32 v5, v9;
	v46 =	vcombine.low v20, v19;
	s29 =	sshrl.u32 s13, $0x1F;
	s30 =	sshrl.u32 s0, $0x1F;
	s11 =	smul.u32 $0x51EB851F, s11  }
0x271: {  	v48 =	vperm.xlane v40, v2;
	v13 =	vsel vm15, s3, v44;
	s3 =	sadd.s32 s17, s5;
	v43 =	vsel vm2, s9, v26;
	s9 =	smulhi.u32 $0x51EB851F, s19;
	s19 =	sshrl.u32 s2, $0x1F  }
0x272: {  	v49 =	vperm.xlane v18, v2;
	v10 =	vperm.xlane v46, v1;
	s17 =	smulhi.u32 $0x51EB851F, s15;
	s5 =	sadd.s32 s31, s26;
	s1 =	sadd.s32 s8, s1;
	v45 =	vmov s19  }
0x273: {  	v52 =	vand.u32 $0xFFFFFFF8, v5;
	v5 =	vand.u32 $0x7, v5;
	s19 =	smulhi.u32 $0x51EB851F, s12;
	s31 =	spop (v2sf);
	v16 =	vsel vm0, s7, v45;
	s7 =	sadd.s32 s23, s18  }
0x274: {  	v14 =	vsel vm8, v48, v47;
	v10 =	vsel vm8, v49, v10;
	s23 =	smul.u32 $0x51EB851F, s20;
	s8 =	sshra.s32 s31, $0x1F;
	v16 =	vsel vm1, s29, v16;
	s29 =	sshrl.u32 s7, $0x1F  }
0x275: {  	v10 =	vadd.s32 v14, v10;
	s22 =	sshrl.u32 s3, $0x1F;
	v13 =	vsel vm7, s24, v13;
	s24 =	sshrl.u32 s1, $0x1F;
	s8 =	smul.u32 $0x51EB851F, s8;
	v50 =	vmov s29  }
0x276: {  	v9 =	vadd.s32 v52, v9;
	v10 =	vmul.u32 $0xC8, v10;
	s12 =	sshra.s32 s12, $0x1F;
	v12 =	vsel vm0, s22, v50;
	s22 =	sadd.s32 s23, s17;
	s23 =	smulhi.u32 $0x51EB851F, s31  }
0x277: {  	v5 =	vor.u32 v5, v9;
	v51 =	vcombine.low v24, v21;
	s11 =	sadd.s32 s11, s16;
	s2 =	sshra.s32 s2, $0x6;
	s12 =	smul.u32 $0x51EB851F, s12  }
0x278: {  	v6 =	vsub.s32 v6, v10;
	v11 =	vcombine.low v43, v25;
	s9 =	sadd.s32 s14, s9;
	v16 =	vsel vm2, s30, v16;
	s30 =	sshrl.u32 s5, $0x1F;
	s8 =	sadd.s32 s8, s23  }
0x279: {  	v14 =	vperm.xlane v51, v1;
	v57 =	vand.u32 $0xFFFFFFF8, v6;
	s20 =	smulhi.u32 $0x51EB851F, s4;
	s4 =	sshra.s32 s4, $0x1F;
	v12 =	vsel vm1, s30, v12;
	s30 =	sshra.s32 s8, $0x1F  }
0x27a: {  	v13 =	vperm.xlane v13, v2;
	v11 =	vperm.xlane v11, v1;
	s4 =	smul.u32 $0x51EB851F, s4;
	s7 =	sshra.s32 s7, $0x6;
	s31 =	sshra.s32 s1, $0x6;
	v55 =	vmov s30  }
0x27b: {  	v6 =	vand.u32 $0x7, v6;
	v54 =	vperm.xlane v22, v2;
	s29 =	smulhi.u32 $0x51EB851F, s10;
	s10 =	sshra.s32 s10, $0x1F;
	s1 =	sshra.s32 s1, $0x1F;
	v56 =	vsel vm3, s31, v55  }
0x27c: {  	v10 =	vadd.s32 v57, v10;
	s12 =	sadd.s32 s12, s19;
	s10 =	smul.u32 $0x51EB851F, s10;
	v11 =	vsel vm8, v13, v11;
	s18 =	sshra.s32 s22, $0x6;
	v13 =	vsel vm9, s1, v56  }
0x27d: {  	v6 =	vor.u32 v6, v10;
	v14 =	vsel vm8, v54, v14;
	s19 =	sshrl.u32 s11, $0x1F;
	s17 =	smulhi.u32 $0x51EB851F, s6;
	s15 =	sshra.s32 s22, $0x1F;
	v13 =	vsel vm0, s18, v13  }
0x27e: {  	v53 =	vmov s24;
	v61 =	vmov s2;
	s6 =	sshra.s32 s6, $0x1F;
	s26 =	sshrl.u32 s22, $0x1F;
	s22 =	sshra.s32 s12, $0x6;
	v13 =	vsel vm10, s15, v13  }
0x27f: {  	v17 =	vnsel vm3, $0x0, v53;
	v62 =	vmov s7;
	s16 =	sshrl.u32 s12, $0x1F;
	s6 =	smul.u32 $0x51EB851F, s6;
	s12 =	sshra.s32 s12, $0x1F;
	v13 =	vsel vm1, s22, v13  }
0x280: {  	v11 =	vadd.s32 v14, v11;
	v17 =	vsel vm0, s26, v17;
	s10 =	sadd.s32 s10, s29;
	s23 =	sshrl.u32 s9, $0x1F;
	s26 =	sshra.s32 s11, $0x6;
	v59 =	vsel vm11, s12, v13  }
0x281: {  	v11 =	vmul.u32 $0xC8, v11;
	v17 =	vsel vm1, s16, v17;
	s6 =	sadd.s32 s6, s17;
	s24 =	sshrl.u32 s10, $0x1F;
	s30 =	sshra.s32 s11, $0x1F;
	v9 =	vsel vm2, s26, v59  }
0x282: {  	v12 =	vsel vm2, s23, v12;
	s14 =	sshra.s32 s10, $0x1F;
	s16 =	sshra.s32 s3, $0x6;
	v58 =	vsel vm2, s19, v17;
	s12 =	sshra.s32 s10, $0x6;
	v9 =	vsel vm12, s30, v9  }
0x283: {  	s29 =	sshrl.u32 s6, $0x1F;
	v12 =	vcombine.low v12, v16;
	s17 =	sshra.s32 s6, $0x6;
	s19 =	sshra.s32 s13, $0x6;
	v60 =	vsel vm4, s24, v58;
	v9 =	vsel vm4, s12, v9  }
0x284: {  	v14 =	vsel vm0, s16, v62;
	s1 =	sadd.s32 s4, s20;
	v10 =	vsel vm5, s29, v60;
	s20 =	sshra.s32 s5, $0x6;
	s15 =	sshra.s32 s25, $0x6;
	v9 =	vsel vm13, s14, v9  }
0x285: {  	s31 =	sshrl.u32 s1, $0x1F;
	s18 =	simm.s32 $0xCFD0;
	v14 =	vsel vm1, s20, v14;
	s22 =	sshra.s32 s6, $0x1F;
	v13 =	vsel vm0, s15, v61;
	v9 =	vsel vm5, s17, v9  }
0x286: {  	s0 =	sshra.s32 s0, $0x6;
	s23 =	sshra.s32 s9, $0x6;
	s24 =	sshra.s32 s1, $0x6;
	v10 =	vsel vm6, s31, v10;
	v5 =	vld.idx.msk [tilespmem:v5+s18+$0x0], $0xffff;
	v13 =	vsel vm1, s19, v13;
	v9 =	vsel vm14, s22, v9  }
0x287: {  	s25 =	sshrl.u32 s8, $0x1F;
	v14 =	vsel vm2, s23, v14;
	s26 =	sshra.s32 s1, $0x1F;
	v13 =	vsel vm2, s0, v13;
	v9 =	vsel vm6, s24, v9  }
0x288: {  	v10 =	vsel vm7, s25, v10;
	s30 =	sshra.s32 s8, $0x6;
	v13 =	vcombine.low v14, v13;
	v9 =	vsel vm15, s26, v9  }
0x289: {  	v12 =	vperm.xlane v12, v1;
	v10 =	vperm.xlane v10, v2;
	v9 =	vsel vm7, s30, v9  }
0x28a: {  	v7 =	vsub.s32 v7, v11;
	s29 =	rddreg [dreg:$0x18];
	v13 =	vperm.xlane v13, v1;
	v9 =	vperm.xlane v9, v2  }
0x28b: {  	v63 =	vand.u32 $0xFFFFFFF8, v7;
	v7 =	vand.u32 $0x7, v7;
	[tilespmem:s29+$0xFFFFFFE0] =	vst v5  }
0x28c: {  	v10 =	vsel vm8, v10, v12;
	v5 =	vadd.s32 v63, v11;
	v6 =	vld.idx.msk [tilespmem:v6+s18+$0x0], $0xffff;
	v9 =	vsel vm8, v9, v13  }
0x28d: {  	v5 =	vor.u32 v7, v5;
	v7 =	vadd.s32 v10, v9  }
0x28e: {  	v7 =	vmul.u32 $0xC8, v7;
	_ =	sdelay $0x1  }
0x28f: {  	v8 =	vsub.s32 v8, v7  }
0x290: {  	[tilespmem:s29+$0xFFFFFFF0] =	vst v6;
	v6 =	vand.u32 $0xFFFFFFF8, v8  }
0x291: {  	v5 =	vld.idx.msk [tilespmem:v5+s18+$0x0], $0xffff;
	v8 =	vand.u32 $0x7, v8;
	v6 =	vadd.s32 v6, v7  }
0x292: {  	v6 =	vor.u32 v8, v6;
	_ =	sdelay $0x3  }
0x293: {  	s31 =	rddreg [dreg:$0x15];
	[tilespmem:s29+$0x0] =	vst v5  }
0x294: {  	p1 =	sne.s32 s31, $0xC70;
	v5 =	vld.idx.msk [tilespmem:v6+s18+$0x0], $0xffff  }
.Ltmp1:
0x295: {  	_ = 	snop;
	(pc) =	sbr.rel @p1 .LBB2_5-.Ltmp1, $2  }
0x296: {  	_ =	sdelay $0x2  }
0x297: {  	s1 =	sadd.s32 $0x40, s29;
	s0 =	sadd.s32 $0x40, s31;
	[tilespmem:s29+$0x10] =	vst v5  }
0x298: {  	s1 =	rddreg [dreg:$0x2]  }
0x299: {  	s2 =	simm.s32 $0x640;
	s0 =	simm.s32 $0xE8D0;
	s9 =	rddreg [dreg:$0x11]  }
0x29a: {  	[tilespmem:s28], [sflag:$0x4] =	stream.indirect.gather [spmem:s1], $0x8, s0, s2, $0xb8;
	[tilespmem:$0x1EF50] =	vst v63  }
0x29b: {  	s11 =	sshll.u32 s9, $0x5;
	p1 =	seq.s32 s9, $0xF;
	s0 =	rddreg [dreg:$0xb]  }
0x29c: {  	s0 =	sadd.s32 @!p1 s11, s0  }
0x29d: {  	s3 =	simm.s32 $0xEF10;
	s4 =	simm.s32 $0x18B50;
	s0 =	smul.u32 @!p1 $0x19, s0  }
0x29e: {  	[tilespmem:s4], [sflag:$0x4] =	stream.indirect.gather [spmem:s1], $0x8, s3, s2, $0xb8;
	[tilespmem:$0x1EF50] =	vst v63  }
0x29f: {  	s31 =	simm.s32 $0x3;
	s1 =	rddreg [dreg:$0x4]  }
0x2a0: {  	s2 =	simm.s32 @!p1 $0xC350;
	s0 =	sadd.s32 @!p1 s1, s0;
	s1 =	simm.s32 @!p1 $0x0  }
0x2a1: {  	[tilespmem:s2], [sflag:$0x1] =	stream.linear.gather @!p1 [hbm4b:s0+s1], $0xC80, $0x38;
	[tilespmem:$0x1EF50] =	vst v63  }
0x2a2: {  	_ =	swait.ge [sflag:s31], $0x3200  }
0x2a3: {  	[sflag:s31] =	ssyncset.done $0x0  }
0x2a4: {  	[sflag:s31] =	ssyncadd.s32 $0xFFFFCE00  }
0x2a5: {  	_ =	swait.ge [sflag:s31], $0x3200  }
0x2a6: {  	s10 =	sor.u32 $0x10, s11;
	s0 =	simm.s32 $0x0;
	[sflag:s31] =	ssyncset.done $0x0  }
0x2a7: {  	s1 =	simm.s32 $0x1BD50;
	s2 =	simm.s32 $0x4;
	[sflag:s31] =	ssyncadd.s32 $0xFFFFCE00  }
.LBB2_7:
0x2a8: {  	s3 =	sadd.s32 $0xFFFFFFFC, s2  }
0x2a9: {  	v5 =	vmov s3  }
0x2aa: {  	v5 =	vshll.u32 v5, $0x3  }
0x2ab: {  	v5 =	vor.u32 v3, v5  }
0x2ac: {  	v6 =	vor.u32 v4, v5;
	_ =	sdelay $0x2  }
0x2ad: {  	v5 =	vmov s2  }
0x2ae: {  	v5 =	vshll.u32 v5, $0x3  }
0x2af: {  	v8 =	vor.u32 v3, v5;
	v5 =	vmov s1;
	v7 =	vld.idx.msk [tilespmem:v6+s21+$0x0], $0xffff  }
0x2b0: {  	v6 =	vor.u32 v4, v8;
	_ =	sdelay $0x1  }
0x2b1: {  	s4 =	sadd.s32 $0x8, s2;
	s5 =	simm.s32 $0x100  }
0x2b2: {  	s6 =	simm.s32 $0x0;
	s3 =	simm.s32 $0x80;
	s7 =	sadd.s32 $0xFFFFFFFC, s4  }
.LBB2_8:
0x2b3: {  	p2 =	sne.s32 s5, $0xC00;
	v8 =	vmov s7;
	[tilespmem:v5+s6+$0x0 ss:$0x1] =	vst.idx.msk $0xffff, v7;
	s8 =	smov.u32 s3;
	s3 =	smov.u32 s5  }
0x2b4: {  	v7 =	vshll.u32 v8, $0x3;
	v6 =	vld.idx.msk [tilespmem:v6+s21+$0x0], $0xffff  }
0x2b5: {  	v7 =	vor.u32 v3, v7  }
0x2b6: {  	v7 =	vor.u32 v4, v7;
	_ =	sdelay $0x3  }
0x2b7: {  	v8 =	vmov s4;
	[tilespmem:v5+s6+$0x10 ss:$0x1] =	vst.idx.msk $0xffff, v6  }
0x2b8: {  	v6 =	vshll.u32 v8, $0x3;
	v7 =	vld.idx.msk [tilespmem:v7+s21+$0x0], $0xffff  }
.Ltmp2:
0x2b9: {  	v6 =	vor.u32 v3, v6;
	(pc) =	sbr.rel @p2 .LBB2_8-.Ltmp2, $3  }
0x2ba: {  	v6 =	vor.u32 v4, v6;
	_ =	sdelay $0x1  }
0x2bb: {  	s4 =	sadd.s32 $0x8, s4  }
0x2bc: {  	s5 =	sadd.s32 $0x80, s5;
	s7 =	sadd.s32 $0xFFFFFFFC, s4;
	s6 =	sshra.s32 s8, $0x2  }
0x2bd: {  	_ =	sdelay $0x2  }
0x2be: {  	v8 =	vmov s7  }
0x2bf: {  	[tilespmem:v5+s6+$0x0 ss:$0x1] =	vst.idx.msk $0xffff, v7;
	v7 =	vshll.u32 v8, $0x3  }
0x2c0: {  	v6 =	vld.idx.msk [tilespmem:v6+s21+$0x0], $0xffff;
	v7 =	vor.u32 v3, v7  }
0x2c1: {  	v7 =	vor.u32 v4, v7;
	_ =	sdelay $0x2  }
0x2c2: {  	v63 =	vmov s4  }
0x2c3: {  	[tilespmem:v5+s6+$0x10 ss:$0x1] =	vst.idx.msk $0xffff, v6;
	v6 =	vshll.u32 v63, $0x3  }
0x2c4: {  	v6 =	vor.u32 v3, v6;
	v7 =	vld.idx.msk [tilespmem:v7+s21+$0x0], $0xffff  }
0x2c5: {  	v6 =	vor.u32 v4, v6;
	_ =	sdelay $0x2  }
0x2c6: {  	s3 =	sshra.s32 s3, $0x2  }
0x2c7: {  	s0 =	sadd.s32 $0x1, s0;
	[tilespmem:v5+s3+$0x0 ss:$0x1] =	vst.idx.msk $0xffff, v7  }
0x2c8: {  	p2 =	sne.s32 s0, $0x10;
	v6 =	vld.idx.msk [tilespmem:v6+s21+$0x0], $0xffff  }
.Ltmp3:
0x2c9: {  	_ = 	snop;
	(pc) =	sbr.rel @p2 .LBB2_7-.Ltmp3, $2  }
0x2ca: {  	_ =	sdelay $0x2  }
0x2cb: {  	s1 =	sadd.s32 $0x320, s1;
	s2 =	sadd.s32 $0xC8, s2;
	[tilespmem:v5+s3+$0x10 ss:$0x1] =	vst.idx.msk $0xffff, v6  }
0x2cc: {  	s0 =	rddreg [dreg:$0x5]  }
0x2cd: {  	s0 =	sadd.s32 s0, s11  }
0x2ce: {  	s0 =	smul.u32 $0x64, s0  }
0x2cf: {  	s1 =	rddreg [dreg:$0x1];
	s30 =	simm.s32 $0x0;
	s2 =	simm.s32 $0x1BD50  }
.Ltmp4:
0x2d0: {  	s31 =	simm.s32 $0x5;
	s0 =	sadd.s32 s1, s0;
	(pc) =	sbr.rel @p1 .LBB2_14-.Ltmp4, $4  }
0x2d1: {  	[hbm4b:s0+s30] =	stream.linear.scatter [tilespmem:s2], [sflag:$0x5], $0x3200, $0x38;
	[tilespmem:$0x1EF50] =	vst v63  }
0x2d2: {  	_ =	swait.ge [sflag:s31], $0x3200  }
0x2d3: {  	[sflag:s31] =	ssyncset.done $0x0  }
0x2d4: {  	[sflag:s31] =	ssyncadd.s32 $0xFFFFCE00  }
0x2d5: {  	[dreg:$0x13] =	wrdreg s11  }
0x2d6: {  	[dreg:$0x12] =	wrdreg s10;
	s0 =	simm.s32 $0x1  }
0x2d7: {  	_ =	swait.ge [sflag:s0], $0xC80  }
0x2d8: {  	[sflag:s0] =	ssyncset.done $0x0  }
0x2d9: {  	s1 =	simm.s32 $0xDC70;
	[sflag:s0] =	ssyncadd.s32 $0xFFFFF380;
	s0 =	simm.s32 $0x30  }
.LBB2_12:
0x2da: {  	[dreg:$0x16] =	wrdreg s0  }
0x2db: {  	s0 =	rddreg [dreg:$0x16]  }
0x2dc: {  	s0 =	sadd.s32 $0xFFFFFFD0, s0  }
0x2dd: {  	v5 =	vor.u32 s0, v0  }
0x2de: {  	(v2sf) =	vpush v5, $0xD  }
0x2df: {  	(v2sf) =	vpush v5, $0xC;
	_ =	sdelay $0x1  }
0x2e0: {  	(v2sf) =	vpush v5, $0xE;
	_ =	sdelay $0x2  }
0x2e1: {  	(v2sf) =	vpush v5, $0xF;
	_ =	sdelay $0x1  }
0x2e2: {  	(v2sf) =	vpush v5, $0x9;
	_ =	sdelay $0x1  }
0x2e3: {  	(v2sf) =	vpush v5, $0x8;
	_ =	sdelay $0x1  }
0x2e4: {  	(v2sf) =	vpush v5, $0xA  }
0x2e5: {  	(v2sf) =	vpush v5, $0xB;
	_ =	sdelay $0x1  }
0x2e6: {  	[dreg:$0x19] =	wrdreg s1;
	(v2sf) =	vpush v5, $0x0;
	s1 =	spop (v2sf)  }
0x2e7: {  	s15 =	smulhi.u32 $0x51EB851F, s1;
	s0 =	sshra.s32 s1, $0x1F;
	s2 =	spop (v2sf);
	(v2sf) =	vpush v5, $0x1  }
0x2e8: {  	s18 =	smul.u32 $0x51EB851F, s0  }
0x2e9: {  	s23 =	smulhi.u32 $0x51EB851F, s2;
	s0 =	sshra.s32 s2, $0x1F;
	s3 =	spop (v2sf);
	(v2sf) =	vpush v5, $0x2  }
0x2ea: {  	s14 =	smul.u32 $0x51EB851F, s0;
	(v2sf) =	vpush v5, $0x3  }
0x2eb: {  	s24 =	smulhi.u32 $0x51EB851F, s3;
	s0 =	sshra.s32 s3, $0x1F  }
0x2ec: {  	s4 =	spop (v2sf);
	s17 =	smul.u32 $0x51EB851F, s0  }
0x2ed: {  	s25 =	smulhi.u32 $0x51EB851F, s4;
	s0 =	sshra.s32 s4, $0x1F;
	(v2sf) =	vpush v5, $0x4  }
0x2ee: {  	s5 =	spop (v2sf);
	s16 =	smul.u32 $0x51EB851F, s0  }
0x2ef: {  	s26 =	smulhi.u32 $0x51EB851F, s5;
	s0 =	sshra.s32 s5, $0x1F  }
0x2f0: {  	s6 =	spop (v2sf);
	(v2sf) =	vpush v5, $0x5;
	s19 =	smul.u32 $0x51EB851F, s0  }
0x2f1: {  	s29 =	smulhi.u32 $0x51EB851F, s6;
	s0 =	sshra.s32 s6, $0x1F  }
0x2f2: {  	s7 =	spop (v2sf);
	s11 =	smul.u32 $0x51EB851F, s0  }
0x2f3: {  	s30 =	smulhi.u32 $0x51EB851F, s7;
	s0 =	sshra.s32 s7, $0x1F;
	s8 =	spop (v2sf)  }
0x2f4: {  	s10 =	rddreg [dreg:$0x16];
	(v2sf) =	vpush v5, $0x6;
	s9 =	smul.u32 $0x51EB851F, s0;
	s0 =	sshra.s32 s8, $0x1F  }
0x2f5: {  	s12 =	spop (v2sf);
	s7 =	smul.u32 $0x51EB851F, s0  }
0x2f6: {  	s1 =	sadd.s32 $0xFFFFFFE0, s10;
	s13 =	smulhi.u32 $0x51EB851F, s12;
	s20 =	spop (v2sf)  }
0x2f7: {  	v6 =	vor.u32 s1, v0;
	s22 =	smulhi.u32 $0x51EB851F, s20;
	s1 =	sshra.s32 s20, $0x1F  }
0x2f8: {  	(v2sf) =	vpush v5, $0x7;
	s2 =	spop (v2sf);
	s20 =	smul.u32 $0x51EB851F, s1  }
0x2f9: {  	s1 =	smulhi.u32 $0x51EB851F, s2;
	s2 =	sshra.s32 s2, $0x1F;
	s3 =	spop (v2sf)  }
0x2fa: {  	[smem:$0x6E9] =	sst s22;
	s22 =	smul.u32 $0x51EB851F, s2  }
0x2fb: {  	s0 =	sshra.s32 s12, $0x1F;
	[smem:$0x6E8] =	sst s13;
	s2 =	smulhi.u32 $0x51EB851F, s3  }
0x2fc: {  	(v2sf) =	vpush v6, $0xD;
	s13 =	smul.u32 $0x51EB851F, s0;
	s3 =	sshra.s32 s3, $0x1F;
	s4 =	spop (v2sf)  }
0x2fd: {  	[smem:$0x6EB] =	sst s2;
	s2 =	smul.u32 $0x51EB851F, s3  }
0x2fe: {  	(v2sf) =	vpush v6, $0xC;
	s3 =	smulhi.u32 $0x51EB851F, s4;
	s4 =	sshra.s32 s4, $0x1F  }
0x2ff: {  	(v2sf) =	vpush v6, $0xE;
	s5 =	spop (v2sf);
	s0 =	smul.u32 $0x51EB851F, s4  }
0x300: {  	s4 =	smulhi.u32 $0x51EB851F, s5;
	s5 =	sshra.s32 s5, $0x1F  }
0x301: {  	s6 =	smul.u32 $0x51EB851F, s5  }
0x302: {  	s31 =	smulhi.u32 $0x51EB851F, s8;
	(v2sf) =	vpush v6, $0xF  }
0x303: {  	[smem:$0x6EE] =	sst s6;
	s6 =	spop (v2sf)  }
0x304: {  	(v2sf) =	vpush v6, $0x9;
	s5 =	smulhi.u32 $0x51EB851F, s6;
	s6 =	sshra.s32 s6, $0x1F  }
0x305: {  	s8 =	smul.u32 $0x51EB851F, s6;
	_ =	sdelay $0x1  }
0x306: {  	(v2sf) =	vpush v6, $0x8;
	[smem:$0x6EF] =	sst s8;
	s8 =	spop (v2sf)  }
0x307: {  	s15 =	sadd.s32 s18, s15;
	s6 =	smulhi.u32 $0x51EB851F, s8;
	s8 =	sshra.s32 s8, $0x1F  }
0x308: {  	[smem:$0x716] =	sst s15;
	(v2sf) =	vpush v6, $0xA;
	s10 =	smul.u32 $0x51EB851F, s8  }
0x309: {  	[smem:$0x6EC] =	sst s3  }
0x30a: {  	[smem:$0x6F0] =	sst s10;
	s10 =	spop (v2sf)  }
0x30b: {  	[smem:$0x6ED] =	sst s4;
	s8 =	smulhi.u32 $0x51EB851F, s10;
	s10 =	sshra.s32 s10, $0x1F  }
0x30c: {  	(v2sf) =	vpush v6, $0xB;
	s3 =	spop (v2sf);
	s12 =	smul.u32 $0x51EB851F, s10  }
0x30d: {  	s4 =	smulhi.u32 $0x51EB851F, s3;
	s10 =	sshra.s32 s3, $0x1F;
	s3 =	spop (v2sf)  }
0x30e: {  	[smem:$0x6F1] =	sst s12;
	s12 =	smul.u32 $0x51EB851F, s10  }
0x30f: {  	(v2sf) =	vpush v6, $0x0;
	[smem:$0x6F2] =	sst s4;
	s4 =	smulhi.u32 $0x51EB851F, s3  }
0x310: {  	s10 =	sshra.s32 s3, $0x1F;
	s3 =	spop (v2sf);
	[smem:$0x6F3] =	sst s12  }
0x311: {  	[smem:$0x6F4] =	sst s4;
	s12 =	smul.u32 $0x51EB851F, s10  }
0x312: {  	(v2sf) =	vpush v6, $0x1;
	s4 =	smulhi.u32 $0x51EB851F, s3;
	s10 =	sshra.s32 s3, $0x1F;
	s3 =	spop (v2sf)  }
0x313: {  	[smem:$0x6F5] =	sst s12;
	s12 =	smul.u32 $0x51EB851F, s10  }
0x314: {  	(v2sf) =	vpush v6, $0x2;
	[smem:$0x6F6] =	sst s4;
	s4 =	smulhi.u32 $0x51EB851F, s3  }
0x315: {  	s10 =	sshra.s32 s3, $0x1F;
	s3 =	spop (v2sf);
	[smem:$0x6F7] =	sst s12  }
0x316: {  	[smem:$0x6F8] =	sst s4;
	s12 =	smul.u32 $0x51EB851F, s10  }
0x317: {  	s4 =	smulhi.u32 $0x51EB851F, s3;
	s10 =	sshra.s32 s3, $0x1F;
	s3 =	spop (v2sf)  }
0x318: {  	(v2sf) =	vpush v6, $0x3;
	[smem:$0x6F9] =	sst s12;
	s12 =	smul.u32 $0x51EB851F, s10  }
0x319: {  	[smem:$0x6FA] =	sst s4;
	s4 =	smulhi.u32 $0x51EB851F, s3;
	s10 =	sshra.s32 s3, $0x1F  }
0x31a: {  	[smem:$0x6FB] =	sst s12;
	s12 =	smul.u32 $0x51EB851F, s10  }
0x31b: {  	(v2sf) =	vpush v6, $0x4;
	s3 =	spop (v2sf);
	[smem:$0x6FC] =	sst s4  }
0x31c: {  	(v2sf) =	vpush v6, $0x5;
	s4 =	smulhi.u32 $0x51EB851F, s3;
	s10 =	sshra.s32 s3, $0x1F;
	[smem:$0x6FD] =	sst s12  }
0x31d: {  	s15 =	sadd.s32 s14, s23;
	s3 =	smul.u32 $0x51EB851F, s10;
	s12 =	rddreg [dreg:$0x16]  }
0x31e: {  	[smem:$0x6FE] =	sst s4;
	s4 =	spop (v2sf);
	s12 =	sadd.s32 $0xFFFFFFF0, s12  }
0x31f: {  	[smem:$0x717] =	sst s15;
	s10 =	sshra.s32 s4, $0x1F;
	v7 =	vor.u32 s12, v0;
	s12 =	smulhi.u32 $0x51EB851F, s4  }
0x320: {  	(v2sf) =	vpush v6, $0x6;
	[smem:$0x6FF] =	sst s3;
	s3 =	smul.u32 $0x51EB851F, s10  }
0x321: {  	(v2sf) =	vpush v6, $0x7;
	s4 =	spop (v2sf);
	[smem:$0x700] =	sst s12  }
0x322: {  	s10 =	smulhi.u32 $0x51EB851F, s4;
	[smem:$0x701] =	sst s3;
	s12 =	sshra.s32 s4, $0x1F  }
0x323: {  	s24 =	sadd.s32 s17, s24;
	s3 =	spop (v2sf);
	s12 =	smul.u32 $0x51EB851F, s12  }
0x324: {  	[smem:$0x718] =	sst s24;
	s4 =	smulhi.u32 $0x51EB851F, s3  }
0x325: {  	[smem:$0x702] =	sst s12  }
0x326: {  	[smem:$0x703] =	sst s4;
	s12 =	sshra.s32 s3, $0x1F  }
0x327: {  	s15 =	sadd.s32 s16, s25;
	s4 =	smul.u32 $0x51EB851F, s12;
	s12 =	spop (v2sf)  }
0x328: {  	[smem:$0x719] =	sst s15;
	s3 =	smulhi.u32 $0x51EB851F, s12;
	s12 =	sshra.s32 s12, $0x1F  }
0x329: {  	[smem:$0x6EA] =	sst s1;
	s1 =	smul.u32 $0x51EB851F, s12  }
0x32a: {  	s12 =	spop (v2sf);
	[smem:$0x704] =	sst s3  }
0x32b: {  	s18 =	smulhi.u32 $0x51EB851F, s12;
	s23 =	spop (v2sf)  }
0x32c: {  	s12 =	sshra.s32 s12, $0x1F;
	s3 =	sld [smem:$0x6EE];
	s14 =	smulhi.u32 $0x51EB851F, s23  }
0x32d: {  	[smem:$0x705] =	sst s18;
	s18 =	smul.u32 $0x51EB851F, s12  }
0x32e: {  	(v2sf) =	vpush v7, $0xD;
	s12 =	sshra.s32 s23, $0x1F;
	s23 =	sadd.s32 s11, s29;
	[smem:$0x707] =	sst s14  }
0x32f: {  	s17 =	spop (v2sf);
	s11 =	sadd.s32 s7, s31;
	[smem:$0x71B] =	sst s23  }
0x330: {  	(v2sf) =	vpush v7, $0xC;
	s25 =	spop (v2sf);
	[smem:$0x71D] =	sst s11  }
0x331: {  	s16 =	smul.u32 $0x51EB851F, s12;
	s23 =	sld [smem:$0x6EA]  }
0x332: {  	(v2sf) =	vpush v7, $0xE;
	s29 =	smulhi.u32 $0x51EB851F, s25;
	[smem:$0x706] =	sst s18;
	s18 =	sadd.s32 s19, s26  }
0x333: {  	s26 =	sadd.s32 s9, s30;
	s30 =	sshra.s32 s25, $0x1F;
	s25 =	sld [smem:$0x6EB]  }
0x334: {  	[smem:$0x708] =	sst s16  }
0x335: {  	[smem:$0x71A] =	sst s18  }
0x336: {  	[smem:$0x71C] =	sst s26  }
0x337: {  	[smem:$0x70B] =	sst s29  }
0x338: {  	s12 =	sshra.s32 s17, $0x1F;
	s19 =	smulhi.u32 $0x51EB851F, s17;
	s16 =	sld [smem:$0x6E8]  }
0x339: {  	s24 =	smul.u32 $0x51EB851F, s12;
	s18 =	sld [smem:$0x6E9]  }
0x33a: {  	s12 =	smul.u32 $0x51EB851F, s30;
	s30 =	sld [smem:$0x6EC]  }
0x33b: {  	[smem:$0x709] =	sst s19  }
0x33c: {  	[smem:$0x70A] =	sst s24  }
0x33d: {  	[smem:$0x70C] =	sst s12;
	s14 =	spop (v2sf)  }
0x33e: {  	(v2sf) =	vpush v7, $0xF;
	s12 =	sld [smem:$0x6EF];
	s17 =	smulhi.u32 $0x51EB851F, s14;
	s7 =	sshra.s32 s14, $0x1F  }
0x33f: {  	s18 =	sadd.s32 s20, s18;
	s20 =	spop (v2sf);
	s19 =	smul.u32 $0x51EB851F, s7  }
0x340: {  	s14 =	sld [smem:$0x6F0];
	s24 =	smulhi.u32 $0x51EB851F, s20;
	s7 =	sshra.s32 s20, $0x1F  }
0x341: {  	s20 =	sadd.s32 s2, s25;
	s29 =	spop (v2sf);
	s2 =	sld [smem:$0x6ED]  }
0x342: {  	[smem:$0x70D] =	sst s17;
	s26 =	smul.u32 $0x51EB851F, s7  }
0x343: {  	s31 =	smulhi.u32 $0x51EB851F, s29;
	s7 =	sshra.s32 s29, $0x1F;
	s29 =	sld [smem:$0x6F2]  }
0x344: {  	[smem:$0x70E] =	sst s19  }
0x345: {  	[smem:$0x70F] =	sst s24  }
0x346: {  	(v2sf) =	vpush v7, $0x9;
	s19 =	sadd.s32 s22, s23;
	s22 =	sld [smem:$0x6F1]  }
0x347: {  	s24 =	sadd.s32 s0, s30;
	s30 =	sld [smem:$0x6F3]  }
0x348: {  	(v2sf) =	vpush v7, $0x8;
	[smem:$0x710] =	sst s26  }
0x349: {  	[smem:$0x711] =	sst s31  }
0x34a: {  	(v2sf) =	vpush v7, $0xA;
	s26 =	sadd.s32 s12, s5;
	s5 =	sld [smem:$0x6F4]  }
0x34b: {  	s31 =	sadd.s32 s14, s6;
	s6 =	sld [smem:$0x6F5]  }
0x34c: {  	s9 =	smul.u32 $0x51EB851F, s7;
	s12 =	sld [smem:$0x6F8]  }
0x34d: {  	s15 =	sadd.s32 s13, s16;
	s11 =	spop (v2sf);
	s14 =	sld [smem:$0x6FA]  }
0x34e: {  	[smem:$0x712] =	sst s9;
	s13 =	smulhi.u32 $0x51EB851F, s11;
	s7 =	sshra.s32 s11, $0x1F  }
0x34f: {  	s16 =	smul.u32 $0x51EB851F, s7;
	s7 =	sld [smem:$0x6F6]  }
0x350: {  	(v2sf) =	vpush v7, $0xB;
	s25 =	sadd.s32 s3, s2;
	s2 =	sadd.s32 s22, s8;
	s8 =	sld [smem:$0x6F7]  }
0x351: {  	[smem:$0x713] =	sst s13  }
0x352: {  	[smem:$0x71E] =	sst s2  }
0x353: {  	s13 =	sld [smem:$0x6F9]  }
0x354: {  	s2 =	sadd.s32 s30, s29;
	s29 =	sld [smem:$0x6FB]  }
0x355: {  	s17 =	spop (v2sf);
	[smem:$0x714] =	sst s16  }
0x356: {  	s23 =	smulhi.u32 $0x51EB851F, s17;
	[smem:$0x71F] =	sst s2  }
0x357: {  	s3 =	spop (v2sf);
	s2 =	sld [smem:$0x6FC]  }
0x358: {  	s22 =	smulhi.u32 $0x51EB851F, s3;
	s11 =	sshra.s32 s3, $0x1F;
	s3 =	sld [smem:$0x6FD]  }
0x359: {  	s0 =	sshra.s32 s17, $0x1F;
	s9 =	spop (v2sf);
	[smem:$0x715] =	sst s23  }
0x35a: {  	(v2sf) =	vpush v7, $0x0;
	s23 =	smul.u32 $0x51EB851F, s0;
	s0 =	sadd.s32 s6, s5;
	s5 =	sld [smem:$0x6FE]  }
0x35b: {  	(v2sf) =	vpush v7, $0x1;
	s16 =	smul.u32 $0x51EB851F, s11;
	s6 =	sld [smem:$0x6FF]  }
0x35c: {  	s17 =	smulhi.u32 $0x51EB851F, s9;
	s11 =	sshra.s32 s9, $0x1F;
	s9 =	sld [smem:$0x700]  }
0x35d: {  	[smem:$0x720] =	sst s0  }
0x35e: {  	s0 =	sadd.s32 s8, s7;
	s7 =	rddreg [dreg:$0x16]  }
0x35f: {  	s30 =	spop (v2sf);
	[smem:$0x721] =	sst s0;
	s0 =	sadd.s32 s13, s12  }
0x360: {  	(v2sf) =	vpush v7, $0x2;
	s13 =	smul.u32 $0x51EB851F, s11;
	s11 =	sshra.s32 s30, $0x1F;
	[smem:$0x722] =	sst s0  }
0x361: {  	s12 =	smul.u32 $0x51EB851F, s11;
	s11 =	sld [smem:$0x701]  }
0x362: {  	s16 =	sadd.s32 s16, s22;
	s0 =	sadd.s32 s29, s14;
	s29 =	sld [smem:$0x702]  }
0x363: {  	[smem:$0x733] =	sst s16  }
0x364: {  	[smem:$0x723] =	sst s0  }
0x365: {  	(v2sf) =	vpush v7, $0x3;
	s0 =	sadd.s32 s3, s2;
	s3 =	sld [smem:$0x703]  }
0x366: {  	[smem:$0x724] =	sst s0  }
0x367: {  	s13 =	sadd.s32 s13, s17;
	s0 =	sadd.s32 s6, s5;
	s5 =	sld [smem:$0x704]  }
0x368: {  	s14 =	smulhi.u32 $0x51EB851F, s30;
	[smem:$0x734] =	sst s13  }
0x369: {  	s8 =	spop (v2sf);
	[smem:$0x725] =	sst s0;
	s2 =	sadd.s32 s11, s9  }
0x36a: {  	s0 =	sshra.s32 s8, $0x1F;
	s30 =	spop (v2sf);
	[smem:$0x726] =	sst s2  }
0x36b: {  	s2 =	sadd.s32 s29, s10;
	s9 =	smul.u32 $0x51EB851F, s0;
	s29 =	sld [smem:$0x705]  }
0x36c: {  	s10 =	smulhi.u32 $0x51EB851F, s30;
	s0 =	sshra.s32 s30, $0x1F;
	s30 =	sld [smem:$0x706]  }
0x36d: {  	[smem:$0x727] =	sst s2  }
0x36e: {  	s11 =	smulhi.u32 $0x51EB851F, s8;
	s2 =	sadd.s32 s4, s3;
	s3 =	sld [smem:$0x708]  }
0x36f: {  	s6 =	spop (v2sf);
	s1 =	sadd.s32 s1, s5;
	[smem:$0x728] =	sst s2  }
0x370: {  	s8 =	smul.u32 $0x51EB851F, s0;
	[smem:$0x729] =	sst s1  }
0x371: {  	v8 =	vor.u32 s7, v0;
	s7 =	smulhi.u32 $0x51EB851F, s6;
	s2 =	sld [smem:$0x707]  }
0x372: {  	s0 =	sshra.s32 s6, $0x1F;
	s1 =	sadd.s32 s30, s29;
	s29 =	sld [smem:$0x709]  }
0x373: {  	s6 =	smul.u32 $0x51EB851F, s0;
	s30 =	sld [smem:$0x70A]  }
0x374: {  	(v2sf) =	vpush v7, $0x4;
	s4 =	spop (v2sf);
	[smem:$0x72B] =	sst s1  }
0x375: {  	s5 =	smulhi.u32 $0x51EB851F, s4;
	s0 =	sshra.s32 s4, $0x1F;
	s4 =	sld [smem:$0x70C]  }
0x376: {  	s1 =	sadd.s32 s3, s2;
	s3 =	sld [smem:$0x70B]  }
0x377: {  	s2 =	sld [smem:$0x70F]  }
0x378: {  	(v2sf) =	vpush v7, $0x5;
	[smem:$0x72C] =	sst s1  }
0x379: {  	s1 =	sadd.s32 s30, s29;
	s29 =	sld [smem:$0x70D]  }
0x37a: {  	s30 =	sld [smem:$0x70E]  }
0x37b: {  	[smem:$0x72D] =	sst s1;
	s1 =	sadd.s32 s4, s3  }
0x37c: {  	(v2sf) =	vpush v7, $0x6;
	[smem:$0x72A] =	sst s1  }
0x37d: {  	s12 =	sadd.s32 s12, s14;
	s1 =	sadd.s32 s30, s29;
	s29 =	sld [smem:$0x710]  }
0x37e: {  	(v2sf) =	vpush v7, $0x7;
	[smem:$0x735] =	sst s12  }
0x37f: {  	s30 =	sld [smem:$0x712]  }
0x380: {  	(v2sf) =	vpush v8, $0xD;
	[smem:$0x72E] =	sst s1;
	s1 =	sadd.s32 s29, s2  }
0x381: {  	[smem:$0x72F] =	sst s1  }
0x382: {  	s1 =	sld [smem:$0x711]  }
0x383: {  	s4 =	smul.u32 $0x51EB851F, s0;
	s0 =	spop (v2sf)  }
0x384: {  	s12 =	sadd.s32 s8, s10;
	s3 =	smulhi.u32 $0x51EB851F, s0;
	s29 =	sld [smem:$0x713]  }
0x385: {  	s0 =	sshra.s32 s0, $0x1F;
	s1 =	sadd.s32 s30, s1;
	s30 =	sld [smem:$0x714]  }
0x386: {  	s10 =	sld [smem:$0x717];
	s4 =	sadd.s32 s4, s5;
	s2 =	smul.u32 $0x51EB851F, s0  }
0x387: {  	[smem:$0x73A] =	sst s4;
	s0 =	spop (v2sf)  }
0x388: {  	s2 =	sadd.s32 s2, s3;
	s29 =	sadd.s32 s30, s29;
	s30 =	sld [smem:$0x715]  }
0x389: {  	[smem:$0x730] =	sst s1;
	s1 =	smulhi.u32 $0x51EB851F, s0;
	s0 =	sshra.s32 s0, $0x1F  }
0x38a: {  	s14 =	sadd.s32 s9, s11;
	[smem:$0x73D] =	sst s2;
	s0 =	smul.u32 $0x51EB851F, s0  }
0x38b: {  	[smem:$0x731] =	sst s29;
	s29 =	spop (v2sf);
	s23 =	sadd.s32 s23, s30  }
0x38c: {  	[smem:$0x732] =	sst s23;
	s23 =	smulhi.u32 $0x51EB851F, s29;
	s29 =	sshra.s32 s29, $0x1F  }
0x38d: {  	s0 =	sadd.s32 s0, s1;
	s16 =	smul.u32 $0x51EB851F, s29;
	s29 =	spop (v2sf)  }
0x38e: {  	[smem:$0x73E] =	sst s0;
	s13 =	smulhi.u32 $0x51EB851F, s29;
	s30 =	sshra.s32 s29, $0x1F  }
0x38f: {  	s22 =	spop (v2sf);
	s5 =	sadd.s32 s16, s23;
	s16 =	sld [smem:$0x719]  }
0x390: {  	s9 =	smulhi.u32 $0x51EB851F, s22;
	s29 =	sshra.s32 s22, $0x1F;
	s22 =	sld [smem:$0x71B]  }
0x391: {  	s23 =	sld [smem:$0x71C]  }
0x392: {  	s17 =	smul.u32 $0x51EB851F, s30;
	[dreg:$0x1f] =	wrdreg s5  }
0x393: {  	s30 =	smul.u32 $0x51EB851F, s29;
	s29 =	sld [smem:$0x71D]  }
0x394: {  	s11 =	sadd.s32 s6, s7;
	s7 =	sadd.s32 s17, s13;
	s13 =	sld [smem:$0x718]  }
0x395: {  	s2 =	sshrl.u32 s10, $0x1F;
	s17 =	sld [smem:$0x71A]  }
0x396: {  	v11 =	vmov s2;
	s2 =	sshra.s32 s18, $0x6;
	[smem:$0x73C] =	sst s7  }
0x397: {  	s8 =	sadd.s32 s30, s9;
	s9 =	sld [smem:$0x716];
	s7 =	sshra.s32 s10, $0x6  }
0x398: {  	s5 =	sshrl.u32 s16, $0x1F;
	s0 =	sshra.s32 s23, $0x6;
	s30 =	sshra.s32 s31, $0x1F  }
0x399: {  	[dreg:$0x1a] =	wrdreg s8;
	s8 =	sshra.s32 s16, $0x6;
	s16 =	sshrl.u32 s22, $0x1F  }
0x39a: {  	s10 =	sshra.s32 s29, $0x6;
	s3 =	sshrl.u32 s13, $0x1F;
	s6 =	sshra.s32 s13, $0x6  }
0x39b: {  	s13 =	sshrl.u32 s17, $0x1F;
	s4 =	sshra.s32 s17, $0x6;
	s17 =	sshra.s32 s22, $0x6  }
0x39c: {  	s22 =	sshrl.u32 s23, $0x1F;
	s23 =	sshrl.u32 s29, $0x1F;
	s29 =	sshrl.u32 s15, $0x1F  }
0x39d: {  	v10 =	vmov s30;
	s30 =	sshrl.u32 s18, $0x1F;
	s18 =	sshra.s32 s18, $0x1F;
	v9 =	vmov s29;
	s29 =	sshra.s32 s15, $0x6  }
0x39e: {  	v30 =	vmov s16;
	s16 =	sshra.s32 s25, $0x6;
	s1 =	sshrl.u32 s9, $0x1F;
	s15 =	sshra.s32 s15, $0x1F;
	v10 =	vsel vm3, s29, v10;
	v9 =	vnsel vm3, $0x0, v9  }
0x39f: {  	s29 =	sshrl.u32 s19, $0x1F;
	v11 =	vsel vm0, s1, v11;
	s1 =	sshra.s32 s19, $0x6;
	v9 =	vsel vm0, s30, v9;
	v10 =	vsel vm9, s15, v10;
	s15 =	sshra.s32 s19, $0x1F  }
0x3a0: {  	s19 =	sshrl.u32 s20, $0x1F;
	v11 =	vsel vm1, s3, v11;
	s3 =	sshra.s32 s20, $0x1F;
	s30 =	sshrl.u32 s24, $0x1F;
	v12 =	vsel vm1, s29, v9;
	v10 =	vsel vm0, s2, v10  }
0x3a1: {  	s2 =	sshra.s32 s20, $0x6;
	v28 =	vsel vm2, s5, v11;
	s5 =	sshra.s32 s24, $0x6;
	s20 =	sshra.s32 s25, $0x1F;
	v29 =	vsel vm2, s19, v12;
	v12 =	vsel vm0, s13, v30  }
0x3a2: {  	v10 =	vsel vm10, s18, v10;
	s18 =	sshra.s32 s24, $0x1F;
	s24 =	sshrl.u32 s25, $0x1F;
	s25 =	sld [smem:$0x720];
	v12 =	vsel vm1, s22, v12  }
0x3a3: {  	s29 =	sshrl.u32 s26, $0x1F;
	v10 =	vsel vm1, s1, v10;
	v31 =	vsel vm2, s23, v12;
	s23 =	sld [smem:$0x71F]  }
0x3a4: {  	s13 =	sshra.s32 s26, $0x6;
	v11 =	vsel vm4, s30, v29;
	v10 =	vsel vm11, s15, v10;
	s15 =	sshra.s32 s26, $0x1F;
	s26 =	sld [smem:$0x721]  }
0x3a5: {  	v11 =	vsel vm5, s24, v11;
	v14 =	vsel vm2, s2, v10;
	s2 =	sld [smem:$0x71E]  }
0x3a6: {  	v34 =	vmov s7;
	s9 =	sshra.s32 s9, $0x6;
	s30 =	sshrl.u32 s31, $0x1F;
	v13 =	vsel vm6, s29, v11;
	s29 =	sld [smem:$0x722]  }
0x3a7: {  	v35 =	vmov s17;
	v32 =	vsel vm7, s30, v13;
	v13 =	vsel vm0, s9, v34;
	s30 =	sld [smem:$0x723]  }
0x3a8: {  	v33 =	vsel vm12, s3, v14;
	v14 =	vsel vm0, s4, v35;
	s3 =	sld [smem:$0x724];
	v13 =	vsel vm1, s6, v13  }
0x3a9: {  	v14 =	vsel vm1, s0, v14;
	v36 =	vsel vm2, s8, v13;
	s8 =	sld [smem:$0x725]  }
0x3aa: {  	s1 =	sshra.s32 s2, $0x6;
	v37 =	vsel vm2, s10, v14;
	s10 =	sld [smem:$0x726]  }
0x3ab: {  	s24 =	sshrl.u32 s2, $0x1F;
	[smem:$0x736] =	sst s1;
	s1 =	sshra.s32 s25, $0x6  }
0x3ac: {  	v12 =	vsel vm4, s5, v33;
	s2 =	sshrl.u32 s30, $0x1F;
	s9 =	sshra.s32 s30, $0x6;
	s30 =	sld [smem:$0x728]  }
0x3ad: {  	s19 =	sshrl.u32 s23, $0x1F;
	v12 =	vsel vm13, s18, v12;
	[smem:$0x737] =	sst s1  }
0x3ae: {  	v39 =	vmov s19;
	v15 =	vsel vm5, s16, v12;
	v16 =	vmov s2;
	s2 =	sld [smem:$0x729]  }
0x3af: {  	s22 =	sshra.s32 s31, $0x6;
	s1 =	sshra.s32 s26, $0x6;
	v38 =	vsel vm14, s20, v15;
	v15 =	vsel vm0, s24, v39;
	s24 =	sld [smem:$0x72C]  }
0x3b0: {  	s31 =	sshra.s32 s23, $0x6;
	s23 =	sshrl.u32 s25, $0x1F;
	[smem:$0x738] =	sst s1  }
0x3b1: {  	s7 =	sshrl.u32 s29, $0x1F;
	s1 =	sshra.s32 s29, $0x6;
	s29 =	sld [smem:$0x727]  }
0x3b2: {  	v15 =	vsel vm1, s23, v15;
	s23 =	sld [smem:$0x72B]  }
0x3b3: {  	s5 =	sshrl.u32 s26, $0x1F;
	v14 =	vsel vm6, s13, v38;
	s13 =	sld [smem:$0x72E]  }
0x3b4: {  	s4 =	sshrl.u32 s3, $0x1F;
	s6 =	sshrl.u32 s8, $0x1F;
	v16 =	vsel vm0, s7, v16;
	[smem:$0x739] =	sst s1  }
0x3b5: {  	s16 =	sshrl.u32 s10, $0x1F;
	s25 =	sshra.s32 s10, $0x6;
	v16 =	vsel vm1, s4, v16;
	s4 =	sld [smem:$0x72A]  }
0x3b6: {  	s26 =	sshra.s32 s10, $0x1F;
	s1 =	sshra.s32 s3, $0x6;
	v18 =	vmov s16;
	s16 =	sld [smem:$0x72F]  }
0x3b7: {  	v20 =	vmov s9;
	s19 =	sshrl.u32 s30, $0x1F;
	s7 =	sshra.s32 s30, $0x6;
	s9 =	sld [smem:$0x738]  }
0x3b8: {  	s20 =	sshra.s32 s30, $0x1F;
	[smem:$0x73B] =	sst s1;
	s0 =	sshra.s32 s2, $0x6  }
0x3b9: {  	(v2sf) =	vpush v8, $0xC;
	v15 =	vsel vm2, s5, v15;
	s5 =	sshra.s32 s2, $0x1F;
	v18 =	vnsel vm3, $0x0, v18;
	s18 =	sshrl.u32 s29, $0x1F;
	s3 =	sshra.s32 s4, $0x1F  }
0x3ba: {  	v14 =	vsel vm15, s15, v14;
	s30 =	sshrl.u32 s24, $0x1F;
	s10 =	sshra.s32 s24, $0x1F;
	s15 =	sshra.s32 s29, $0x6;
	v18 =	vsel vm0, s18, v18;
	v17 =	vmov s3  }
0x3bb: {  	s17 =	sshra.s32 s29, $0x1F;
	s29 =	sshrl.u32 s2, $0x1F;
	v18 =	vsel vm1, s19, v18;
	s19 =	sld [smem:$0x731];
	v17 =	vsel vm3, s25, v17  }
0x3bc: {  	v14 =	vsel vm7, s22, v14;
	s22 =	sshrl.u32 s23, $0x1F;
	s18 =	sshrl.u32 s4, $0x1F;
	s25 =	sld [smem:$0x72D];
	v17 =	vsel vm9, s26, v17  }
0x3bd: {  	v18 =	vsel vm2, s29, v18;
	s29 =	sld [smem:$0x732];
	v17 =	vsel vm0, s15, v17;
	s15 =	sshra.s32 s4, $0x6;
	s4 =	sshra.s32 s13, $0x6  }
0x3be: {  	s1 =	sshra.s32 s23, $0x6;
	s2 =	sshra.s32 s23, $0x1F;
	v18 =	vsel vm4, s22, v18;
	[smem:$0x73F] =	sst s4  }
0x3bf: {  	s3 =	sshra.s32 s24, $0x6;
	v18 =	vsel vm5, s30, v18;
	s23 =	sshrl.u32 s25, $0x1F;
	v17 =	vsel vm10, s17, v17;
	s17 =	sld [smem:$0x730]  }
0x3c0: {  	s26 =	sshra.s32 s25, $0x6;
	s24 =	sshra.s32 s25, $0x1F;
	v17 =	vsel vm1, s7, v17;
	v18 =	vsel vm6, s23, v18;
	s23 =	sld [smem:$0x735]  }
0x3c1: {  	s25 =	sshrl.u32 s13, $0x1F;
	s4 =	sshrl.u32 s16, $0x1F;
	v17 =	vsel vm11, s20, v17;
	s20 =	sld [smem:$0x734]  }
0x3c2: {  	(v2sf) =	vpush v8, $0xE;
	v16 =	vsel vm2, s6, v16;
	s13 =	sshrl.u32 s17, $0x1F;
	s6 =	sshra.s32 s17, $0x6;
	s17 =	sld [smem:$0x733]  }
0x3c3: {  	(v2sf) =	vpush v8, $0xF;
	v21 =	vmov s4;
	v17 =	vsel vm2, s0, v17;
	[smem:$0x740] =	sst s6  }
0x3c4: {  	v42 =	vmov s31;
	s31 =	sshra.s32 s12, $0x6;
	s8 =	sshra.s32 s8, $0x6;
	v21 =	vsel vm0, s25, v21;
	v19 =	vsel vm12, s5, v17;
	s5 =	sld [smem:$0x736]  }
0x3c5: {  	(v2sf) =	vpush v8, $0x9;
	s16 =	sshra.s32 s16, $0x6;
	s6 =	sshra.s32 s19, $0x6;
	v21 =	vsel vm1, s13, v21;
	s13 =	sld [smem:$0x73D]  }
0x3c6: {  	(v2sf) =	vpush v8, $0x8;
	s7 =	sshrl.u32 s19, $0x1F;
	s0 =	sshra.s32 s23, $0x6;
	[smem:$0x741] =	sst s6  }
0x3c7: {  	(v2sf) =	vpush v8, $0xA;
	v40 =	vsel vm7, s18, v18;
	s18 =	sshrl.u32 s14, $0x1F;
	s19 =	sshrl.u32 s29, $0x1F;
	[smem:$0x743] =	sst s0  }
0x3c8: {  	s22 =	sshrl.u32 s20, $0x1F;
	s30 =	sshra.s32 s20, $0x6;
	v41 =	vsel vm4, s1, v19;
	s20 =	sld [smem:$0x737]  }
0x3c9: {  	(v2sf) =	vpush v8, $0xB;
	s6 =	sshra.s32 s29, $0x6;
	s1 =	spop (v2sf);
	s0 =	sld [smem:$0x73A];
	v18 =	vsel vm13, s2, v41  }
0x3ca: {  	(v2sf) =	vpush v8, $0x0;
	[smem:$0x742] =	sst s6;
	s6 =	sshrl.u32 s17, $0x1F;
	s29 =	sshra.s32 s17, $0x6;
	v18 =	vsel vm5, s3, v18  }
0x3cb: {  	(v2sf) =	vpush v8, $0x1;
	v19 =	vsel vm0, s5, v42;
	s3 =	sshrl.u32 s11, $0x1F;
	s5 =	sshra.s32 s11, $0x6;
	v18 =	vsel vm14, s10, v18;
	s10 =	sshra.s32 s11, $0x1F  }
0x3cc: {  	(v2sf) =	vpush v8, $0x2;
	v19 =	vsel vm1, s20, v19;
	s20 =	smulhi.u32 $0x51EB851F, s1;
	s1 =	sshra.s32 s1, $0x1F;
	s11 =	sld [smem:$0x739]  }
0x3cd: {  	(v2sf) =	vpush v8, $0x3;
	s17 =	sshrl.u32 s23, $0x1F;
	v19 =	vsel vm2, s9, v19;
	s9 =	smul.u32 $0x51EB851F, s1;
	s1 =	sld [smem:$0x73B]  }
0x3ce: {  	(v2sf) =	vpush v8, $0x4;
	s23 =	sshra.s32 s14, $0x6;
	s14 =	sshra.s32 s14, $0x1F;
	s2 =	sshrl.u32 s12, $0x1F;
	v24 =	vmov s6  }
0x3cf: {  	s12 =	sshra.s32 s12, $0x1F;
	s6 =	sld [smem:$0x73E];
	s4 =	sshra.s32 s0, $0x6;
	v24 =	vsel vm0, s19, v24;
	v18 =	vsel vm6, s26, v18;
	v20 =	vsel vm0, s11, v20  }
0x3d0: {  	s26 =	sshrl.u32 s0, $0x1F;
	v24 =	vsel vm1, s22, v24;
	v18 =	vsel vm15, s24, v18;
	v20 =	vsel vm1, s1, v20;
	s1 =	sshra.s32 s0, $0x1F;
	s0 =	sld [smem:$0x73C]  }
0x3d1: {  	v22 =	vmov s18;
	v24 =	vsel vm2, s17, v24;
	s17 =	sld [smem:$0x73F];
	s11 =	spop (v2sf);
	v18 =	vsel vm7, s15, v18;
	s15 =	sshrl.u32 s13, $0x1F  }
0x3d2: {  	v22 =	vnsel vm3, $0x0, v22;
	s24 =	smulhi.u32 $0x51EB851F, s11;
	v20 =	vsel vm2, s8, v20;
	s8 =	sshra.s32 s11, $0x1F;
	s11 =	spop (v2sf)  }
0x3d3: {  	v21 =	vsel vm2, s7, v21;
	v22 =	vsel vm0, s2, v22;
	s7 =	smulhi.u32 $0x51EB851F, s11;
	s2 =	sshra.s32 s11, $0x1F;
	s25 =	sshra.s32 s0, $0x1F  }
0x3d4: {  	(v2sf) =	vpush v8, $0x5;
	v22 =	vsel vm1, s3, v22;
	s18 =	spop (v2sf);
	s22 =	smul.u32 $0x51EB851F, s2;
	v23 =	vmov s25;
	s25 =	sshra.s32 s13, $0x6  }
0x3d5: {  	(v2sf) =	vpush v8, $0x6;
	v22 =	vsel vm2, s26, v22;
	v23 =	vsel vm3, s23, v23;
	s23 =	sshra.s32 s13, $0x1F;
	s13 =	smul.u32 $0x51EB851F, s8;
	s8 =	spop (v2sf)  }
0x3d6: {  	s19 =	sshra.s32 s6, $0x1F;
	v22 =	vsel vm4, s15, v22;
	s15 =	smulhi.u32 $0x51EB851F, s18;
	v23 =	vsel vm9, s14, v23;
	s11 =	spop (v2sf)  }
0x3d7: {  	v25 =	vmov s16;
	s14 =	sshra.s32 s6, $0x6;
	s16 =	smulhi.u32 $0x51EB851F, s8;
	s2 =	sshra.s32 s8, $0x1F;
	v23 =	vsel vm0, s31, v23  }
0x3d8: {  	s3 =	spop (v2sf);
	s31 =	sshrl.u32 s6, $0x1F;
	s6 =	rddreg [dreg:$0x1f];
	v23 =	vsel vm10, s12, v23  }
0x3d9: {  	v26 =	vmov s29;
	s29 =	smul.u32 $0x51EB851F, s2;
	s2 =	sld [smem:$0x741];
	v23 =	vsel vm1, s5, v23  }
0x3da: {  	(v2sf) =	vpush v8, $0x7;
	s26 =	spop (v2sf);
	s12 =	sshra.s32 s18, $0x1F;
	v22 =	vsel vm5, s31, v22;
	s31 =	sshrl.u32 s6, $0x1F;
	v23 =	vsel vm11, s10, v23  }
0x3db: {  	s18 =	spop (v2sf);
	s5 =	smul.u32 $0x51EB851F, s12;
	v22 =	vsel vm6, s31, v22;
	v23 =	vsel vm2, s4, v23;
	s4 =	sshrl.u32 s0, $0x1F  }
0x3dc: {  	s31 =	smov.u32 s0;
	s12 =	spop (v2sf);
	v22 =	vsel vm7, s4, v22;
	v23 =	vsel vm12, s1, v23;
	s4 =	sld [smem:$0x740]  }
0x3dd: {  	s0 =	sadd.s32 s22, s7;
	s7 =	sadd.s32 s29, s16;
	s16 =	rddreg [dreg:$0x1a];
	v23 =	vsel vm4, s25, v23  }
0x3de: {  	v9 =	vcombine.low v31, v28;
	v25 =	vsel vm0, s17, v25;
	s17 =	sshra.s32 s6, $0x6;
	s10 =	spop (v2sf);
	s1 =	rddreg [dreg:$0x1a];
	v23 =	vsel vm13, s23, v23  }
0x3df: {  	v12 =	vcombine.low v37, v36;
	s8 =	spop (v2sf);
	s25 =	sshra.s32 s6, $0x1F;
	v25 =	vsel vm1, s4, v25;
	s4 =	sld [smem:$0x742];
	v23 =	vsel vm5, s14, v23  }
0x3e0: {  	v9 =	vperm.xlane v9, v1;
	v10 =	vperm.xlane v32, v2;
	s23 =	smulhi.u32 $0x51EB851F, s11;
	s14 =	sshra.s32 s31, $0x6;
	v23 =	vsel vm14, s19, v23;
	s19 =	sshra.s32 s26, $0x1F  }
0x3e1: {  	v12 =	vperm.xlane v12, v1;
	v14 =	vperm.xlane v14, v2;
	s31 =	sshrl.u32 s1, $0x1F;
	s1 =	sadd.s32 s13, s24;
	v44 =	vsel vm6, s17, v23;
	s24 =	smul.u32 $0x51EB851F, s19  }
0x3e2: {  	s11 =	sshra.s32 s11, $0x1F;
	v25 =	vsel vm2, s2, v25;
	s2 =	sld [smem:$0x743];
	v26 =	vsel vm0, s4, v26;
	v13 =	vsel vm15, s25, v44;
	s25 =	smulhi.u32 $0x51EB851F, s18  }
0x3e3: {  	s6 =	spop (v2sf);
	v26 =	vsel vm1, s30, v26;
	s30 =	smul.u32 $0x51EB851F, s11  }
0x3e4: {  	v9 =	vsel vm8, v10, v9;
	v12 =	vsel vm8, v14, v12;
	s22 =	sshrl.u32 s0, $0x1F;
	s4 =	spop (v2sf);
	s11 =	smulhi.u32 $0x51EB851F, s3  }
0x3e5: {  	v15 =	vcombine.low v16, v15;
	v9 =	vadd.s32 v9, v12;
	v43 =	vsel vm2, s2, v26;
	s2 =	sadd.s32 s9, s20;
	s9 =	sshra.s32 s3, $0x1F;
	s20 =	sshrl.u32 s1, $0x1F  }
0x3e6: {  	v9 =	vmul.u32 $0xC8, v9;
	v46 =	vcombine.low v20, v19;
	s3 =	sadd.s32 s5, s15;
	s1 =	sshra.s32 s1, $0x6;
	s13 =	smul.u32 $0x51EB851F, s9  }
0x3e7: {  	v47 =	vperm.xlane v15, v1;
	v48 =	vperm.xlane v40, v2;
	s17 =	sshrl.u32 s2, $0x1F;
	s9 =	smulhi.u32 $0x51EB851F, s26;
	s26 =	sshra.s32 s18, $0x1F  }
0x3e8: {  	v5 =	vsub.s32 v5, v9;
	v49 =	vperm.xlane v18, v2;
	v10 =	vperm.xlane v46, v1;
	s29 =	sshrl.u32 s3, $0x1F;
	s5 =	sadd.s32 s30, s23;
	s30 =	sshrl.u32 s7, $0x1F  }
0x3e9: {  	v52 =	vand.u32 $0xFFFFFFF8, v5;
	v5 =	vand.u32 $0x7, v5;
	v14 =	vsel vm8, v48, v47;
	s23 =	spop (v2sf);
	s2 =	sshra.s32 s2, $0x6;
	s18 =	smul.u32 $0x51EB851F, s26  }
0x3ea: {  	v10 =	vsel vm8, v49, v10;
	v13 =	vsel vm7, s14, v13;
	s7 =	sshra.s32 s7, $0x6;
	v50 =	vmov s30;
	s14 =	sadd.s32 s24, s9;
	s24 =	smulhi.u32 $0x51EB851F, s23  }
0x3eb: {  	v10 =	vadd.s32 v14, v10;
	v45 =	vmov s17;
	s30 =	sshra.s32 s8, $0x1F;
	v12 =	vsel vm0, s29, v50;
	s9 =	sshra.s32 s23, $0x1F;
	s29 =	smulhi.u32 $0x51EB851F, s8  }
0x3ec: {  	v9 =	vadd.s32 v52, v9;
	v10 =	vmul.u32 $0xC8, v10;
	v16 =	vsel vm0, s31, v45;
	s31 =	sshrl.u32 s5, $0x1F;
	s8 =	sadd.s32 s13, s11;
	s9 =	smul.u32 $0x51EB851F, s9  }
0x3ed: {  	v5 =	vor.u32 v5, v9;
	v51 =	vcombine.low v24, v21;
	v16 =	vsel vm1, s20, v16;
	s20 =	smulhi.u32 $0x51EB851F, s12;
	s12 =	sshra.s32 s12, $0x1F;
	s15 =	sadd.s32 s18, s25  }
0x3ee: {  	v6 =	vsub.s32 v6, v10;
	v11 =	vcombine.low v43, v25;
	v12 =	vsel vm1, s31, v12;
	s25 =	sshrl.u32 s14, $0x1F;
	s31 =	smul.u32 $0x51EB851F, s30;
	s9 =	sadd.s32 s9, s24  }
0x3ef: {  	v14 =	vperm.xlane v51, v1;
	v57 =	vand.u32 $0xFFFFFFF8, v6;
	v16 =	vsel vm2, s22, v16;
	s22 =	smulhi.u32 $0x51EB851F, s10;
	s10 =	sshra.s32 s10, $0x1F;
	s17 =	sshra.s32 s9, $0x1F  }
0x3f0: {  	v13 =	vperm.xlane v13, v2;
	v11 =	vperm.xlane v11, v1;
	s18 =	sshra.s32 s14, $0x6;
	s14 =	sshra.s32 s14, $0x1F;
	s10 =	smul.u32 $0x51EB851F, s10;
	v55 =	vmov s17  }
0x3f1: {  	v6 =	vand.u32 $0x7, v6;
	v10 =	vadd.s32 v57, v10;
	s12 =	smul.u32 $0x51EB851F, s12;
	s26 =	sshrl.u32 s15, $0x1F;
	s11 =	sadd.s32 s31, s29;
	v56 =	vsel vm3, s18, v55  }
0x3f2: {  	v54 =	vperm.xlane v22, v2;
	v11 =	vsel vm8, v13, v11;
	s24 =	smulhi.u32 $0x51EB851F, s4;
	s10 =	sadd.s32 s10, s22;
	s22 =	sshra.s32 s15, $0x6;
	v13 =	vsel vm9, s14, v56  }
0x3f3: {  	v6 =	vor.u32 v6, v10;
	v53 =	vmov s25;
	s4 =	sshra.s32 s4, $0x1F;
	s12 =	sadd.s32 s12, s20;
	s15 =	sshra.s32 s15, $0x1F;
	v13 =	vsel vm0, s22, v13  }
0x3f4: {  	v14 =	vsel vm8, v54, v14;
	v17 =	vnsel vm3, $0x0, v53;
	s20 =	smulhi.u32 $0x51EB851F, s6;
	s6 =	sshra.s32 s6, $0x1F;
	s25 =	sshra.s32 s12, $0x6;
	v13 =	vsel vm10, s15, v13  }
0x3f5: {  	v61 =	vmov s2;
	v17 =	vsel vm0, s26, v17;
	s26 =	sshrl.u32 s8, $0x1F;
	s19 =	sshrl.u32 s12, $0x1F;
	s12 =	sshra.s32 s12, $0x1F;
	v13 =	vsel vm1, s25, v13  }
0x3f6: {  	v62 =	vmov s7;
	v11 =	vadd.s32 v14, v11;
	s4 =	smul.u32 $0x51EB851F, s4;
	s29 =	sshrl.u32 s11, $0x1F;
	s30 =	sshra.s32 s10, $0x6;
	v59 =	vsel vm11, s12, v13  }
0x3f7: {  	v11 =	vmul.u32 $0xC8, v11;
	s6 =	smul.u32 $0x51EB851F, s6;
	v12 =	vsel vm2, s26, v12;
	s23 =	sshrl.u32 s10, $0x1F;
	s10 =	sshra.s32 s10, $0x1F;
	v9 =	vsel vm2, s30, v59  }
0x3f8: {  	s17 =	sshra.s32 s3, $0x6;
	v17 =	vsel vm1, s19, v17;
	s4 =	sadd.s32 s4, s24;
	v12 =	vcombine.low v12, v16;
	s14 =	sshra.s32 s11, $0x6;
	v9 =	vsel vm12, s10, v9  }
0x3f9: {  	v14 =	vsel vm0, s17, v62;
	s19 =	sshra.s32 s5, $0x6;
	v58 =	vsel vm2, s23, v17;
	s6 =	sadd.s32 s6, s20;
	s15 =	sshra.s32 s11, $0x1F;
	v9 =	vsel vm4, s14, v9  }
0x3fa: {  	v14 =	vsel vm1, s19, v14;
	s23 =	sshra.s32 s8, $0x6;
	v60 =	vsel vm4, s29, v58;
	s18 =	sshra.s32 s6, $0x6;
	s11 =	sshra.s32 s16, $0x6;
	v9 =	vsel vm13, s15, v9  }
0x3fb: {  	s31 =	sshrl.u32 s6, $0x1F;
	s20 =	sshra.s32 s6, $0x1F;
	s22 =	simm.s32 $0xC350;
	v14 =	vsel vm2, s23, v14;
	v13 =	vsel vm0, s11, v61;
	v9 =	vsel vm5, s18, v9  }
0x3fc: {  	s0 =	sshra.s32 s0, $0x6;
	s13 =	sshrl.u32 s4, $0x1F;
	s24 =	sshra.s32 s4, $0x6;
	v10 =	vsel vm5, s31, v60;
	v5 =	vld.idx.msk [tilespmem:v5+s22+$0x0], $0xffff;
	v13 =	vsel vm1, s1, v13;
	v9 =	vsel vm14, s20, v9  }
0x3fd: {  	s29 =	sshra.s32 s4, $0x1F;
	v10 =	vsel vm6, s13, v10;
	s25 =	sshrl.u32 s9, $0x1F;
	v13 =	vsel vm2, s0, v13;
	v9 =	vsel vm6, s24, v9  }
0x3fe: {  	v10 =	vsel vm7, s25, v10;
	s30 =	sshra.s32 s9, $0x6;
	v13 =	vcombine.low v14, v13;
	v9 =	vsel vm15, s29, v9  }
0x3ff: {  	v12 =	vperm.xlane v12, v1;
	v10 =	vperm.xlane v10, v2;
	v9 =	vsel vm7, s30, v9  }
0x400: {  	s26 =	rddreg [dreg:$0x19];
	v7 =	vsub.s32 v7, v11;
	v13 =	vperm.xlane v13, v1;
	v9 =	vperm.xlane v9, v2  }
0x401: {  	v63 =	vand.u32 $0xFFFFFFF8, v7;
	v7 =	vand.u32 $0x7, v7;
	[tilespmem:s26+$0xFFFFFFE0] =	vst v5  }
0x402: {  	v5 =	vadd.s32 v63, v11;
	v10 =	vsel vm8, v10, v12;
	v6 =	vld.idx.msk [tilespmem:v6+s22+$0x0], $0xffff;
	v9 =	vsel vm8, v9, v13  }
0x403: {  	v5 =	vor.u32 v7, v5;
	v7 =	vadd.s32 v10, v9  }
0x404: {  	v7 =	vmul.u32 $0xC8, v7;
	_ =	sdelay $0x1  }
0x405: {  	v8 =	vsub.s32 v8, v7  }
0x406: {  	[tilespmem:s26+$0xFFFFFFF0] =	vst v6;
	v6 =	vand.u32 $0xFFFFFFF8, v8  }
0x407: {  	v5 =	vld.idx.msk [tilespmem:v5+s22+$0x0], $0xffff;
	v8 =	vand.u32 $0x7, v8;
	v6 =	vadd.s32 v6, v7  }
0x408: {  	v6 =	vor.u32 v8, v6;
	_ =	sdelay $0x3  }
0x409: {  	s31 =	rddreg [dreg:$0x16];
	[tilespmem:s26+$0x0] =	vst v5  }
0x40a: {  	p1 =	sne.s32 s31, $0xC70;
	v5 =	vld.idx.msk [tilespmem:v6+s22+$0x0], $0xffff  }
.Ltmp5:
0x40b: {  	_ = 	snop;
	(pc) =	sbr.rel @p1 .LBB2_12-.Ltmp5, $2  }
0x40c: {  	_ =	sdelay $0x2  }
0x40d: {  	s1 =	sadd.s32 $0x40, s26;
	s0 =	sadd.s32 $0x40, s31;
	[tilespmem:s26+$0x10] =	vst v5  }
0x40e: {  	s1 =	rddreg [dreg:$0x2]  }
0x40f: {  	s2 =	simm.s32 $0x640;
	s25 =	rddreg [dreg:$0xc]  }
0x410: {  	s0 =	simm.s32 $0xDC50;
	s3 =	rddreg [dreg:$0x13];
	s26 =	simm.s32 $0xE290  }
0x411: {  	[tilespmem:s21], [sflag:$0x3] =	stream.indirect.gather [spmem:s1], $0x8, s0, s2, $0xb8;
	[tilespmem:$0x1EF50] =	vst v63  }
0x412: {  	s4 =	simm.s32 $0x12750;
	s29 =	rddreg [dreg:$0x4];
	s0 =	sadd.s32 s3, s25  }
0x413: {  	s30 =	simm.s32 $0x0;
	s9 =	rddreg [dreg:$0x11];
	s0 =	smul.u32 $0x19, s0  }
0x414: {  	[tilespmem:s4], [sflag:$0x3] =	stream.indirect.gather [spmem:s1], $0x8, s26, s2, $0xb8;
	[tilespmem:$0x1EF50] =	vst v63  }
0x415: {  	s31 =	simm.s32 $0xCFD0;
	s10 =	rddreg [dreg:$0x12];
	s0 =	sadd.s32 s29, s0  }
0x416: {  	[tilespmem:s31], [sflag:$0x2] =	stream.linear.gather [hbm4b:s0+s30], $0xC80, $0x38;
	[tilespmem:$0x1EF50] =	vst v63  }
.LBB2_14:
0x417: {  	s0 =	simm.s32 $0x4  }
0x418: {  	_ =	swait.ge [sflag:s0], $0x3200  }
0x419: {  	[sflag:s0] =	ssyncset.done $0x0  }
0x41a: {  	[sflag:s0] =	ssyncadd.s32 $0xFFFFCE00  }
0x41b: {  	_ =	swait.ge [sflag:s0], $0x3200  }
0x41c: {  	[sflag:s0] =	ssyncset.done $0x0  }
0x41d: {  	s1 =	simm.s32 $0x0;
	s2 =	simm.s32 $0x1BD50;
	[sflag:s0] =	ssyncadd.s32 $0xFFFFCE00  }
.LBB2_15:
0x41e: {  	s3 =	sadd.s32 $0xFFFFFFFC, s0  }
0x41f: {  	v5 =	vmov s3  }
0x420: {  	v5 =	vshll.u32 v5, $0x3  }
0x421: {  	v5 =	vor.u32 v3, v5  }
0x422: {  	v6 =	vor.u32 v4, v5;
	_ =	sdelay $0x2  }
0x423: {  	v5 =	vmov s0  }
0x424: {  	v5 =	vshll.u32 v5, $0x3  }
0x425: {  	v8 =	vor.u32 v3, v5;
	v5 =	vmov s2;
	v7 =	vld.idx.msk [tilespmem:v6+s28+$0x0], $0xffff  }
0x426: {  	v6 =	vor.u32 v4, v8;
	_ =	sdelay $0x1  }
0x427: {  	s4 =	sadd.s32 $0x8, s0;
	s5 =	simm.s32 $0x100  }
0x428: {  	s6 =	simm.s32 $0x0;
	s3 =	simm.s32 $0x80;
	s7 =	sadd.s32 $0xFFFFFFFC, s4  }
.LBB2_16:
0x429: {  	p1 =	sne.s32 s5, $0xC00;
	v8 =	vmov s7;
	[tilespmem:v5+s6+$0x0 ss:$0x1] =	vst.idx.msk $0xffff, v7;
	s8 =	smov.u32 s3;
	s3 =	smov.u32 s5  }
0x42a: {  	v7 =	vshll.u32 v8, $0x3;
	v6 =	vld.idx.msk [tilespmem:v6+s28+$0x0], $0xffff  }
0x42b: {  	v7 =	vor.u32 v3, v7  }
0x42c: {  	v7 =	vor.u32 v4, v7;
	_ =	sdelay $0x3  }
0x42d: {  	v8 =	vmov s4;
	[tilespmem:v5+s6+$0x10 ss:$0x1] =	vst.idx.msk $0xffff, v6  }
0x42e: {  	v6 =	vshll.u32 v8, $0x3;
	v7 =	vld.idx.msk [tilespmem:v7+s28+$0x0], $0xffff  }
.Ltmp6:
0x42f: {  	v6 =	vor.u32 v3, v6;
	(pc) =	sbr.rel @p1 .LBB2_16-.Ltmp6, $3  }
0x430: {  	v6 =	vor.u32 v4, v6;
	_ =	sdelay $0x1  }
0x431: {  	s4 =	sadd.s32 $0x8, s4  }
0x432: {  	s5 =	sadd.s32 $0x80, s5;
	s7 =	sadd.s32 $0xFFFFFFFC, s4;
	s6 =	sshra.s32 s8, $0x2  }
0x433: {  	_ =	sdelay $0x2  }
0x434: {  	v8 =	vmov s7  }
0x435: {  	[tilespmem:v5+s6+$0x0 ss:$0x1] =	vst.idx.msk $0xffff, v7;
	v7 =	vshll.u32 v8, $0x3  }
0x436: {  	v6 =	vld.idx.msk [tilespmem:v6+s28+$0x0], $0xffff;
	v7 =	vor.u32 v3, v7  }
0x437: {  	v7 =	vor.u32 v4, v7;
	_ =	sdelay $0x2  }
0x438: {  	v63 =	vmov s4  }
0x439: {  	[tilespmem:v5+s6+$0x10 ss:$0x1] =	vst.idx.msk $0xffff, v6;
	v6 =	vshll.u32 v63, $0x3  }
0x43a: {  	v6 =	vor.u32 v3, v6;
	v7 =	vld.idx.msk [tilespmem:v7+s28+$0x0], $0xffff  }
0x43b: {  	v6 =	vor.u32 v4, v6;
	_ =	sdelay $0x2  }
0x43c: {  	s3 =	sshra.s32 s3, $0x2  }
0x43d: {  	s1 =	sadd.s32 $0x1, s1;
	[tilespmem:v5+s3+$0x0 ss:$0x1] =	vst.idx.msk $0xffff, v7  }
0x43e: {  	p1 =	sne.s32 s1, $0x10;
	v6 =	vld.idx.msk [tilespmem:v6+s28+$0x0], $0xffff  }
.Ltmp7:
0x43f: {  	_ = 	snop;
	(pc) =	sbr.rel @p1 .LBB2_15-.Ltmp7, $2  }
0x440: {  	_ =	sdelay $0x2  }
0x441: {  	s2 =	sadd.s32 $0x320, s2;
	s0 =	sadd.s32 $0xC8, s0;
	[tilespmem:v5+s3+$0x10 ss:$0x1] =	vst.idx.msk $0xffff, v6  }
0x442: {  	s0 =	rddreg [dreg:$0x5]  }
0x443: {  	s0 =	sadd.s32 s0, s10  }
0x444: {  	s1 =	rddreg [dreg:$0x1];
	s9 =	sadd.s32 $0x1, s9;
	s0 =	smul.u32 $0x64, s0  }
0x445: {  	s30 =	simm.s32 $0x0;
	s2 =	simm.s32 $0x1BD50;
	p1 =	sne.s32 s9, $0x10  }
.Ltmp8:
0x446: {  	s31 =	simm.s32 $0x5;
	s0 =	sadd.s32 s1, s0;
	(pc) =	sbr.rel @p1 .LBB2_4-.Ltmp8, $4  }
0x447: {  	[hbm4b:s0+s30] =	stream.linear.scatter [tilespmem:s2], [sflag:$0x5], $0x3200, $0x38;
	[tilespmem:$0x1EF50] =	vst v63  }
0x448: {  	_ =	swait.ge [sflag:s31], $0x3200  }
0x449: {  	[sflag:s31] =	ssyncset.done $0x0  }
0x44a: {  	[sflag:s31] =	ssyncadd.s32 $0xFFFFCE00  }
0x44b: {  	s1 =	rddreg [dreg:$0x10]  }
0x44c: {  	s0 =	rddreg [dreg:$0xd];
	s1 =	sadd.s32 $0x1, s1  }
0x44d: {  	p1 =	sne.s32 s1, s0  }
.Ltmp9:
0x44e: {  	_ = 	snop;
	(pc) =	sbr.rel @p1 .LBB2_1-.Ltmp9, $2  }
0x44f: {  	_ =	sdelay $0x2  }
0x450: {  	s4 =	simm.s32 $0xC350  }
0x451: {  	_ =	sfence.sel $0x180000  }
0x452: {  	[bflag:$0x0] =	sbarrier.arrive $0xFFFF  }
0x453: {  	_ =	strace $0x90000047  }
0x454: {  	s0 =	stileid.u32;
	[bflag:$0x2] =	sbarrier.arrive $0xFFFF  }
0x455: {  	p0 =	sne.s32 s0, $0x0;
	s0 =	rddreg [dreg:$0x3]  }
0x456: {  	s0 =	sadd.s32 @!p0 $0x100000, s0  }
0x457: {  	[sflag:s0] =	ssyncadd.tile.s32 @!p0 $0x1;
	_ =	shalt  }
.Lfunc_end2:
_tile_overlayer_lowered:
.L_overlay_start_2:
0x458: {  	(tag) =	ssettag $0x2  }
0x459: {  	s0 =	rddreg [dreg:$0x0];
	s2 =	stileid.u32  }
0x45a: {  	s1 =	rddreg [dreg:$0x1];
	p0 =	sne.s32 s2, $0x0  }
0x45b: {  	s3 =	rddreg [dreg:$0x2];
	[bflag:$0x3] =	sbarrier.arrive $0xFFFF;
	s2 =	simm.s32 @!p0 $0x1C05  }
0x45c: {  	[timem:s3], [sflag:s2] =	dma.local @!p0 [hbm:s0], s1  }
0x45d: {  	s0 =	simm.s32 @!p0 $0x5  }
0x45e: {  	_ =	swait.ge @!p0 [sflag:s0], s1  }
0x45f: {  	s1 =	ssub.s32 @!p0 $0x0, s1;
	[sflag:s0] =	ssyncset.done @!p0 $0x0  }
0x460: {  	[sflag:s0] =	ssyncadd.s32 @!p0 s1  }
0x461: {  	[bflag:$0x3] =	sbarrier.arrive $0xFFFF  }
0x462: {  	_ =	shalt  }

// kernel: sparse-core-data-format-call.cloned.1.call-start
scs
called_computation_lowered:
.L_overlay_start_0:
0x0: {  	s1 =	sld [smem:$0x3FD9]  }
0x1: {  	s2 =	sld [smem:$0x3FFE];
	_ =	sdelay $0x1  }
0x2: {  	s3 =	srdreg.scid  }
0x3: {  	s0 =	sand.u32 $0x1, s3  }
0x4: {  	s17 =	sshll.u32 s0, $0xA;
	s1 =	sadd.s32 s2, s1  }
0x5: {  	s1 =	sadd.s32 s1, s17  }
0x6: {  	[smem:$0x3FC6] =	sst s1  }
0x7: {  	_ = 	snop  }
0x8: {  	(tm) =	ssettm $0x1  }
0x9: {  	s18 =	sld [smem:$0x3FFB];
	_ =	sdelay $0x3  }
0xa: {  	_ =	strace s18  }
0xb: {  	s1 =	sld [smem:$0x3FFC];
	_ =	sdelay $0x3  }
0xc: {  	_ =	strace s1  }
0xd: {  	s1 =	sld [smem:$0x3FFD];
	_ =	sdelay $0x3  }
0xe: {  	_ =	strace s1  }
0xf: {  	_ =	strace $0x8FFFFFFF  }
0x10: {  	s19 =	sld [smem:$0x3FDB];
	_ =	sdelay $0x1  }
0x11: {  	s20 =	simm.s32 $_scs_section_size  }
0x12: {  	s4 =	simm.s32 $_size__tile_overlayer_lowered;
	s5 =	simm.s32 $_tile_overlayer_lowered  }
0x13: {  	s23 =	simm.s32 $0x1BFF;
	s22 =	sshll.u32 s5, $0x1;
	s1 =	sadd.s32 s20, s19  }
0x14: {  	s6 =	simm.s32 $0x0;
	s21 =	sshll.u32 s4, $0x1;
	s4 =	sadd.s32 s22, s1  }
0x15: {  	[timem:s6], [sflag:s23] =	dma.local [hbm:s4], s21  }
0x16: {  	_ =	swait.ge [sflag:s23], s21  }
0x17: {  	s2 =	ssub.s32 $0x0, s21;
	[sflag:s23] =	ssyncset.done $0x0  }
0x18: {  	[sflag:s23] =	ssyncadd.s32 s2;
	_ =	sdelay $0x1  }
0x19: {  	s24 =	simm.s32 $0x1B8B  }
0x1a: {  	_ =	swait.ge [sflag:s24], $0x1  }
0x1b: {  	[sflag:s24] =	ssyncset.done $0x0  }
0x1c: {  	s26 =	simm.s32 $0x1B8E;
	s25 =	sld [smem:$0x3FFE];
	[sflag:s24] =	ssyncadd.s32 $0xFFFFFFFF  }
0x1d: {  	s27 =	simm.s32 $execute0_lowered;
	[smem:$0x3FD2] =	sst s26  }
0x1e: {  	s4 =	sshll.u32 s27, $0x1;
	_ =	strace $0x80000049;
	[dreg:$0x1] =	wrdreg $0xFFFFFFFF  }
0x1f: {  	s28 =	simm.s32 $_size_execute0_lowered;
	s1 =	sadd.s32 s1, s4;
	[dreg:$0x0] =	wrdreg $0x0  }
0x20: {  	s4 =	sshll.u32 s28, $0x1;
	[dreg:$0x2] =	wrdreg s1  }
0x21: {  	[dreg:$0x3] =	wrdreg s4  }
0x22: {  	[dreg:$0x4] =	wrdreg $0xC0  }
0x23: {  	_ =	task [dreg:s6], $0x5FFFF  }
0x24: {  	[dreg:$0x1] =	wrdreg $0xFFFFFFFF  }
0x25: {  	[dreg:$0x0] =	wrdreg $0x60  }
0x26: {  	[dreg:$0x2] =	wrdreg s25  }
0x27: {  	[dreg:$0x3] =	wrdreg $0x9  }
0x28: {  	_ =	task.clear_ibuf [dreg:s6], $0x4FFFF;
	_ =	strace $0x90000049  }
0x29: {  	s29 =	simm.s32 $0x9;
	_ =	strace $0x8000004B  }
0x2a: {  	_ =	swait.ge [sflag:s29], $0x1  }
0x2b: {  	[sflag:s29] =	ssyncadd.s32 $0xFFFFFFFF  }
0x2c: {  	_ =	strace $0x9000004B  }
0x2d: {  	_ =	sfence  }
0x2e: {  	s30 =	sld [smem:$0x0];
	_ =	sdelay $0x2  }
0x2f: {  	s31 =	sshll.u32 s3, $0xD;
	s3 =	sshrl.u32 s3, $0x2  }
0x30: {  	s2 =	sand.u32 $0x4000, s31;
	s1 =	sadd.s32 s3, s30  }
0x31: {  	s0 =	sor.u32 s2, s0;
	s1 =	sshll.u32 s1, $0x11  }
0x32: {  	s0 =	sor.u32 s1, s0  }
0x33: {  	s0 =	sadd.s32 $0x8F2B, s0  }
0x34: {  	[sflag:s0] =	ssyncadd.remote.s32 $0x1  }
0x35: {  	_ =	sfence.sel $0xFFFF  }
0x36: {  	[dreg:$0x0] =	wrdreg $0xFFFFFFFF;
	(pc) =	sbr.abs _section_cstart, $3  }
0x37: {  	[dreg:$0x1] =	wrdreg $0xFFFFFFFF  }
0x38: {  	_ =	task.clear_ibuf [dreg:s6], $0x2FFFF;
	_ =	strace $0x9FFFFFFF  }
0x39: {  	(tm) =	ssettm $0x7FFFFFFF  }
tec
execute0_lowered:
.L_overlay_start_1:
0x0: {  	(tag) =	ssettag $0x1  }
0x1: {  	s0 =	srdreg.scid  }
0x2: {  	s1 =	sshll.u32 s0, $0x4  }
0x3: {  	s0 =	stileid.u32;
	s1 =	sand.u32 $0x10, s1  }
0x4: {  	s6 =	rddreg [dreg:$0x0];
	s4 =	simm.s32 $0x1;
	s1 =	sor.u32 s0, s1  }
0x5: {  	s7 =	simm.s32 $0x2;
	s15 =	simm.s32 $0x0;
	s2 =	sshll.u32 s1, $0x7  }
0x6: {  	s8 =	simm.s32 $0x20000;
	s14 =	simm.s32 $0x0;
	s3 =	ssub.s32 $0x4000, s2  }
0x7: {  	s9 =	simm.s32 $0x0;
	s10 =	simm.s32 $0x0;
	s31 =	sand.u32 $0xF80, s3  }
0x8: {  	s11 =	simm.s32 $0x0;
	s1 =	rddreg [dreg:$0x1];
	p0 =	sne.s32 s31, $0x0  }
.Ltmp0:
0x9: {  	s5 =	sshrl.u32 s3, $0xC;
	s4 =	simm.s32 @!p0 $0x0;
	(pc) =	sbr.rel .LBB1_1-.Ltmp0, $4  }
0xa: {  	_ =	strace $0x8000004A;
	s3 =	simm.s32 $0x1;
	s4 =	sadd.s32 s4, s5  }
0xb: {  	s13 =	simm.s32 $0x0;
	[sflag:s3] =	ssyncpa.u1 $0x0;
	s4 =	smul.u32 $0x7, s4  }
0xc: {  	s12 =	smov.u32 s2;
	[sflag:s7] =	ssyncpa.u1 $0x0;
	p0 =	por $0x0, $0x0  }
0xd: {  	s5 =	sadd.s32 $0x800, s6;
	s6 =	sadd.s32 $0x1C0800, s6;
	s7 =	sadd.s32 $0x1, s4  }
.LBB1_4:
0xe: {  	s20 =	sshra.s32 s20, $0x2  }
0xf: {  	s28 =	sand.u32 $0x78, s10;
	s21 =	sshll.u32 s9, $0xE;
	s22 =	sshll.u32 s10, $0x3  }
0x10: {  	s24 =	sshll.u32 s9, $0x7;
	p1 =	sgt.s32 s9, $0x2A0;
	s30 =	sshra.s32 s9, $0x1F  }
0x11: {  	s26 =	sshra.s32 s10, $0x1F;
	s19 =	sadd.s32 s20, s19;
	s21 =	sand.u32 $0xFFFE0000, s21  }
0x12: {  	v5 =	vld [tilespmem:s17+$0xFFFFFFD0];
	[tilespmem:s18+$0x2040 ss:$0x81] =	vst.msk $0xffff, v4;
	s23 =	sand.u32 $0xFFFFFC00, s22;
	s29 =	sand.u32 $0x380, s24;
	s22 =	sand.u32 $0x3C00, s22  }
0x13: {  	v58 =	vld [tilespmem:s17+$0xFFFFFFE0];
	[tilespmem:s18+$0x2850 ss:$0x81] =	vst.msk $0xffff, v3;
	s21 =	sadd.s32 s23, s21;
	s20 =	sor.u32 s28, s22;
	s22 =	smov.u32 s9  }
0x14: {  	v59 =	vld [tilespmem:s17+$0xFFFFFFF0];
	[tilespmem:s18+$0x3060 ss:$0x81] =	vst.msk $0xffff, v2;
	s24 =	sand.u32 s30, s9;
	s21 =	sshrl.u32 s21, $0xE;
	s22 =	simm.s32 @!p1 $0x2A0  }
0x15: {  	v60 =	vld [tilespmem:s17+$0x0];
	[tilespmem:s18+$0x0 ss:$0x81] =	vst.msk $0xffff, v1;
	p1 =	sgt.s32 s10, $0x3F80;
	s31 =	ssub.s32 s22, s24;
	s22 =	smov.u32 s10  }
0x16: {  	v61 =	vld [tilespmem:s17+$0x10];
	[tilespmem:s19+$0x3870 ss:$0x81] =	vst.msk $0xffff, v0;
	s25 =	smulhi.u32 $0x51EB86, s21;
	s24 =	sand.u32 s26, s10;
	s22 =	simm.s32 @!p1 $0x3F80  }
0x17: {  	v62 =	vld [tilespmem:s17+$0x20];
	s20 =	sor.u32 s29, s20;
	[tilespmem:s19+$0x810 ss:$0x81] =	vst.msk $0xffff, v5;
	s27 =	sadd.s32 $0xFFFFFD60, s31;
	s22 =	ssub.s32 s22, s24  }
0x18: {  	v63 =	vld [tilespmem:s17+$0xFFFFFFC0];
	[tilespmem:s19+$0x1020 ss:$0x81] =	vst.msk $0xffff, v58;
	s18 =	ssub.s32 $0x320, s31;
	s28 =	smul.u32 $0x320, s25;
	s29 =	sadd.s32 $0xFFFFC080, s22  }
0x19: {  	[tilespmem:s19+$0x1830 ss:$0x81] =	vst.msk $0xffff, v59;
	p1 =	sgt.s32 s27, $0x7F;
	s22 =	ssub.s32 $0x4000, s22;
	p2 =	sgt.s32 s29, $0x7F  }
0x1a: {  	s30 =	sand.u32 $0x7, s10;
	[tilespmem:s19+$0x2040 ss:$0x81] =	vst.msk $0xffff, v60;
	s18 =	simm.s32 @p1 $0x0;
	s22 =	simm.s32 @p2 $0x0  }
0x1b: {  	s20 =	sshrl.u32 s20, $0x3;
	[tilespmem:s19+$0x2850 ss:$0x81] =	vst.msk $0xffff, v61;
	s17 =	ssub.s32 s21, s28;
	s18 =	smul.u32 s22, s18  }
0x1c: {  	[tilespmem:s19+$0x3060 ss:$0x81] =	vst.msk $0xffff, v62;
	s20 =	sadd.s32 s6, s20;
	s21 =	sshll.u32 s30, $0x12;
	s17 =	sshll.u32 s17, $0xB  }
0x1d: {  	[tilespmem:s19+$0x0 ss:$0x81] =	vst.msk $0xffff, v63;
	s31 =	sor.u32 $0x400, s21;
	s17 =	sadd.s32 s17, s20;
	s18 =	sand.u32 $0x3FFFFFFF, s18  }
0x1e: {  	[hbm4b:s17+s31] =	stream.strided.scatter [tilespmem:s16], [sflag:$0x2], s18, s8, s31, $0x20;
	[tilespmem:$0x10100] =	vst v63  }
.LBB1_5:
0x1f: {  	p1 =	slt.u32 s13, $0x2  }
0x20: {  	s17 =	smov.u32 s15;
	p2 =	sgt.s32 @!p1 s15, $0x2A0;
	s16 =	sshra.s32 @!p1 s15, $0x1F  }
0x21: {  	p3 =	sgt.s32 @!p1 s14, $0x3F80;
	s18 =	sshra.s32 @!p1 s14, $0x1F;
	p2 =	por !p2, p1  }
0x22: {  	s15 =	sand.u32 @!p1 s16, s15;
	p3 =	por !p3, p1;
	s16 =	smov.u32 s14  }
0x23: {  	s14 =	sand.u32 @!p1 s18, s14;
	s17 =	simm.s32 @p2 $0x2A0;
	s16 =	simm.s32 @p3 $0x3F80  }
0x24: {  	s15 =	ssub.s32 @!p1 s17, s15;
	s14 =	ssub.s32 @!p1 s16, s14  }
0x25: {  	s18 =	smov.u32 s12;
	s16 =	sadd.s32 @!p1 $0xFFFFFD60, s15;
	s17 =	sadd.s32 @!p1 $0xFFFFC080, s14  }
0x26: {  	s15 =	ssub.s32 @!p1 $0x320, s15;
	p2 =	sgt.s32 @!p1 s16, $0x7F;
	p3 =	sgt.s32 @!p1 s17, $0x7F  }
0x27: {  	s14 =	ssub.s32 @!p1 $0x4000, s14;
	p2 =	por !p2, p1;
	p3 =	por !p3, p1  }
0x28: {  	s16 =	sadd.s32 $0x80, s11;
	s15 =	simm.s32 @!p2 $0x0;
	s14 =	simm.s32 @!p3 $0x0  }
0x29: {  	p2 =	sgt.s32 s16, $0x31F;
	s14 =	smul.u32 @!p1 s14, s15;
	s15 =	sadd.s32 $0x1000, s12  }
0x2a: {  	s18 =	smov.u32 @p2 s15  }
0x2b: {  	s16 =	simm.s32 @p2 $0x0;
	p2 =	sgt.s32 s18, $0x3FFF  }
0x2c: {  	s18 =	smov.u32 @p2 s2;
	p2 =	sne.s32 s13, s7  }
.Ltmp1:
0x2d: {  	p0 =	por !p0, !p0;
	s17 =	simm.s32 @!p1 $0x2;
	(pc) =	sbr.rel @!p2 .LBB1_6-.Ltmp1, $4  }
0x2e: {  	s15 =	smov.u32 s9;
	s9 =	smov.u32 s11;
	s14 =	sand.u32 @!p1 $0x3FFFFFFF, s14  }
0x2f: {  	s11 =	smov.u32 s16;
	_ =	swait.ge @!p1 [sflag:s17], s14;
	s19 =	ssub.s32 @!p1 $0x0, s14  }
0x30: {  	s14 =	smov.u32 s10;
	s13 =	sadd.s32 $0x1, s13;
	[sflag:s17] =	ssyncset.done @!p1 $0x0  }
0x31: {  	s10 =	smov.u32 s12;
	s12 =	smov.u32 s18;
	[sflag:s17] =	ssyncadd.s32 @!p1 s19  }
.LBB1_1:
0x32: {  	p1 =	sge.u32 s13, s4  }
0x33: {  	s16 =	sshrl.u32 @!p1 s12, $0x3  }
0x34: {  	s17 =	sshll.u32 @!p1 s11, $0x3;
	s16 =	smul.u32 @!p1 $0x1C00, s16  }
0x35: {  	s18 =	sshll.u32 @!p1 s12, $0x7;
	s17 =	sand.u32 @!p1 $0xFFFFFC00, s17  }
0x36: {  	s16 =	sadd.s32 @!p1 s16, s17;
	s17 =	sand.u32 @!p1 $0x380, s18  }
0x37: {  	s16 =	sor.u32 @!p1 s17, s16  }
0x38: {  	s17 =	sshrl.u32 @!p1 s16, $0x7  }
0x39: {  	s17 =	smulhi.u32 @!p1 $0x24924925, s17;
	_ =	sdelay $0x1  }
0x3a: {  	s18 =	sand.u32 @!p1 $0x7F, s11;
	s19 =	smul.u32 @!p1 $0x380, s17  }
0x3b: {  	s31 =	sadd.s32 $0xFFFFFFFF, s13;
	s16 =	sor.u32 @!p1 s18, s16;
	s18 =	sxor.u32 @!p1 $0xFFFFFFFF, s13  }
0x3c: {  	s18 =	sshll.u32 @!p1 s18, $0xE;
	s17 =	sand.u32 @!p1 $0x3FFF, s17;
	s16 =	ssub.s32 @!p1 s16, s19  }
0x3d: {  	s17 =	smul.u32 @!p1 $0x70, s17;
	s19 =	sshrl.u32 @!p1 s16, $0x3;
	s16 =	sand.u32 @!p1 $0x7, s16  }
0x3e: {  	s18 =	sand.u32 @!p1 $0x4000, s18;
	s19 =	sadd.s32 @!p1 s5, s19;
	s16 =	sshll.u32 @!p1 s16, $0x12  }
0x3f: {  	s17 =	sadd.s32 @!p1 s17, s19;
	s16 =	sor.u32 @!p1 $0x400, s16;
	s19 =	simm.s32 @!p1 $0x1C00  }
0x40: {  	[tilespmem:s18], [sflag:$0x1] =	stream.strided.gather @!p1 [hbm4b:s17+s16], $0x4000, s19, s16, $0x38;
	[tilespmem:$0x10100] =	vst v63  }
0x41: {  	p1 =	sge.u32 s31, s4  }
.Ltmp2:
0x42: {  	_ = 	snop;
	(pc) =	sbr.rel @p1 .LBB1_5-.Ltmp2, $1  }
0x43: {  	_ =	sdelay $0x3  }
0x44: {  	s16 =	simm.s32 $0x1  }
0x45: {  	_ =	swait.ge [sflag:s3], $0x4000;
	s16 =	simm.s32 @!p0 $0x0  }
0x46: {  	[sflag:s3] =	ssyncset.done $0x0;
	s17 =	sshll.u32 s16, $0xE  }
0x47: {  	[sflag:s3] =	ssyncadd.s32 $0xFFFFC000;
	s17 =	sor.u32 $0x40, s17  }
0x48: {  	s16 =	smul.u32 $0x10200, s16;
	v0 =	vld [tilespmem:s17+$0x30]  }
0x49: {  	v1 =	vld [tilespmem:s17+$0xFFFFFFD0]  }
0x4a: {  	s16 =	sshrl.u32 s16, $0x2;
	v5 =	vld [tilespmem:s17+$0xFFFFFFE0]  }
0x4b: {  	v6 =	vld [tilespmem:s17+$0xFFFFFFF0];
	s19 =	sor.u32 $0x8000, s16  }
0x4c: {  	s31 =	sand.u32 $0x1, s13;
	v4 =	vld [tilespmem:s17+$0x0];
	s18 =	sadd.s32 $0x0, s19  }
0x4d: {  	v3 =	vld [tilespmem:s17+$0x10];
	s16 =	smul.u32 $0x10200, s31;
	[tilespmem:s18+$0x3870 ss:$0x81] =	vst.msk $0xffff, v0  }
0x4e: {  	v2 =	vld [tilespmem:s17+$0x20];
	[tilespmem:s18+$0x810 ss:$0x81] =	vst.msk $0xffff, v1  }
0x4f: {  	s16 =	sshrl.u32 s16, $0x2;
	v1 =	vld [tilespmem:s17+$0xFFFFFFC0];
	[tilespmem:s18+$0x1020 ss:$0x81] =	vst.msk $0xffff, v5;
	s17 =	sadd.s32 $0x80, s17  }
0x50: {  	s20 =	simm.s32 $0x4;
	s21 =	simm.s32 $0x8;
	s16 =	sor.u32 $0x8000, s16;
	[tilespmem:s18+$0x1830 ss:$0x81] =	vst.msk $0xffff, v6;
	v0 =	vld [tilespmem:s17+$0x30]  }
.LBB1_3:
0x51: {  	p1 =	sne.s32 s21, $0x1FC;
	v5 =	vld [tilespmem:s17+$0xFFFFFFD0];
	[tilespmem:s18+$0x2040 ss:$0x81] =	vst.msk $0xffff, v4  }
0x52: {  	v6 =	vld [tilespmem:s17+$0xFFFFFFE0];
	[tilespmem:s18+$0x2850 ss:$0x81] =	vst.msk $0xffff, v3  }
0x53: {  	s22 =	sshra.s32 s20, $0x2;
	s20 =	smov.u32 s21;
	v7 =	vld [tilespmem:s17+$0xFFFFFFF0];
	[tilespmem:s18+$0x3060 ss:$0x81] =	vst.msk $0xffff, v2  }
.Ltmp3:
0x54: {  	v4 =	vld [tilespmem:s17+$0x0];
	[tilespmem:s18+$0x0 ss:$0x81] =	vst.msk $0xffff, v1;
	s18 =	sadd.s32 s22, s19;
	(pc) =	sbr.rel @p1 .LBB1_3-.Ltmp3, $4  }
0x55: {  	v3 =	vld [tilespmem:s17+$0x10];
	[tilespmem:s18+$0x3870 ss:$0x81] =	vst.msk $0xffff, v0  }
0x56: {  	[tilespmem:s18+$0x810 ss:$0x81] =	vst.msk $0xffff, v5;
	v2 =	vld [tilespmem:s17+$0x20]  }
0x57: {  	v1 =	vld [tilespmem:s17+$0xFFFFFFC0];
	[tilespmem:s18+$0x1020 ss:$0x81] =	vst.msk $0xffff, v6;
	s17 =	sadd.s32 $0x80, s17  }
0x58: {  	s21 =	sadd.s32 $0x4, s21;
	v0 =	vld [tilespmem:s17+$0x30];
	[tilespmem:s18+$0x1830 ss:$0x81] =	vst.msk $0xffff, v7  }
.Ltmp4:
0x59: {  	_ = 	snop;
	(pc) =	sbr.rel .LBB1_4-.Ltmp4, $1  }
0x5a: {  	_ =	sdelay $0x3  }
.LBB1_6:
0x5b: {  	_ =	sfence.sel $0x180000  }
0x5c: {  	s2 =	simm.s32 $0x1;
	[bflag:$0x0] =	sbarrier.arrive $0xFFFF  }
0x5d: {  	s31 =	simm.s32 $0x2;
	[sflag:s2] =	ssyncpa.u1 $0x1  }
0x5e: {  	[sflag:s31] =	ssyncpa.u1 $0x1  }
0x5f: {  	p0 =	sne.s32 s0, $0x0;
	_ =	strace $0x9000004A  }
0x60: {  	s0 =	sadd.s32 @!p0 $0x100000, s1;
	[bflag:$0x2] =	sbarrier.arrive $0xFFFF  }
0x61: {  	[sflag:s0] =	ssyncadd.tile.s32 @!p0 $0x1;
	_ =	shalt  }
.Lfunc_end1:
_tile_overlayer_lowered:
.L_overlay_start_2:
0x62: {  	(tag) =	ssettag $0x2  }
0x63: {  	s0 =	rddreg [dreg:$0x0];
	s2 =	stileid.u32  }
0x64: {  	s1 =	rddreg [dreg:$0x1];
	p0 =	sne.s32 s2, $0x0  }
0x65: {  	s3 =	rddreg [dreg:$0x2];
	[bflag:$0x3] =	sbarrier.arrive $0xFFFF;
	s2 =	simm.s32 @!p0 $0x1C01  }
0x66: {  	[timem:s3], [sflag:s2] =	dma.local @!p0 [hbm:s0], s1  }
0x67: {  	s0 =	simm.s32 @!p0 $0x1  }
0x68: {  	_ =	swait.ge @!p0 [sflag:s0], s1  }
0x69: {  	s1 =	ssub.s32 @!p0 $0x0, s1;
	[sflag:s0] =	ssyncset.done @!p0 $0x0  }
0x6a: {  	[sflag:s0] =	ssyncadd.s32 @!p0 s1  }
0x6b: {  	[bflag:$0x3] =	sbarrier.arrive $0xFFFF  }
0x6c: {  	_ =	shalt  }

</sc_bundles>
